<compile_context>
chip_gen: v7x
topology: tpu7x:2x2x1
jax: 0.10.2.dev20260603
libtpu: 0.0.44.dev20260713+nightly
codegen_flags: <defaults>
</compile_context>

<pallas_src>
import functools

import jax
import jax.numpy as jnp
from jax import lax
from jax.experimental import pallas as pl
from jax.experimental.pallas import tpu as pltpu
from jax.experimental.pallas import tpu_sc as plsc

_N = 10000
_E = 320000
_R = 8
_D = 128

_NC, _NS, _L = 2, 16, 16
_NW = _NC * _NS
_EPW = _E // _NW
_CH = 2000
_SUB = 80
_NSUB = _CH // _SUB
_NCH = _EPW // _CH
_CHM = 4000
_NSUBM = _CHM // _SUB
_NCHM = 20000 // _CHM
_ROWS = (_N * _R) // _D
_ROWS = 640
_NRP = _ROWS * _D
_RPT = _ROWS // _NS
_NPT = 640
_NA = _NS * _NPT
_EPT = _E // _NS
_NCHT = _EPT // _CH
_RNG = 1792
_NPASS = 3
_NA2 = _RNG * _NC * _NPASS
_TR = _RNG
_DPT = _RNG // _NS


def _sc_mesh():
    return plsc.VectorSubcoreMesh(
        core_axis_name="c", subcore_axis_name="s",
        num_cores=_NC, num_subcores=_NS)


def _tc_transform(x, weight, root, bias2d):
    bn = 1000

    def body(x_ref, w_ref, r_ref, b_ref, z_ref, base_ref):
        xb = x_ref[...]
        for r in range(_R):
            z_ref[:, r, :] = jnp.dot(xb, w_ref[r],
                                     preferred_element_type=jnp.float32)
        base_ref[...] = (jnp.dot(xb, r_ref[...],
                                 preferred_element_type=jnp.float32)
                         + b_ref[0, :])

    return pl.pallas_call(
        body,
        grid=(_N // bn,),
        in_specs=[
            pl.BlockSpec((bn, _D), lambda i: (i, 0)),
            pl.BlockSpec((_R, _D, _D), lambda i: (0, 0, 0)),
            pl.BlockSpec((_D, _D), lambda i: (0, 0)),
            pl.BlockSpec((1, _D), lambda i: (0, 0)),
        ],
        out_specs=[
            pl.BlockSpec((bn, _R, _D), lambda i: (i, 0, 0)),
            pl.BlockSpec((bn, _D), lambda i: (i, 0)),
        ],
        out_shape=[
            jax.ShapeDtypeStruct((_N, _R, _D), jnp.float32),
            jax.ShapeDtypeStruct((_N, _D), jnp.float32),
        ],
    )(x, weight, root, bias2d)


_SPT = _NRP // _NS


def _sc_counts(dst, rel):
    @functools.partial(
        pl.kernel,
        out_type=jax.ShapeDtypeStruct((_NW, _NRP), jnp.float32),
        mesh=_sc_mesh(),
        compiler_params=pltpu.CompilerParams(needs_layout_passes=False),
        scratch_types=[
            pltpu.VMEM((_NRP,), jnp.float32),
            pltpu.VMEM((_CH,), jnp.int32),
            pltpu.VMEM((_CH,), jnp.int32),
        ],
    )
    def k(dst_h, rel_h, out_h, hist, dbuf, rbuf):
        cid = lax.axis_index("c")
        tid = lax.axis_index("s")
        wid = tid * _NC + cid

        @pl.loop(0, _NRP // _L)
        def _zero(t):
            hist[pl.ds(t * _L, _L)] = jnp.zeros((_L,), jnp.float32)

        ones = jnp.ones((_L,), jnp.float32)

        @pl.loop(0, _NCH)
        def _edges(c):
            e0 = wid * _EPW + c * _CH
            pltpu.sync_copy(dst_h.at[pl.ds(e0, _CH)], dbuf)
            pltpu.sync_copy(rel_h.at[pl.ds(e0, _CH)], rbuf)

            @pl.loop(0, _CH // _L)
            def _hist16(t):
                d16 = dbuf[pl.ds(t * _L, _L)]
                r16 = rbuf[pl.ds(t * _L, _L)]
                plsc.addupdate_scatter(hist, [d16 * _R + r16], ones)

        pltpu.sync_copy(hist, out_h.at[wid])

    return k(dst, rel)


def _tc_invc(counts):
    c2 = counts.reshape(_NW, _ROWS, _D)
    bn = 64

    def body(c_ref, o_ref):
        o_ref[...] = 1.0 / jnp.maximum(jnp.sum(c_ref[...], axis=0), 1.0)

    return pl.pallas_call(
        body,
        grid=(_ROWS // bn,),
        in_specs=[pl.BlockSpec((_NW, bn, _D), lambda i: (0, i, 0))],
        out_specs=pl.BlockSpec((bn, _D), lambda i: (i, 0)),
        out_shape=jax.ShapeDtypeStruct((_ROWS, _D), jnp.float32),
    )(c2)


def _sc_main(src, dst, rel, z, invc_tab, zeros_rows):
    @functools.partial(
        pl.kernel,
        out_type=jax.ShapeDtypeStruct((_NA2, _D), jnp.float32),
        mesh=_sc_mesh(),
        compiler_params=pltpu.CompilerParams(needs_layout_passes=False),
        scratch_types=[
            pltpu.VMEM((_NRP,), jnp.float32),
            pltpu.VMEM((_CHM,), jnp.int32),
            pltpu.VMEM((_CHM,), jnp.int32),
            pltpu.VMEM((_CHM,), jnp.int32),
            pltpu.VMEM((1, _SUB), jnp.int32),
            pltpu.VMEM((1, _SUB), jnp.int32),
            pltpu.VMEM((1, _SUB), jnp.int32),
            pltpu.VMEM((1, _SUB), jnp.int32),
            pltpu.VMEM((_SUB,), jnp.float32),
            pltpu.VMEM((_SUB,), jnp.float32),
            pltpu.VMEM((_SUB, _D), jnp.float32),
            pltpu.VMEM((_SUB, _D), jnp.float32),
            pltpu.VMEM_SHARED((_RNG + 8, _D), jnp.float32),
            pltpu.SemaphoreType.DMA,
            pltpu.SemaphoreType.DMA,
            pltpu.SemaphoreType.DMA,
            pltpu.SemaphoreType.DMA,
        ],
    )
    def k(src_h, dst_h, rel_h, z_h, invc_h, zer_h, out_h,
          invc, sbuf, dbuf, rbuf, lin0, lin1, di0, di1, w0, w1,
          rows0, rows1, acc_sp, sem0, sem1, sem2, sem3):
        cid = lax.axis_index("c")
        tid = lax.axis_index("s")

        @pl.loop(0, _NRP // 8192)
        def _ld(b):
            pltpu.sync_copy(invc_h.at[pl.ds(b * 8192, 8192)],
                            invc.at[pl.ds(b * 8192, 8192)])

        n0 = tid * _DPT

        def build_idx(sub, base_row, lin, di, w):
            for i in range(_SUB // _L):
                off = sub * _SUB + i * _L
                s16 = sbuf[pl.ds(off, _L)]
                d16 = dbuf[pl.ds(off, _L)]
                r16 = rbuf[pl.ds(off, _L)]
                seg = d16 * _R + r16
                local = d16 - base_row
                owned = (local >= 0) & (local < _RNG)
                lin[0, pl.ds(i * _L, _L)] = s16 * _R + r16
                di[0, pl.ds(i * _L, _L)] = jnp.where(owned, local, _TR)
                w[pl.ds(i * _L, _L)] = plsc.load_gather(invc, [seg])

        def scale(rows, w):
            @pl.loop(0, _SUB, unroll=4)
            def _scale(j):
                wv = plsc.load_gather(w, [jnp.zeros((_L,), jnp.int32) + j])
                for v in range(_D // _L):
                    sl = pl.ds(v * _L, _L)
                    rows[j, sl] = rows[j, sl] * wv

        def wait_gather(rows, sem):
            pltpu.make_async_copy(z_h.at[pl.ds(0, _SUB)], rows, sem).wait()

        def wait_scatter(rows, sem):
            pltpu.make_async_copy(rows, acc_sp.at[pl.ds(0, _SUB)],
                                  sem).wait()

        @pl.loop(0, _NPASS)
        def _pass(p):
            base_row = (cid * _NPASS + p) * _RNG

            pltpu.sync_copy(zer_h, acc_sp.at[pl.ds(n0, _DPT)])

            @pl.when(tid == _NS - 1)
            def _ztr():
                pltpu.sync_copy(zer_h.at[pl.ds(0, 8)],
                                acc_sp.at[pl.ds(_TR, 8)])

            plsc.subcore_barrier()

            @pl.loop(0, _NCHM)
            def _edges(c):
                e0 = tid * _EPT + c * _CHM
                pltpu.sync_copy(src_h.at[pl.ds(e0, _CHM)], sbuf)
                pltpu.sync_copy(dst_h.at[pl.ds(e0, _CHM)], dbuf)
                pltpu.sync_copy(rel_h.at[pl.ds(e0, _CHM)], rbuf)

                build_idx(0, base_row, lin0, di0, w0)
                pltpu.async_copy(z_h.at[lin0.at[0]], rows0, sem0)

                @pl.loop(0, _NSUBM // 2)
                def _pair(kk):
                    @pl.when(kk > 0)
                    def _ws1():
                        wait_scatter(rows1, sem3)

                    build_idx(2 * kk + 1, base_row, lin1, di1, w1)
                    pltpu.async_copy(z_h.at[lin1.at[0]], rows1, sem1)
                    wait_gather(rows0, sem0)
                    scale(rows0, w0)
                    pltpu.async_copy(rows0, acc_sp.at[di0.at[0]], sem2,
                                     add=True)
                    wait_gather(rows1, sem1)
                    scale(rows1, w1)
                    pltpu.async_copy(rows1, acc_sp.at[di1.at[0]], sem3,
                                     add=True)

                    @pl.when(kk + 1 < _NSUBM // 2)
                    def _nxt():
                        wait_scatter(rows0, sem2)
                        build_idx(2 * kk + 2, base_row, lin0, di0, w0)
                        pltpu.async_copy(z_h.at[lin0.at[0]], rows0, sem0)

                wait_scatter(rows0, sem2)
                wait_scatter(rows1, sem3)

            plsc.subcore_barrier()

            pltpu.sync_copy(acc_sp.at[pl.ds(n0, _DPT)],
                            out_h.at[pl.ds(base_row + n0, _DPT)])
            plsc.subcore_barrier()

    return k(src, dst, rel, z, invc_tab, zeros_rows)


def _tc_final(acc, base):
    bn = 1000

    def body(a_ref, b_ref, o_ref):
        o_ref[...] = jnp.maximum(a_ref[...] + b_ref[...], 0.0)

    return pl.pallas_call(
        body,
        grid=(_N // bn,),
        in_specs=[
            pl.BlockSpec((bn, _D), lambda i: (i, 0)),
            pl.BlockSpec((bn, _D), lambda i: (i, 0)),
        ],
        out_specs=pl.BlockSpec((bn, _D), lambda i: (i, 0)),
        out_shape=jax.ShapeDtypeStruct((_N, _D), jnp.float32),
    )(acc, base)


def kernel(x, edge_index, edge_type, weight, root, bias):
    src = edge_index[0]
    dst = edge_index[1]
    zeros_rows = jnp.zeros((_DPT, _D), jnp.float32)
    z, base = _tc_transform(x, weight, root, bias.reshape(1, _D))
    counts = _sc_counts(dst, edge_type)
    invc_tab = _tc_invc(counts).reshape(_NRP)
    acc = _sc_main(src, dst, edge_type, z.reshape(_N * _R, _D),
                   invc_tab, zeros_rows)
    return _tc_final(acc, base)

# --- scband reference (transcript-rebuilt; emitter-appended) ---
"""Pipeline reference for scband-rgcn-24026047054218 (READ-ONLY COPY).

The authoritative reference and input builder live on the scoring server;
editing this copy changes nothing except your own understanding.
"""

import jax, jax.numpy as jnp
import numpy as np

N = 10000
E = 320000
R = 8
D_IN = 128
D_OUT = 128


def setup_inputs(seed: int = 0) -> dict:
    key = jax.random.key(seed)
    k1, k2, k3, k4, k5 = jax.random.split(key, 5)
    x = jax.random.normal(k1, (N, D_IN), dtype=jnp.float32)
    edge_index = jax.random.randint(k2, (2, E), 0, N, dtype=jnp.int32)
    edge_type = jax.random.randint(k3, (E,), 0, R, dtype=jnp.int32)
    # RGCNConv parameters: per-relation weight, root (self-loop) weight, bias
    weight = jax.random.normal(k4, (R, D_IN, D_OUT), dtype=jnp.float32) * 0.05
    root = jax.random.normal(k5, (D_IN, D_OUT), dtype=jnp.float32) * 0.05
    bias = jnp.zeros((D_OUT,), dtype=jnp.float32)
    return {"x": x, "edge_index": edge_index, "edge_type": edge_type,
            "weight": weight, "root": root, "bias": bias}


def reference(x, edge_index, edge_type, weight, root, bias):
    # PyG RGCNConv (no bases/blocks), aggr='mean':
    #   out_i = x_i @ root + bias + sum_r mean_{j in N_r(i)} x_j @ W_r
    src = edge_index[0]
    dst = edge_index[1]
    # combine destination node and relation into a single segment id
    seg = dst * R + edge_type
    msgs = jnp.take(x, src, axis=0)                       # gather [E, D_IN]
    sums = jax.ops.segment_sum(msgs, seg, num_segments=N * R)
    counts = jax.ops.segment_sum(jnp.ones((E,), jnp.float32), seg,
                                 num_segments=N * R)
    mean = sums / jnp.maximum(counts, 1.0)[:, None]       # [N*R, D_IN]
    mean = mean.reshape(N, R, D_IN)
    out = jnp.einsum('nri,rio->no', mean, weight)
    out = out + x @ root + bias
    # post_layer: act='relu', norm=None
    return jax.nn.relu(out)

if __name__ == "__main__":
    import jax
    _d = setup_inputs()
    print(jax.jit(kernel)(*tuple(_d.values())))

</pallas_src>

<mosaic_0001>
#map = affine_map<(d0, d1) -> (0)>
#map1 = affine_map<(d0, d1) -> (0, 0)>
module attributes {stable_mosaic.version = 14 : i64} {
  func.func @k(%arg0: i32, %arg1: i32, %arg2: memref<320000xi32, #tpu.memory_space<hbm>>, %arg3: memref<320000xi32, #tpu.memory_space<hbm>>, %arg4: memref<32x81920xf32, #tpu.memory_space<hbm>>, %arg5: memref<81920xf32, #tpu.memory_space<vmem>>, %arg6: memref<2000xi32, #tpu.memory_space<vmem>>, %arg7: memref<2000xi32, #tpu.memory_space<vmem>>) attributes {dimension_semantics = [#tpu.dimension_semantics<core_parallel>, #tpu.dimension_semantics<subcore_parallel>], iteration_bounds = array<i64: 2, 16>, scalar_prefetch = 0 : i64, scratch_operands = 3 : i64, tpu.core_type = #tpu.core_type<sc_vector_subcore>, window_params = [{transform_indices = #map}, {transform_indices = #map}, {transform_indices = #map1}]} {
    %mul3A = arith.constant 2 : i32
    %mul3A_0 = arith.muli %arg1, %mul3A : i32
    %add3A = arith.addi %mul3A_0, %arg0 : i32
    %scan3A = arith.constant 0 : i32
    %scan3A_1 = arith.constant 5120 : i32
    %scan3A_2 = arith.addi %scan3A, %scan3A_1 : i32
    %scan3A_3 = arith.constant 1 : i32
    scf.for %scan3A_11 = %scan3A to %scan3A_2 step %scan3A_3  : i32 {
      %mul3A_12 = arith.constant 1 : i32
      %mul3A_13 = arith.muli %scan3A_11, %mul3A_12 : i32
      %add3A_14 = arith.constant 0 : i32
      %add3A_15 = arith.addi %add3A_14, %mul3A_13 : i32
      %broadcast_in_dim3A_16 = arith.constant 0.000000e+00 : f32
      %broadcast_in_dim3A_17 = vector.broadcast %broadcast_in_dim3A_16 : f32 to vector<16xf32>
      %mul3A_18 = arith.constant 16 : i32
      %mul3A_19 = arith.muli %add3A_15, %mul3A_18 : i32
      %swap3A = arith.index_cast %mul3A_19 : i32 to index
      %swap3A_20 = tpu.vector_load %arg5[%swap3A] {strides = array<i32>} : memref<81920xf32, #tpu.memory_space<vmem>>, vector<16xf32>,
      tpu.vector_store %arg5[%swap3A], %broadcast_in_dim3A_17 {strides = array<i32>} : memref<81920xf32, #tpu.memory_space<vmem>>, vector<16xf32>,
    }
    %scan3A_4 = arith.constant 5120 : i32
    %broadcast_in_dim3A = arith.constant 1.000000e+00 : f32
    %broadcast_in_dim3A_5 = vector.broadcast %broadcast_in_dim3A : f32 to vector<16xf32>
    %scan3A_6 = arith.constant 0 : i32
    %scan3A_7 = arith.constant 5 : i32
    %scan3A_8 = arith.addi %scan3A_6, %scan3A_7 : i32
    %scan3A_9 = arith.constant 1 : i32
    scf.for %scan3A_11 = %scan3A_6 to %scan3A_8 step %scan3A_9  : i32 {
      %mul3A_12 = arith.constant 1 : i32
      %mul3A_13 = arith.muli %scan3A_11, %mul3A_12 : i32
      %add3A_14 = arith.constant 0 : i32
      %add3A_15 = arith.addi %add3A_14, %mul3A_13 : i32
      %mul3A_16 = arith.constant 10000 : i32
      %mul3A_17 = arith.muli %add3A, %mul3A_16 : i32
      %mul3A_18 = arith.constant 2000 : i32
      %mul3A_19 = arith.muli %add3A_15, %mul3A_18 : i32
      %add3A_20 = arith.addi %mul3A_17, %mul3A_19 : i32
      "tpu.region"() ({
        %run_scoped3A = tpu.sem_alloc : memref<!tpu.dma_semaphore, #tpu.memory_space<semaphore_mem>>
        %dma_start3A = tpu.memref_slice %arg2[%add3A_20] : memref<320000xi32, #tpu.memory_space<hbm>> -> memref<2000xi32, #tpu.memory_space<hbm>>
        %dma_start3A_26 = tpu.memref_slice %arg2[%add3A_20] : memref<320000xi32, #tpu.memory_space<hbm>> -> memref<2000xi32, #tpu.memory_space<hbm>>
        tpu.enqueue_dma source(%dma_start3A_26 : memref<2000xi32, #tpu.memory_space<hbm>>) target(%arg6 : memref<2000xi32, #tpu.memory_space<vmem>>) target_semaphore(%run_scoped3A : memref<!tpu.dma_semaphore, #tpu.memory_space<semaphore_mem>>)
        %dma_wait3A = tpu.memref_slice %arg2[%add3A_20] : memref<320000xi32, #tpu.memory_space<hbm>> -> memref<2000xi32, #tpu.memory_space<hbm>>
        %dma_wait3A_27 = tpu.memref_slice %arg2[%add3A_20] : memref<320000xi32, #tpu.memory_space<hbm>> -> memref<2000xi32, #tpu.memory_space<hbm>>
        tpu.wait_dma2 semaphore(%run_scoped3A : memref<!tpu.dma_semaphore, #tpu.memory_space<semaphore_mem>>) src(%dma_wait3A_27 : memref<2000xi32, #tpu.memory_space<hbm>>) dst(%arg6 : memref<2000xi32, #tpu.memory_space<vmem>>)
        tpu.yield
      }) : () -> ()
      "tpu.region"() ({
        %run_scoped3A = tpu.sem_alloc : memref<!tpu.dma_semaphore, #tpu.memory_space<semaphore_mem>>
        %dma_start3A = tpu.memref_slice %arg3[%add3A_20] : memref<320000xi32, #tpu.memory_space<hbm>> -> memref<2000xi32, #tpu.memory_space<hbm>>
        %dma_start3A_26 = tpu.memref_slice %arg3[%add3A_20] : memref<320000xi32, #tpu.memory_space<hbm>> -> memref<2000xi32, #tpu.memory_space<hbm>>
        tpu.enqueue_dma source(%dma_start3A_26 : memref<2000xi32, #tpu.memory_space<hbm>>) target(%arg7 : memref<2000xi32, #tpu.memory_space<vmem>>) target_semaphore(%run_scoped3A : memref<!tpu.dma_semaphore, #tpu.memory_space<semaphore_mem>>)
        %dma_wait3A = tpu.memref_slice %arg3[%add3A_20] : memref<320000xi32, #tpu.memory_space<hbm>> -> memref<2000xi32, #tpu.memory_space<hbm>>
        %dma_wait3A_27 = tpu.memref_slice %arg3[%add3A_20] : memref<320000xi32, #tpu.memory_space<hbm>> -> memref<2000xi32, #tpu.memory_space<hbm>>
        tpu.wait_dma2 semaphore(%run_scoped3A : memref<!tpu.dma_semaphore, #tpu.memory_space<semaphore_mem>>) src(%dma_wait3A_27 : memref<2000xi32, #tpu.memory_space<hbm>>) dst(%arg7 : memref<2000xi32, #tpu.memory_space<vmem>>)
        tpu.yield
      }) : () -> ()
      %scan3A_21 = arith.constant 0 : i32
      %scan3A_22 = arith.constant 125 : i32
      %scan3A_23 = arith.addi %scan3A_21, %scan3A_22 : i32
      %scan3A_24 = arith.constant 1 : i32
      scf.for %scan3A_26 = %scan3A_21 to %scan3A_23 step %scan3A_24  : i32 {
        %mul3A_27 = arith.constant 1 : i32
        %mul3A_28 = arith.muli %scan3A_26, %mul3A_27 : i32
        %add3A_29 = arith.constant 0 : i32
        %add3A_30 = arith.addi %add3A_29, %mul3A_28 : i32
        %mul3A_31 = arith.constant 16 : i32
        %mul3A_32 = arith.muli %add3A_30, %mul3A_31 : i32
        %get3A = arith.index_cast %mul3A_32 : i32 to index
        %get3A_33 = tpu.vector_load %arg6[%get3A] {strides = array<i32>} : memref<2000xi32, #tpu.memory_space<vmem>>, vector<16xi32>,
        %mul3A_34 = arith.constant 16 : i32
        %mul3A_35 = arith.muli %add3A_30, %mul3A_34 : i32
        %get3A_36 = arith.index_cast %mul3A_35 : i32 to index
        %get3A_37 = tpu.vector_load %arg7[%get3A_36] {strides = array<i32>} : memref<2000xi32, #tpu.memory_space<vmem>>, vector<16xi32>,
        %mul3A_38 = arith.constant 8 : i32
        %mul3A_39 = vector.broadcast %mul3A_38 : i32 to vector<16xi32>
        %mul3A_40 = arith.muli %get3A_33, %mul3A_39 : vector<16xi32>
        %add3A_41 = arith.addi %mul3A_40, %get3A_37 : vector<16xi32>
        tpu.vector_store_idx %arg5[%add3A_41], %broadcast_in_dim3A_5 {add = true} : memref<81920xf32, #tpu.memory_space<vmem>>[vector<16xi32>], vector<16xf32>,
      }
      %scan3A_25 = arith.constant 125 : i32
    }
    %scan3A_10 = arith.constant 5 : i32
    "tpu.region"() ({
      %run_scoped3A = tpu.sem_alloc : memref<!tpu.dma_semaphore, #tpu.memory_space<semaphore_mem>>
      %dma_start3A = arith.constant 0 : i32
      %dma_start3A_11 = tpu.memref_slice %arg4[%add3A, %dma_start3A] : memref<32x81920xf32, #tpu.memory_space<hbm>> -> memref<1x81920xf32, #tpu.memory_space<hbm>>
      %dma_start3A_12 = tpu.memref_squeeze %dma_start3A_11 : memref<1x81920xf32, #tpu.memory_space<hbm>> -> memref<81920xf32, #tpu.memory_space<hbm>>
      %dma_start3A_13 = arith.constant 0 : i32
      %dma_start3A_14 = tpu.memref_slice %arg4[%add3A, %dma_start3A_13] : memref<32x81920xf32, #tpu.memory_space<hbm>> -> memref<1x81920xf32, #tpu.memory_space<hbm>>
      %dma_start3A_15 = tpu.memref_squeeze %dma_start3A_14 : memref<1x81920xf32, #tpu.memory_space<hbm>> -> memref<81920xf32, #tpu.memory_space<hbm>>
      tpu.enqueue_dma source(%arg5 : memref<81920xf32, #tpu.memory_space<vmem>>) target(%dma_start3A_15 : memref<81920xf32, #tpu.memory_space<hbm>>) target_semaphore(%run_scoped3A : memref<!tpu.dma_semaphore, #tpu.memory_space<semaphore_mem>>)
      %dma_wait3A = arith.constant 0 : i32
      %dma_wait3A_16 = tpu.memref_slice %arg4[%add3A, %dma_wait3A] : memref<32x81920xf32, #tpu.memory_space<hbm>> -> memref<1x81920xf32, #tpu.memory_space<hbm>>
      %dma_wait3A_17 = tpu.memref_squeeze %dma_wait3A_16 : memref<1x81920xf32, #tpu.memory_space<hbm>> -> memref<81920xf32, #tpu.memory_space<hbm>>
      %dma_wait3A_18 = arith.constant 0 : i32
      %dma_wait3A_19 = tpu.memref_slice %arg4[%add3A, %dma_wait3A_18] : memref<32x81920xf32, #tpu.memory_space<hbm>> -> memref<1x81920xf32, #tpu.memory_space<hbm>>
      %dma_wait3A_20 = tpu.memref_squeeze %dma_wait3A_19 : memref<1x81920xf32, #tpu.memory_space<hbm>> -> memref<81920xf32, #tpu.memory_space<hbm>>
      tpu.wait_dma2 semaphore(%run_scoped3A : memref<!tpu.dma_semaphore, #tpu.memory_space<semaphore_mem>>) src(%arg5 : memref<81920xf32, #tpu.memory_space<vmem>>) dst(%dma_wait3A_20 : memref<81920xf32, #tpu.memory_space<hbm>>)
      tpu.yield
    }) : () -> ()
    return
  }
}

#map = affine_map<(d0, d1) -> (0)>
#map1 = affine_map<(d0, d1) -> (0, 0)>
module attributes {stable_mosaic.version = 14 : i64} {
  func.func @k(%arg0: i32, %arg1: i32, %arg2: memref<320000xi32, #tpu.memory_space<hbm>>, %arg3: memref<320000xi32, #tpu.memory_space<hbm>>, %arg4: memref<320000xi32, #tpu.memory_space<hbm>>, %arg5: memref<80000x128xf32, #tpu.memory_space<hbm>>, %arg6: memref<81920xf32, #tpu.memory_space<hbm>>, %arg7: memref<112x128xf32, #tpu.memory_space<hbm>>, %arg8: memref<10752x128xf32, #tpu.memory_space<hbm>>, %arg9: memref<81920xf32, #tpu.memory_space<vmem>>, %arg10: memref<4000xi32, #tpu.memory_space<vmem>>, %arg11: memref<4000xi32, #tpu.memory_space<vmem>>, %arg12: memref<4000xi32, #tpu.memory_space<vmem>>, %arg13: memref<1x80xi32, #tpu.memory_space<vmem>>, %arg14: memref<1x80xi32, #tpu.memory_space<vmem>>, %arg15: memref<1x80xi32, #tpu.memory_space<vmem>>, %arg16: memref<1x80xi32, #tpu.memory_space<vmem>>, %arg17: memref<80xf32, #tpu.memory_space<vmem>>, %arg18: memref<80xf32, #tpu.memory_space<vmem>>, %arg19: memref<80x128xf32, #tpu.memory_space<vmem>>, %arg20: memref<80x128xf32, #tpu.memory_space<vmem>>, %arg21: memref<1800x128xf32, #tpu.memory_space<vmem_shared>>, %arg22: memref<!tpu.dma_semaphore, #tpu.memory_space<semaphore_mem>>, %arg23: memref<!tpu.dma_semaphore, #tpu.memory_space<semaphore_mem>>, %arg24: memref<!tpu.dma_semaphore, #tpu.memory_space<semaphore_mem>>, %arg25: memref<!tpu.dma_semaphore, #tpu.memory_space<semaphore_mem>>) attributes {dimension_semantics = [#tpu.dimension_semantics<core_parallel>, #tpu.dimension_semantics<subcore_parallel>], iteration_bounds = array<i64: 2, 16>, scalar_prefetch = 0 : i64, scratch_operands = 17 : i64, tpu.core_type = #tpu.core_type<sc_vector_subcore>, window_params = [{transform_indices = #map}, {transform_indices = #map}, {transform_indices = #map}, {transform_indices = #map1}, {transform_indices = #map}, {transform_indices = #map1}, {transform_indices = #map1}]} {
    %scan3A = arith.constant 0 : i32
    %scan3A_0 = arith.constant 10 : i32
    %scan3A_1 = arith.addi %scan3A, %scan3A_0 : i32
    %scan3A_2 = arith.constant 1 : i32
    scf.for %scan3A_10 = %scan3A to %scan3A_1 step %scan3A_2  : i32 {
      %mul3A_11 = arith.constant 1 : i32
      %mul3A_12 = arith.muli %scan3A_10, %mul3A_11 : i32
      %add3A = arith.constant 0 : i32
      %add3A_13 = arith.addi %add3A, %mul3A_12 : i32
      %mul3A_14 = arith.constant 8192 : i32
      %mul3A_15 = arith.muli %add3A_13, %mul3A_14 : i32
      %mul3A_16 = arith.constant 8192 : i32
      %mul3A_17 = arith.muli %add3A_13, %mul3A_16 : i32
      "tpu.region"() ({
        %run_scoped3A = tpu.sem_alloc : memref<!tpu.dma_semaphore, #tpu.memory_space<semaphore_mem>>
        %dma_start3A = tpu.memref_slice %arg9[%mul3A_17] : memref<81920xf32, #tpu.memory_space<vmem>> -> memref<8192xf32, #tpu.memory_space<vmem>>
        %dma_start3A_18 = tpu.memref_slice %arg6[%mul3A_15] : memref<81920xf32, #tpu.memory_space<hbm>> -> memref<8192xf32, #tpu.memory_space<hbm>>
        %dma_start3A_19 = tpu.memref_slice %arg9[%mul3A_17] : memref<81920xf32, #tpu.memory_space<vmem>> -> memref<8192xf32, #tpu.memory_space<vmem>>
        %dma_start3A_20 = tpu.memref_slice %arg6[%mul3A_15] : memref<81920xf32, #tpu.memory_space<hbm>> -> memref<8192xf32, #tpu.memory_space<hbm>>
        tpu.enqueue_dma source(%dma_start3A_20 : memref<8192xf32, #tpu.memory_space<hbm>>) target(%dma_start3A_19 : memref<8192xf32, #tpu.memory_space<vmem>>) target_semaphore(%run_scoped3A : memref<!tpu.dma_semaphore, #tpu.memory_space<semaphore_mem>>)
        %dma_wait3A = tpu.memref_slice %arg9[%mul3A_17] : memref<81920xf32, #tpu.memory_space<vmem>> -> memref<8192xf32, #tpu.memory_space<vmem>>
        %dma_wait3A_21 = tpu.memref_slice %arg6[%mul3A_15] : memref<81920xf32, #tpu.memory_space<hbm>> -> memref<8192xf32, #tpu.memory_space<hbm>>
        %dma_wait3A_22 = tpu.memref_slice %arg9[%mul3A_17] : memref<81920xf32, #tpu.memory_space<vmem>> -> memref<8192xf32, #tpu.memory_space<vmem>>
        %dma_wait3A_23 = tpu.memref_slice %arg6[%mul3A_15] : memref<81920xf32, #tpu.memory_space<hbm>> -> memref<8192xf32, #tpu.memory_space<hbm>>
        tpu.wait_dma2 semaphore(%run_scoped3A : memref<!tpu.dma_semaphore, #tpu.memory_space<semaphore_mem>>) src(%dma_wait3A_23 : memref<8192xf32, #tpu.memory_space<hbm>>) dst(%dma_wait3A_22 : memref<8192xf32, #tpu.memory_space<vmem>>)
        tpu.yield
      }) : () -> ()
    }
    %scan3A_3 = arith.constant 10 : i32
    %mul3A = arith.constant 112 : i32
    %mul3A_4 = arith.muli %arg1, %mul3A : i32
    %scan3A_5 = arith.constant 0 : i32
    %scan3A_6 = arith.constant 3 : i32
    %scan3A_7 = arith.addi %scan3A_5, %scan3A_6 : i32
    %scan3A_8 = arith.constant 1 : i32
    scf.for %scan3A_10 = %scan3A_5 to %scan3A_7 step %scan3A_8  : i32 {
      %mul3A_11 = arith.constant 1 : i32
      %mul3A_12 = arith.muli %scan3A_10, %mul3A_11 : i32
      %add3A = arith.constant 0 : i32
      %add3A_13 = arith.addi %add3A, %mul3A_12 : i32
      %mul3A_14 = arith.constant 3 : i32
      %mul3A_15 = arith.muli %arg0, %mul3A_14 : i32
      %add3A_16 = arith.addi %mul3A_15, %add3A_13 : i32
      %mul3A_17 = arith.constant 1792 : i32
      %mul3A_18 = arith.muli %add3A_16, %mul3A_17 : i32
      "tpu.region"() ({
        %run_scoped3A = tpu.sem_alloc : memref<!tpu.dma_semaphore, #tpu.memory_space<semaphore_mem>>
        %dma_start3A = arith.constant 0 : i32
        %dma_start3A_29 = tpu.memref_slice %arg21[%mul3A_4, %dma_start3A] : memref<1800x128xf32, #tpu.memory_space<vmem_shared>> -> memref<112x128xf32, #tpu.memory_space<vmem_shared>>
        tpu.enqueue_dma source(%arg7 : memref<112x128xf32, #tpu.memory_space<hbm>>) target(%dma_start3A_29 : memref<112x128xf32, #tpu.memory_space<vmem_shared>>) target_semaphore(%run_scoped3A : memref<!tpu.dma_semaphore, #tpu.memory_space<semaphore_mem>>)
        %dma_wait3A = arith.constant 0 : i32
        %dma_wait3A_30 = tpu.memref_slice %arg21[%mul3A_4, %dma_wait3A] : memref<1800x128xf32, #tpu.memory_space<vmem_shared>> -> memref<112x128xf32, #tpu.memory_space<vmem_shared>>
        tpu.wait_dma2 semaphore(%run_scoped3A : memref<!tpu.dma_semaphore, #tpu.memory_space<semaphore_mem>>) src(%arg7 : memref<112x128xf32, #tpu.memory_space<hbm>>) dst(%dma_wait3A_30 : memref<112x128xf32, #tpu.memory_space<vmem_shared>>)
        tpu.yield
      }) : () -> ()
      %eq3A = arith.constant 15 : i32
      %eq3A_19 = arith.cmpi eq, %arg1, %eq3A : i32
      %convert_element_type3A = arith.extui %eq3A_19 : i1 to i32
      %cond3A = arith.constant 0 : i32
      %cond3A_20 = arith.cmpi ne, %convert_element_type3A, %cond3A : i32
      scf.if %cond3A_20 {
        "tpu.region"() ({
          %run_scoped3A = tpu.sem_alloc : memref<!tpu.dma_semaphore, #tpu.memory_space<semaphore_mem>>
          %dma_start3A = arith.constant 1792 : i32
          %dma_start3A_29 = arith.constant 0 : i32
          %dma_start3A_30 = tpu.memref_slice %arg21[%dma_start3A, %dma_start3A_29] : memref<1800x128xf32, #tpu.memory_space<vmem_shared>> -> memref<8x128xf32, #tpu.memory_space<vmem_shared>>
          %dma_start3A_31 = arith.constant 0 : i32
          %dma_start3A_32 = arith.constant 0 : i32
          %dma_start3A_33 = tpu.memref_slice %arg7[%dma_start3A_31, %dma_start3A_32] : memref<112x128xf32, #tpu.memory_space<hbm>> -> memref<8x128xf32, #tpu.memory_space<hbm>>
          tpu.enqueue_dma source(%dma_start3A_33 : memref<8x128xf32, #tpu.memory_space<hbm>>) target(%dma_start3A_30 : memref<8x128xf32, #tpu.memory_space<vmem_shared>>) target_semaphore(%run_scoped3A : memref<!tpu.dma_semaphore, #tpu.memory_space<semaphore_mem>>)
          %dma_wait3A = arith.constant 1792 : i32
          %dma_wait3A_34 = arith.constant 0 : i32
          %dma_wait3A_35 = tpu.memref_slice %arg21[%dma_wait3A, %dma_wait3A_34] : memref<1800x128xf32, #tpu.memory_space<vmem_shared>> -> memref<8x128xf32, #tpu.memory_space<vmem_shared>>
          %dma_wait3A_36 = arith.constant 0 : i32
          %dma_wait3A_37 = arith.constant 0 : i32
          %dma_wait3A_38 = tpu.memref_slice %arg7[%dma_wait3A_36, %dma_wait3A_37] : memref<112x128xf32, #tpu.memory_space<hbm>> -> memref<8x128xf32, #tpu.memory_space<hbm>>
          tpu.wait_dma2 semaphore(%run_scoped3A : memref<!tpu.dma_semaphore, #tpu.memory_space<semaphore_mem>>) src(%dma_wait3A_38 : memref<8x128xf32, #tpu.memory_space<hbm>>) dst(%dma_wait3A_35 : memref<8x128xf32, #tpu.memory_space<vmem_shared>>)
          tpu.yield
        }) : () -> ()
      } else {
      }
      %barrier3A = arith.constant 0 : index
      tpu.barrier barrier_id(%barrier3A)
      %scan3A_21 = arith.constant 0 : i32
      %scan3A_22 = arith.constant 5 : i32
      %scan3A_23 = arith.addi %scan3A_21, %scan3A_22 : i32
      %scan3A_24 = arith.constant 1 : i32
      scf.for %scan3A_29 = %scan3A_21 to %scan3A_23 step %scan3A_24  : i32 {
        %mul3A_30 = arith.constant 1 : i32
        %mul3A_31 = arith.muli %scan3A_29, %mul3A_30 : i32
        %add3A_32 = arith.constant 0 : i32
        %add3A_33 = arith.addi %add3A_32, %mul3A_31 : i32
        %mul3A_34 = arith.constant 20000 : i32
        %mul3A_35 = arith.muli %arg1, %mul3A_34 : i32
        %mul3A_36 = arith.constant 4000 : i32
        %mul3A_37 = arith.muli %add3A_33, %mul3A_36 : i32
        %add3A_38 = arith.addi %mul3A_35, %mul3A_37 : i32
        "tpu.region"() ({
          %run_scoped3A = tpu.sem_alloc : memref<!tpu.dma_semaphore, #tpu.memory_space<semaphore_mem>>
          %dma_start3A_236 = tpu.memref_slice %arg2[%add3A_38] : memref<320000xi32, #tpu.memory_space<hbm>> -> memref<4000xi32, #tpu.memory_space<hbm>>
          %dma_start3A_237 = tpu.memref_slice %arg2[%add3A_38] : memref<320000xi32, #tpu.memory_space<hbm>> -> memref<4000xi32, #tpu.memory_space<hbm>>
          tpu.enqueue_dma source(%dma_start3A_237 : memref<4000xi32, #tpu.memory_space<hbm>>) target(%arg10 : memref<4000xi32, #tpu.memory_space<vmem>>) target_semaphore(%run_scoped3A : memref<!tpu.dma_semaphore, #tpu.memory_space<semaphore_mem>>)
          %dma_wait3A_238 = tpu.memref_slice %arg2[%add3A_38] : memref<320000xi32, #tpu.memory_space<hbm>> -> memref<4000xi32, #tpu.memory_space<hbm>>
          %dma_wait3A_239 = tpu.memref_slice %arg2[%add3A_38] : memref<320000xi32, #tpu.memory_space<hbm>> -> memref<4000xi32, #tpu.memory_space<hbm>>
          tpu.wait_dma2 semaphore(%run_scoped3A : memref<!tpu.dma_semaphore, #tpu.memory_space<semaphore_mem>>) src(%dma_wait3A_239 : memref<4000xi32, #tpu.memory_space<hbm>>) dst(%arg10 : memref<4000xi32, #tpu.memory_space<vmem>>)
          tpu.yield
        }) : () -> ()
        "tpu.region"() ({
          %run_scoped3A = tpu.sem_alloc : memref<!tpu.dma_semaphore, #tpu.memory_space<semaphore_mem>>
          %dma_start3A_236 = tpu.memref_slice %arg3[%add3A_38] : memref<320000xi32, #tpu.memory_space<hbm>> -> memref<4000xi32, #tpu.memory_space<hbm>>
          %dma_start3A_237 = tpu.memref_slice %arg3[%add3A_38] : memref<320000xi32, #tpu.memory_space<hbm>> -> memref<4000xi32, #tpu.memory_space<hbm>>
          tpu.enqueue_dma source(%dma_start3A_237 : memref<4000xi32, #tpu.memory_space<hbm>>) target(%arg11 : memref<4000xi32, #tpu.memory_space<vmem>>) target_semaphore(%run_scoped3A : memref<!tpu.dma_semaphore, #tpu.memory_space<semaphore_mem>>)
          %dma_wait3A_238 = tpu.memref_slice %arg3[%add3A_38] : memref<320000xi32, #tpu.memory_space<hbm>> -> memref<4000xi32, #tpu.memory_space<hbm>>
          %dma_wait3A_239 = tpu.memref_slice %arg3[%add3A_38] : memref<320000xi32, #tpu.memory_space<hbm>> -> memref<4000xi32, #tpu.memory_space<hbm>>
          tpu.wait_dma2 semaphore(%run_scoped3A : memref<!tpu.dma_semaphore, #tpu.memory_space<semaphore_mem>>) src(%dma_wait3A_239 : memref<4000xi32, #tpu.memory_space<hbm>>) dst(%arg11 : memref<4000xi32, #tpu.memory_space<vmem>>)
          tpu.yield
        }) : () -> ()
        "tpu.region"() ({
          %run_scoped3A = tpu.sem_alloc : memref<!tpu.dma_semaphore, #tpu.memory_space<semaphore_mem>>
          %dma_start3A_236 = tpu.memref_slice %arg4[%add3A_38] : memref<320000xi32, #tpu.memory_space<hbm>> -> memref<4000xi32, #tpu.memory_space<hbm>>
          %dma_start3A_237 = tpu.memref_slice %arg4[%add3A_38] : memref<320000xi32, #tpu.memory_space<hbm>> -> memref<4000xi32, #tpu.memory_space<hbm>>
          tpu.enqueue_dma source(%dma_start3A_237 : memref<4000xi32, #tpu.memory_space<hbm>>) target(%arg12 : memref<4000xi32, #tpu.memory_space<vmem>>) target_semaphore(%run_scoped3A : memref<!tpu.dma_semaphore, #tpu.memory_space<semaphore_mem>>)
          %dma_wait3A_238 = tpu.memref_slice %arg4[%add3A_38] : memref<320000xi32, #tpu.memory_space<hbm>> -> memref<4000xi32, #tpu.memory_space<hbm>>
          %dma_wait3A_239 = tpu.memref_slice %arg4[%add3A_38] : memref<320000xi32, #tpu.memory_space<hbm>> -> memref<4000xi32, #tpu.memory_space<hbm>>
          tpu.wait_dma2 semaphore(%run_scoped3A : memref<!tpu.dma_semaphore, #tpu.memory_space<semaphore_mem>>) src(%dma_wait3A_239 : memref<4000xi32, #tpu.memory_space<hbm>>) dst(%arg12 : memref<4000xi32, #tpu.memory_space<vmem>>)
          tpu.yield
        }) : () -> ()
        %get3A = arith.constant 0 : index
        %get3A_39 = tpu.vector_load %arg10[%get3A] {strides = array<i32>} : memref<4000xi32, #tpu.memory_space<vmem>>, vector<16xi32>,
        %get3A_40 = arith.constant 0 : index
        %get3A_41 = tpu.vector_load %arg11[%get3A_40] {strides = array<i32>} : memref<4000xi32, #tpu.memory_space<vmem>>, vector<16xi32>,
        %get3A_42 = arith.constant 0 : index
        %get3A_43 = tpu.vector_load %arg12[%get3A_42] {strides = array<i32>} : memref<4000xi32, #tpu.memory_space<vmem>>, vector<16xi32>,
        %mul3A_44 = arith.constant 8 : i32
        %mul3A_45 = vector.broadcast %mul3A_44 : i32 to vector<16xi32>
        %mul3A_46 = arith.muli %get3A_41, %mul3A_45 : vector<16xi32>
        %add3A_47 = arith.addi %mul3A_46, %get3A_43 : vector<16xi32>
        %sub3A = vector.broadcast %mul3A_18 : i32 to vector<16xi32>
        %sub3A_48 = arith.subi %get3A_41, %sub3A : vector<16xi32>
        %ge3A = arith.constant 0 : i32
        %ge3A_49 = vector.broadcast %ge3A : i32 to vector<16xi32>
        %ge3A_50 = arith.cmpi sge, %sub3A_48, %ge3A_49 : vector<16xi32>
        %lt3A = arith.constant 1792 : i32
        %lt3A_51 = vector.broadcast %lt3A : i32 to vector<16xi32>
        %lt3A_52 = arith.cmpi slt, %sub3A_48, %lt3A_51 : vector<16xi32>
        %and3A = arith.andi %ge3A_50, %lt3A_52 : vector<16xi1>
        %mul3A_53 = arith.constant 8 : i32
        %mul3A_54 = vector.broadcast %mul3A_53 : i32 to vector<16xi32>
        %mul3A_55 = arith.muli %get3A_39, %mul3A_54 : vector<16xi32>
        %add3A_56 = arith.addi %mul3A_55, %get3A_43 : vector<16xi32>
        %swap3A = arith.constant 0 : i32
        %swap3A_57 = arith.index_cast %swap3A : i32 to index
        %swap3A_58 = arith.constant 0 : index
        %swap3A_59 = tpu.vector_load %arg13[%swap3A_57, %swap3A_58] {strides = array<i32>} : memref<1x80xi32, #tpu.memory_space<vmem>>, vector<16xi32>,
        tpu.vector_store %arg13[%swap3A_57, %swap3A_58], %add3A_56 {strides = array<i32>} : memref<1x80xi32, #tpu.memory_space<vmem>>, vector<16xi32>,
        %jit3A = arith.constant 1792 : i32
        %broadcast_in_dim3A = vector.broadcast %jit3A : i32 to vector<16xi32>
        %select_n3A = arith.select %and3A, %sub3A_48, %broadcast_in_dim3A : vector<16xi1>, vector<16xi32>
        %swap3A_60 = arith.constant 0 : i32
        %swap3A_61 = arith.index_cast %swap3A_60 : i32 to index
        %swap3A_62 = arith.constant 0 : index
        %swap3A_63 = tpu.vector_load %arg15[%swap3A_61, %swap3A_62] {strides = array<i32>} : memref<1x80xi32, #tpu.memory_space<vmem>>, vector<16xi32>,
        tpu.vector_store %arg15[%swap3A_61, %swap3A_62], %select_n3A {strides = array<i32>} : memref<1x80xi32, #tpu.memory_space<vmem>>, vector<16xi32>,
        %gather3A = tpu.vector_load_idx %arg9[%add3A_47] : memref<81920xf32, #tpu.memory_space<vmem>>[vector<16xi32>], vector<16xf32>,
        %swap3A_64 = arith.constant 0 : index
        %swap3A_65 = tpu.vector_load %arg17[%swap3A_64] {strides = array<i32>} : memref<80xf32, #tpu.memory_space<vmem>>, vector<16xf32>,
        tpu.vector_store %arg17[%swap3A_64], %gather3A {strides = array<i32>} : memref<80xf32, #tpu.memory_space<vmem>>, vector<16xf32>,
        %get3A_66 = arith.constant 16 : index
        %get3A_67 = tpu.vector_load %arg10[%get3A_66] {strides = array<i32>} : memref<4000xi32, #tpu.memory_space<vmem>>, vector<16xi32>,
        %get3A_68 = arith.constant 16 : index
        %get3A_69 = tpu.vector_load %arg11[%get3A_68] {strides = array<i32>} : memref<4000xi32, #tpu.memory_space<vmem>>, vector<16xi32>,
        %get3A_70 = arith.constant 16 : index
        %get3A_71 = tpu.vector_load %arg12[%get3A_70] {strides = array<i32>} : memref<4000xi32, #tpu.memory_space<vmem>>, vector<16xi32>,
        %mul3A_72 = arith.constant 8 : i32
        %mul3A_73 = vector.broadcast %mul3A_72 : i32 to vector<16xi32>
        %mul3A_74 = arith.muli %get3A_69, %mul3A_73 : vector<16xi32>
        %add3A_75 = arith.addi %mul3A_74, %get3A_71 : vector<16xi32>
        %sub3A_76 = vector.broadcast %mul3A_18 : i32 to vector<16xi32>
        %sub3A_77 = arith.subi %get3A_69, %sub3A_76 : vector<16xi32>
        %ge3A_78 = arith.constant 0 : i32
        %ge3A_79 = vector.broadcast %ge3A_78 : i32 to vector<16xi32>
        %ge3A_80 = arith.cmpi sge, %sub3A_77, %ge3A_79 : vector<16xi32>
        %lt3A_81 = arith.constant 1792 : i32
        %lt3A_82 = vector.broadcast %lt3A_81 : i32 to vector<16xi32>
        %lt3A_83 = arith.cmpi slt, %sub3A_77, %lt3A_82 : vector<16xi32>
        %and3A_84 = arith.andi %ge3A_80, %lt3A_83 : vector<16xi1>
        %mul3A_85 = arith.constant 8 : i32
        %mul3A_86 = vector.broadcast %mul3A_85 : i32 to vector<16xi32>
        %mul3A_87 = arith.muli %get3A_67, %mul3A_86 : vector<16xi32>
        %add3A_88 = arith.addi %mul3A_87, %get3A_71 : vector<16xi32>
        %swap3A_89 = arith.constant 0 : i32
        %swap3A_90 = arith.index_cast %swap3A_89 : i32 to index
        %swap3A_91 = arith.constant 16 : index
        %swap3A_92 = tpu.vector_load %arg13[%swap3A_90, %swap3A_91] {strides = array<i32>} : memref<1x80xi32, #tpu.memory_space<vmem>>, vector<16xi32>,
        tpu.vector_store %arg13[%swap3A_90, %swap3A_91], %add3A_88 {strides = array<i32>} : memref<1x80xi32, #tpu.memory_space<vmem>>, vector<16xi32>,
        %jit3A_93 = arith.constant 1792 : i32
        %broadcast_in_dim3A_94 = vector.broadcast %jit3A_93 : i32 to vector<16xi32>
        %select_n3A_95 = arith.select %and3A_84, %sub3A_77, %broadcast_in_dim3A_94 : vector<16xi1>, vector<16xi32>
        %swap3A_96 = arith.constant 0 : i32
        %swap3A_97 = arith.index_cast %swap3A_96 : i32 to index
        %swap3A_98 = arith.constant 16 : index
        %swap3A_99 = tpu.vector_load %arg15[%swap3A_97, %swap3A_98] {strides = array<i32>} : memref<1x80xi32, #tpu.memory_space<vmem>>, vector<16xi32>,
        tpu.vector_store %arg15[%swap3A_97, %swap3A_98], %select_n3A_95 {strides = array<i32>} : memref<1x80xi32, #tpu.memory_space<vmem>>, vector<16xi32>,
        %gather3A_100 = tpu.vector_load_idx %arg9[%add3A_75] : memref<81920xf32, #tpu.memory_space<vmem>>[vector<16xi32>], vector<16xf32>,
        %swap3A_101 = arith.constant 16 : index
        %swap3A_102 = tpu.vector_load %arg17[%swap3A_101] {strides = array<i32>} : memref<80xf32, #tpu.memory_space<vmem>>, vector<16xf32>,
        tpu.vector_store %arg17[%swap3A_101], %gather3A_100 {strides = array<i32>} : memref<80xf32, #tpu.memory_space<vmem>>, vector<16xf32>,
        %get3A_103 = arith.constant 32 : index
        %get3A_104 = tpu.vector_load %arg10[%get3A_103] {strides = array<i32>} : memref<4000xi32, #tpu.memory_space<vmem>>, vector<16xi32>,
        %get3A_105 = arith.constant 32 : index
        %get3A_106 = tpu.vector_load %arg11[%get3A_105] {strides = array<i32>} : memref<4000xi32, #tpu.memory_space<vmem>>, vector<16xi32>,
        %get3A_107 = arith.constant 32 : index
        %get3A_108 = tpu.vector_load %arg12[%get3A_107] {strides = array<i32>} : memref<4000xi32, #tpu.memory_space<vmem>>, vector<16xi32>,
        %mul3A_109 = arith.constant 8 : i32
        %mul3A_110 = vector.broadcast %mul3A_109 : i32 to vector<16xi32>
        %mul3A_111 = arith.muli %get3A_106, %mul3A_110 : vector<16xi32>
        %add3A_112 = arith.addi %mul3A_111, %get3A_108 : vector<16xi32>
        %sub3A_113 = vector.broadcast %mul3A_18 : i32 to vector<16xi32>
        %sub3A_114 = arith.subi %get3A_106, %sub3A_113 : vector<16xi32>
        %ge3A_115 = arith.constant 0 : i32
        %ge3A_116 = vector.broadcast %ge3A_115 : i32 to vector<16xi32>
        %ge3A_117 = arith.cmpi sge, %sub3A_114, %ge3A_116 : vector<16xi32>
        %lt3A_118 = arith.constant 1792 : i32
        %lt3A_119 = vector.broadcast %lt3A_118 : i32 to vector<16xi32>
        %lt3A_120 = arith.cmpi slt, %sub3A_114, %lt3A_119 : vector<16xi32>
        %and3A_121 = arith.andi %ge3A_117, %lt3A_120 : vector<16xi1>
        %mul3A_122 = arith.constant 8 : i32
        %mul3A_123 = vector.broadcast %mul3A_122 : i32 to vector<16xi32>
        %mul3A_124 = arith.muli %get3A_104, %mul3A_123 : vector<16xi32>
        %add3A_125 = arith.addi %mul3A_124, %get3A_108 : vector<16xi32>
        %swap3A_126 = arith.constant 0 : i32
        %swap3A_127 = arith.index_cast %swap3A_126 : i32 to index
        %swap3A_128 = arith.constant 32 : index
        %swap3A_129 = tpu.vector_load %arg13[%swap3A_127, %swap3A_128] {strides = array<i32>} : memref<1x80xi32, #tpu.memory_space<vmem>>, vector<16xi32>,
        tpu.vector_store %arg13[%swap3A_127, %swap3A_128], %add3A_125 {strides = array<i32>} : memref<1x80xi32, #tpu.memory_space<vmem>>, vector<16xi32>,
        %jit3A_130 = arith.constant 1792 : i32
        %broadcast_in_dim3A_131 = vector.broadcast %jit3A_130 : i32 to vector<16xi32>
        %select_n3A_132 = arith.select %and3A_121, %sub3A_114, %broadcast_in_dim3A_131 : vector<16xi1>, vector<16xi32>
        %swap3A_133 = arith.constant 0 : i32
        %swap3A_134 = arith.index_cast %swap3A_133 : i32 to index
        %swap3A_135 = arith.constant 32 : index
        %swap3A_136 = tpu.vector_load %arg15[%swap3A_134, %swap3A_135] {strides = array<i32>} : memref<1x80xi32, #tpu.memory_space<vmem>>, vector<16xi32>,
        tpu.vector_store %arg15[%swap3A_134, %swap3A_135], %select_n3A_132 {strides = array<i32>} : memref<1x80xi32, #tpu.memory_space<vmem>>, vector<16xi32>,
        %gather3A_137 = tpu.vector_load_idx %arg9[%add3A_112] : memref<81920xf32, #tpu.memory_space<vmem>>[vector<16xi32>], vector<16xf32>,
        %swap3A_138 = arith.constant 32 : index
        %swap3A_139 = tpu.vector_load %arg17[%swap3A_138] {strides = array<i32>} : memref<80xf32, #tpu.memory_space<vmem>>, vector<16xf32>,
        tpu.vector_store %arg17[%swap3A_138], %gather3A_137 {strides = array<i32>} : memref<80xf32, #tpu.memory_space<vmem>>, vector<16xf32>,
        %get3A_140 = arith.constant 48 : index
        %get3A_141 = tpu.vector_load %arg10[%get3A_140] {strides = array<i32>} : memref<4000xi32, #tpu.memory_space<vmem>>, vector<16xi32>,
        %get3A_142 = arith.constant 48 : index
        %get3A_143 = tpu.vector_load %arg11[%get3A_142] {strides = array<i32>} : memref<4000xi32, #tpu.memory_space<vmem>>, vector<16xi32>,
        %get3A_144 = arith.constant 48 : index
        %get3A_145 = tpu.vector_load %arg12[%get3A_144] {strides = array<i32>} : memref<4000xi32, #tpu.memory_space<vmem>>, vector<16xi32>,
        %mul3A_146 = arith.constant 8 : i32
        %mul3A_147 = vector.broadcast %mul3A_146 : i32 to vector<16xi32>
        %mul3A_148 = arith.muli %get3A_143, %mul3A_147 : vector<16xi32>
        %add3A_149 = arith.addi %mul3A_148, %get3A_145 : vector<16xi32>
        %sub3A_150 = vector.broadcast %mul3A_18 : i32 to vector<16xi32>
        %sub3A_151 = arith.subi %get3A_143, %sub3A_150 : vector<16xi32>
        %ge3A_152 = arith.constant 0 : i32
        %ge3A_153 = vector.broadcast %ge3A_152 : i32 to vector<16xi32>
        %ge3A_154 = arith.cmpi sge, %sub3A_151, %ge3A_153 : vector<16xi32>
        %lt3A_155 = arith.constant 1792 : i32
        %lt3A_156 = vector.broadcast %lt3A_155 : i32 to vector<16xi32>
        %lt3A_157 = arith.cmpi slt, %sub3A_151, %lt3A_156 : vector<16xi32>
        %and3A_158 = arith.andi %ge3A_154, %lt3A_157 : vector<16xi1>
        %mul3A_159 = arith.constant 8 : i32
        %mul3A_160 = vector.broadcast %mul3A_159 : i32 to vector<16xi32>
        %mul3A_161 = arith.muli %get3A_141, %mul3A_160 : vector<16xi32>
        %add3A_162 = arith.addi %mul3A_161, %get3A_145 : vector<16xi32>
        %swap3A_163 = arith.constant 0 : i32
        %swap3A_164 = arith.index_cast %swap3A_163 : i32 to index
        %swap3A_165 = arith.constant 48 : index
        %swap3A_166 = tpu.vector_load %arg13[%swap3A_164, %swap3A_165] {strides = array<i32>} : memref<1x80xi32, #tpu.memory_space<vmem>>, vector<16xi32>,
        tpu.vector_store %arg13[%swap3A_164, %swap3A_165], %add3A_162 {strides = array<i32>} : memref<1x80xi32, #tpu.memory_space<vmem>>, vector<16xi32>,
        %jit3A_167 = arith.constant 1792 : i32
        %broadcast_in_dim3A_168 = vector.broadcast %jit3A_167 : i32 to vector<16xi32>
        %select_n3A_169 = arith.select %and3A_158, %sub3A_151, %broadcast_in_dim3A_168 : vector<16xi1>, vector<16xi32>
        %swap3A_170 = arith.constant 0 : i32
        %swap3A_171 = arith.index_cast %swap3A_170 : i32 to index
        %swap3A_172 = arith.constant 48 : index
        %swap3A_173 = tpu.vector_load %arg15[%swap3A_171, %swap3A_172] {strides = array<i32>} : memref<1x80xi32, #tpu.memory_space<vmem>>, vector<16xi32>,
        tpu.vector_store %arg15[%swap3A_171, %swap3A_172], %select_n3A_169 {strides = array<i32>} : memref<1x80xi32, #tpu.memory_space<vmem>>, vector<16xi32>,
        %gather3A_174 = tpu.vector_load_idx %arg9[%add3A_149] : memref<81920xf32, #tpu.memory_space<vmem>>[vector<16xi32>], vector<16xf32>,
        %swap3A_175 = arith.constant 48 : index
        %swap3A_176 = tpu.vector_load %arg17[%swap3A_175] {strides = array<i32>} : memref<80xf32, #tpu.memory_space<vmem>>, vector<16xf32>,
        tpu.vector_store %arg17[%swap3A_175], %gather3A_174 {strides = array<i32>} : memref<80xf32, #tpu.memory_space<vmem>>, vector<16xf32>,
        %get3A_177 = arith.constant 64 : index
        %get3A_178 = tpu.vector_load %arg10[%get3A_177] {strides = array<i32>} : memref<4000xi32, #tpu.memory_space<vmem>>, vector<16xi32>,
        %get3A_179 = arith.constant 64 : index
        %get3A_180 = tpu.vector_load %arg11[%get3A_179] {strides = array<i32>} : memref<4000xi32, #tpu.memory_space<vmem>>, vector<16xi32>,
        %get3A_181 = arith.constant 64 : index
        %get3A_182 = tpu.vector_load %arg12[%get3A_181] {strides = array<i32>} : memref<4000xi32, #tpu.memory_space<vmem>>, vector<16xi32>,
        %mul3A_183 = arith.constant 8 : i32
        %mul3A_184 = vector.broadcast %mul3A_183 : i32 to vector<16xi32>
        %mul3A_185 = arith.muli %get3A_180, %mul3A_184 : vector<16xi32>
        %add3A_186 = arith.addi %mul3A_185, %get3A_182 : vector<16xi32>
        %sub3A_187 = vector.broadcast %mul3A_18 : i32 to vector<16xi32>
        %sub3A_188 = arith.subi %get3A_180, %sub3A_187 : vector<16xi32>
        %ge3A_189 = arith.constant 0 : i32
        %ge3A_190 = vector.broadcast %ge3A_189 : i32 to vector<16xi32>
        %ge3A_191 = arith.cmpi sge, %sub3A_188, %ge3A_190 : vector<16xi32>
        %lt3A_192 = arith.constant 1792 : i32
        %lt3A_193 = vector.broadcast %lt3A_192 : i32 to vector<16xi32>
        %lt3A_194 = arith.cmpi slt, %sub3A_188, %lt3A_193 : vector<16xi32>
        %and3A_195 = arith.andi %ge3A_191, %lt3A_194 : vector<16xi1>
        %mul3A_196 = arith.constant 8 : i32
        %mul3A_197 = vector.broadcast %mul3A_196 : i32 to vector<16xi32>
        %mul3A_198 = arith.muli %get3A_178, %mul3A_197 : vector<16xi32>
        %add3A_199 = arith.addi %mul3A_198, %get3A_182 : vector<16xi32>
        %swap3A_200 = arith.constant 0 : i32
        %swap3A_201 = arith.index_cast %swap3A_200 : i32 to index
        %swap3A_202 = arith.constant 64 : index
        %swap3A_203 = tpu.vector_load %arg13[%swap3A_201, %swap3A_202] {strides = array<i32>} : memref<1x80xi32, #tpu.memory_space<vmem>>, vector<16xi32>,
        tpu.vector_store %arg13[%swap3A_201, %swap3A_202], %add3A_199 {strides = array<i32>} : memref<1x80xi32, #tpu.memory_space<vmem>>, vector<16xi32>,
        %jit3A_204 = arith.constant 1792 : i32
        %broadcast_in_dim3A_205 = vector.broadcast %jit3A_204 : i32 to vector<16xi32>
        %select_n3A_206 = arith.select %and3A_195, %sub3A_188, %broadcast_in_dim3A_205 : vector<16xi1>, vector<16xi32>
        %swap3A_207 = arith.constant 0 : i32
        %swap3A_208 = arith.index_cast %swap3A_207 : i32 to index
        %swap3A_209 = arith.constant 64 : index
        %swap3A_210 = tpu.vector_load %arg15[%swap3A_208, %swap3A_209] {strides = array<i32>} : memref<1x80xi32, #tpu.memory_space<vmem>>, vector<16xi32>,
        tpu.vector_store %arg15[%swap3A_208, %swap3A_209], %select_n3A_206 {strides = array<i32>} : memref<1x80xi32, #tpu.memory_space<vmem>>, vector<16xi32>,
        %gather3A_211 = tpu.vector_load_idx %arg9[%add3A_186] : memref<81920xf32, #tpu.memory_space<vmem>>[vector<16xi32>], vector<16xf32>,
        %swap3A_212 = arith.constant 64 : index
        %swap3A_213 = tpu.vector_load %arg17[%swap3A_212] {strides = array<i32>} : memref<80xf32, #tpu.memory_space<vmem>>, vector<16xf32>,
        tpu.vector_store %arg17[%swap3A_212], %gather3A_211 {strides = array<i32>} : memref<80xf32, #tpu.memory_space<vmem>>, vector<16xf32>,
        %dma_start3A = arith.constant 0 : i32
        %dma_start3A_214 = arith.constant 0 : i32
        %dma_start3A_215 = tpu.memref_slice %arg13[%dma_start3A, %dma_start3A_214] : memref<1x80xi32, #tpu.memory_space<vmem>> -> memref<1x80xi32, #tpu.memory_space<vmem>>
        %dma_start3A_216 = tpu.memref_squeeze %dma_start3A_215 : memref<1x80xi32, #tpu.memory_space<vmem>> -> memref<80xi32, #tpu.memory_space<vmem>>
        %dma_start3A_217 = arith.constant 0 : i32
        %dma_start3A_218 = arith.constant 0 : i32
        %dma_start3A_219 = tpu.memref_slice %arg5[%dma_start3A_217, %dma_start3A_218] : memref<80000x128xf32, #tpu.memory_space<hbm>> -> memref<80000x128xf32, #tpu.memory_space<hbm>>
        tpu.enqueue_indirect_dma source(%dma_start3A_219 : memref<80000x128xf32, #tpu.memory_space<hbm>>) target(%arg19 : memref<80x128xf32, #tpu.memory_space<vmem>>) offsets(%dma_start3A_216 : memref<80xi32, #tpu.memory_space<vmem>>) semaphore(%arg22 : memref<!tpu.dma_semaphore, #tpu.memory_space<semaphore_mem>>)
        %scan3A_220 = arith.constant 0 : i32
        %scan3A_221 = arith.constant 25 : i32
        %scan3A_222 = arith.addi %scan3A_220, %scan3A_221 : i32
        %scan3A_223 = arith.constant 1 : i32
        scf.for %scan3A_236 = %scan3A_220 to %scan3A_222 step %scan3A_223  : i32 {
          %mul3A_237 = arith.constant 1 : i32
          %mul3A_238 = arith.muli %scan3A_236, %mul3A_237 : i32
          %add3A_239 = arith.constant 0 : i32
          %add3A_240 = arith.addi %add3A_239, %mul3A_238 : i32
          %gt3A = arith.constant 0 : i32
          %gt3A_241 = arith.cmpi sgt, %add3A_240, %gt3A : i32
          %convert_element_type3A_242 = arith.extui %gt3A_241 : i1 to i32
          %cond3A_243 = arith.constant 0 : i32
          %cond3A_244 = arith.cmpi ne, %convert_element_type3A_242, %cond3A_243 : i32
          scf.if %cond3A_244 {
            %dma_wait3A_504 = arith.constant 0 : i32
            %dma_wait3A_505 = arith.constant 0 : i32
            %dma_wait3A_506 = tpu.memref_slice %arg21[%dma_wait3A_504, %dma_wait3A_505] : memref<1800x128xf32, #tpu.memory_space<vmem_shared>> -> memref<80x128xf32, #tpu.memory_space<vmem_shared>>
            %dma_wait3A_507 = arith.constant 0 : i32
            %dma_wait3A_508 = arith.constant 0 : i32
            %dma_wait3A_509 = tpu.memref_slice %arg21[%dma_wait3A_507, %dma_wait3A_508] : memref<1800x128xf32, #tpu.memory_space<vmem_shared>> -> memref<80x128xf32, #tpu.memory_space<vmem_shared>>
            tpu.wait_dma2 semaphore(%arg25 : memref<!tpu.dma_semaphore, #tpu.memory_space<semaphore_mem>>) src(%arg20 : memref<80x128xf32, #tpu.memory_space<vmem>>) dst(%dma_wait3A_509 : memref<80x128xf32, #tpu.memory_space<vmem_shared>>)
          } else {
          }
          %mul3A_245 = arith.constant 2 : i32
          %mul3A_246 = arith.muli %mul3A_245, %add3A_240 : i32
          %add3A_247 = arith.constant 1 : i32
          %add3A_248 = arith.addi %mul3A_246, %add3A_247 : i32
          %mul3A_249 = arith.constant 80 : i32
          %mul3A_250 = arith.muli %add3A_248, %mul3A_249 : i32
          %add3A_251 = arith.constant 0 : i32
          %add3A_252 = arith.addi %mul3A_250, %add3A_251 : i32
          %get3A_253 = arith.index_cast %add3A_252 : i32 to index
          %get3A_254 = tpu.vector_load %arg10[%get3A_253] {strides = array<i32>} : memref<4000xi32, #tpu.memory_space<vmem>>, vector<16xi32>,
          %get3A_255 = arith.index_cast %add3A_252 : i32 to index
          %get3A_256 = tpu.vector_load %arg11[%get3A_255] {strides = array<i32>} : memref<4000xi32, #tpu.memory_space<vmem>>, vector<16xi32>,
          %get3A_257 = arith.index_cast %add3A_252 : i32 to index
          %get3A_258 = tpu.vector_load %arg12[%get3A_257] {strides = array<i32>} : memref<4000xi32, #tpu.memory_space<vmem>>, vector<16xi32>,
          %mul3A_259 = arith.constant 8 : i32
          %mul3A_260 = vector.broadcast %mul3A_259 : i32 to vector<16xi32>
          %mul3A_261 = arith.muli %get3A_256, %mul3A_260 : vector<16xi32>
          %add3A_262 = arith.addi %mul3A_261, %get3A_258 : vector<16xi32>
          %sub3A_263 = vector.broadcast %mul3A_18 : i32 to vector<16xi32>
          %sub3A_264 = arith.subi %get3A_256, %sub3A_263 : vector<16xi32>
          %ge3A_265 = arith.constant 0 : i32
          %ge3A_266 = vector.broadcast %ge3A_265 : i32 to vector<16xi32>
          %ge3A_267 = arith.cmpi sge, %sub3A_264, %ge3A_266 : vector<16xi32>
          %lt3A_268 = arith.constant 1792 : i32
          %lt3A_269 = vector.broadcast %lt3A_268 : i32 to vector<16xi32>
          %lt3A_270 = arith.cmpi slt, %sub3A_264, %lt3A_269 : vector<16xi32>
          %and3A_271 = arith.andi %ge3A_267, %lt3A_270 : vector<16xi1>
          %mul3A_272 = arith.constant 8 : i32
          %mul3A_273 = vector.broadcast %mul3A_272 : i32 to vector<16xi32>
          %mul3A_274 = arith.muli %get3A_254, %mul3A_273 : vector<16xi32>
          %add3A_275 = arith.addi %mul3A_274, %get3A_258 : vector<16xi32>
          %swap3A_276 = arith.constant 0 : i32
          %swap3A_277 = arith.index_cast %swap3A_276 : i32 to index
          %swap3A_278 = arith.constant 0 : index
          %swap3A_279 = tpu.vector_load %arg14[%swap3A_277, %swap3A_278] {strides = array<i32>} : memref<1x80xi32, #tpu.memory_space<vmem>>, vector<16xi32>,
          tpu.vector_store %arg14[%swap3A_277, %swap3A_278], %add3A_275 {strides = array<i32>} : memref<1x80xi32, #tpu.memory_space<vmem>>, vector<16xi32>,
          %jit3A_280 = arith.constant 1792 : i32
          %broadcast_in_dim3A_281 = vector.broadcast %jit3A_280 : i32 to vector<16xi32>
          %select_n3A_282 = arith.select %and3A_271, %sub3A_264, %broadcast_in_dim3A_281 : vector<16xi1>, vector<16xi32>
          %swap3A_283 = arith.constant 0 : i32
          %swap3A_284 = arith.index_cast %swap3A_283 : i32 to index
          %swap3A_285 = arith.constant 0 : index
          %swap3A_286 = tpu.vector_load %arg16[%swap3A_284, %swap3A_285] {strides = array<i32>} : memref<1x80xi32, #tpu.memory_space<vmem>>, vector<16xi32>,
          tpu.vector_store %arg16[%swap3A_284, %swap3A_285], %select_n3A_282 {strides = array<i32>} : memref<1x80xi32, #tpu.memory_space<vmem>>, vector<16xi32>,
          %gather3A_287 = tpu.vector_load_idx %arg9[%add3A_262] : memref<81920xf32, #tpu.memory_space<vmem>>[vector<16xi32>], vector<16xf32>,
          %swap3A_288 = arith.constant 0 : index
          %swap3A_289 = tpu.vector_load %arg18[%swap3A_288] {strides = array<i32>} : memref<80xf32, #tpu.memory_space<vmem>>, vector<16xf32>,
          tpu.vector_store %arg18[%swap3A_288], %gather3A_287 {strides = array<i32>} : memref<80xf32, #tpu.memory_space<vmem>>, vector<16xf32>,
          %mul3A_290 = arith.constant 80 : i32
          %mul3A_291 = arith.muli %add3A_248, %mul3A_290 : i32
          %add3A_292 = arith.constant 16 : i32
          %add3A_293 = arith.addi %mul3A_291, %add3A_292 : i32
          %get3A_294 = arith.index_cast %add3A_293 : i32 to index
          %get3A_295 = tpu.vector_load %arg10[%get3A_294] {strides = array<i32>} : memref<4000xi32, #tpu.memory_space<vmem>>, vector<16xi32>,
          %get3A_296 = arith.index_cast %add3A_293 : i32 to index
          %get3A_297 = tpu.vector_load %arg11[%get3A_296] {strides = array<i32>} : memref<4000xi32, #tpu.memory_space<vmem>>, vector<16xi32>,
          %get3A_298 = arith.index_cast %add3A_293 : i32 to index
          %get3A_299 = tpu.vector_load %arg12[%get3A_298] {strides = array<i32>} : memref<4000xi32, #tpu.memory_space<vmem>>, vector<16xi32>,
          %mul3A_300 = arith.constant 8 : i32
          %mul3A_301 = vector.broadcast %mul3A_300 : i32 to vector<16xi32>
          %mul3A_302 = arith.muli %get3A_297, %mul3A_301 : vector<16xi32>
          %add3A_303 = arith.addi %mul3A_302, %get3A_299 : vector<16xi32>
          %sub3A_304 = vector.broadcast %mul3A_18 : i32 to vector<16xi32>
          %sub3A_305 = arith.subi %get3A_297, %sub3A_304 : vector<16xi32>
          %ge3A_306 = arith.constant 0 : i32
          %ge3A_307 = vector.broadcast %ge3A_306 : i32 to vector<16xi32>
          %ge3A_308 = arith.cmpi sge, %sub3A_305, %ge3A_307 : vector<16xi32>
          %lt3A_309 = arith.constant 1792 : i32
          %lt3A_310 = vector.broadcast %lt3A_309 : i32 to vector<16xi32>
          %lt3A_311 = arith.cmpi slt, %sub3A_305, %lt3A_310 : vector<16xi32>
          %and3A_312 = arith.andi %ge3A_308, %lt3A_311 : vector<16xi1>
          %mul3A_313 = arith.constant 8 : i32
          %mul3A_314 = vector.broadcast %mul3A_313 : i32 to vector<16xi32>
          %mul3A_315 = arith.muli %get3A_295, %mul3A_314 : vector<16xi32>
          %add3A_316 = arith.addi %mul3A_315, %get3A_299 : vector<16xi32>
          %swap3A_317 = arith.constant 0 : i32
          %swap3A_318 = arith.index_cast %swap3A_317 : i32 to index
          %swap3A_319 = arith.constant 16 : index
          %swap3A_320 = tpu.vector_load %arg14[%swap3A_318, %swap3A_319] {strides = array<i32>} : memref<1x80xi32, #tpu.memory_space<vmem>>, vector<16xi32>,
          tpu.vector_store %arg14[%swap3A_318, %swap3A_319], %add3A_316 {strides = array<i32>} : memref<1x80xi32, #tpu.memory_space<vmem>>, vector<16xi32>,
          %jit3A_321 = arith.constant 1792 : i32
          %broadcast_in_dim3A_322 = vector.broadcast %jit3A_321 : i32 to vector<16xi32>
          %select_n3A_323 = arith.select %and3A_312, %sub3A_305, %broadcast_in_dim3A_322 : vector<16xi1>, vector<16xi32>
          %swap3A_324 = arith.constant 0 : i32
          %swap3A_325 = arith.index_cast %swap3A_324 : i32 to index
          %swap3A_326 = arith.constant 16 : index
          %swap3A_327 = tpu.vector_load %arg16[%swap3A_325, %swap3A_326] {strides = array<i32>} : memref<1x80xi32, #tpu.memory_space<vmem>>, vector<16xi32>,
          tpu.vector_store %arg16[%swap3A_325, %swap3A_326], %select_n3A_323 {strides = array<i32>} : memref<1x80xi32, #tpu.memory_space<vmem>>, vector<16xi32>,
          %gather3A_328 = tpu.vector_load_idx %arg9[%add3A_303] : memref<81920xf32, #tpu.memory_space<vmem>>[vector<16xi32>], vector<16xf32>,
          %swap3A_329 = arith.constant 16 : index
          %swap3A_330 = tpu.vector_load %arg18[%swap3A_329] {strides = array<i32>} : memref<80xf32, #tpu.memory_space<vmem>>, vector<16xf32>,
          tpu.vector_store %arg18[%swap3A_329], %gather3A_328 {strides = array<i32>} : memref<80xf32, #tpu.memory_space<vmem>>, vector<16xf32>,
          %mul3A_331 = arith.constant 80 : i32
          %mul3A_332 = arith.muli %add3A_248, %mul3A_331 : i32
          %add3A_333 = arith.constant 32 : i32
          %add3A_334 = arith.addi %mul3A_332, %add3A_333 : i32
          %get3A_335 = arith.index_cast %add3A_334 : i32 to index
          %get3A_336 = tpu.vector_load %arg10[%get3A_335] {strides = array<i32>} : memref<4000xi32, #tpu.memory_space<vmem>>, vector<16xi32>,
          %get3A_337 = arith.index_cast %add3A_334 : i32 to index
          %get3A_338 = tpu.vector_load %arg11[%get3A_337] {strides = array<i32>} : memref<4000xi32, #tpu.memory_space<vmem>>, vector<16xi32>,
          %get3A_339 = arith.index_cast %add3A_334 : i32 to index
          %get3A_340 = tpu.vector_load %arg12[%get3A_339] {strides = array<i32>} : memref<4000xi32, #tpu.memory_space<vmem>>, vector<16xi32>,
          %mul3A_341 = arith.constant 8 : i32
          %mul3A_342 = vector.broadcast %mul3A_341 : i32 to vector<16xi32>
          %mul3A_343 = arith.muli %get3A_338, %mul3A_342 : vector<16xi32>
          %add3A_344 = arith.addi %mul3A_343, %get3A_340 : vector<16xi32>
          %sub3A_345 = vector.broadcast %mul3A_18 : i32 to vector<16xi32>
          %sub3A_346 = arith.subi %get3A_338, %sub3A_345 : vector<16xi32>
          %ge3A_347 = arith.constant 0 : i32
          %ge3A_348 = vector.broadcast %ge3A_347 : i32 to vector<16xi32>
          %ge3A_349 = arith.cmpi sge, %sub3A_346, %ge3A_348 : vector<16xi32>
          %lt3A_350 = arith.constant 1792 : i32
          %lt3A_351 = vector.broadcast %lt3A_350 : i32 to vector<16xi32>
          %lt3A_352 = arith.cmpi slt, %sub3A_346, %lt3A_351 : vector<16xi32>
          %and3A_353 = arith.andi %ge3A_349, %lt3A_352 : vector<16xi1>
          %mul3A_354 = arith.constant 8 : i32
          %mul3A_355 = vector.broadcast %mul3A_354 : i32 to vector<16xi32>
          %mul3A_356 = arith.muli %get3A_336, %mul3A_355 : vector<16xi32>
          %add3A_357 = arith.addi %mul3A_356, %get3A_340 : vector<16xi32>
          %swap3A_358 = arith.constant 0 : i32
          %swap3A_359 = arith.index_cast %swap3A_358 : i32 to index
          %swap3A_360 = arith.constant 32 : index
          %swap3A_361 = tpu.vector_load %arg14[%swap3A_359, %swap3A_360] {strides = array<i32>} : memref<1x80xi32, #tpu.memory_space<vmem>>, vector<16xi32>,
          tpu.vector_store %arg14[%swap3A_359, %swap3A_360], %add3A_357 {strides = array<i32>} : memref<1x80xi32, #tpu.memory_space<vmem>>, vector<16xi32>,
          %jit3A_362 = arith.constant 1792 : i32
          %broadcast_in_dim3A_363 = vector.broadcast %jit3A_362 : i32 to vector<16xi32>
          %select_n3A_364 = arith.select %and3A_353, %sub3A_346, %broadcast_in_dim3A_363 : vector<16xi1>, vector<16xi32>
          %swap3A_365 = arith.constant 0 : i32
          %swap3A_366 = arith.index_cast %swap3A_365 : i32 to index
          %swap3A_367 = arith.constant 32 : index
          %swap3A_368 = tpu.vector_load %arg16[%swap3A_366, %swap3A_367] {strides = array<i32>} : memref<1x80xi32, #tpu.memory_space<vmem>>, vector<16xi32>,
          tpu.vector_store %arg16[%swap3A_366, %swap3A_367], %select_n3A_364 {strides = array<i32>} : memref<1x80xi32, #tpu.memory_space<vmem>>, vector<16xi32>,
          %gather3A_369 = tpu.vector_load_idx %arg9[%add3A_344] : memref<81920xf32, #tpu.memory_space<vmem>>[vector<16xi32>], vector<16xf32>,
          %swap3A_370 = arith.constant 32 : index
          %swap3A_371 = tpu.vector_load %arg18[%swap3A_370] {strides = array<i32>} : memref<80xf32, #tpu.memory_space<vmem>>, vector<16xf32>,
          tpu.vector_store %arg18[%swap3A_370], %gather3A_369 {strides = array<i32>} : memref<80xf32, #tpu.memory_space<vmem>>, vector<16xf32>,
          %mul3A_372 = arith.constant 80 : i32
          %mul3A_373 = arith.muli %add3A_248, %mul3A_372 : i32
          %add3A_374 = arith.constant 48 : i32
          %add3A_375 = arith.addi %mul3A_373, %add3A_374 : i32
          %get3A_376 = arith.index_cast %add3A_375 : i32 to index
          %get3A_377 = tpu.vector_load %arg10[%get3A_376] {strides = array<i32>} : memref<4000xi32, #tpu.memory_space<vmem>>, vector<16xi32>,
          %get3A_378 = arith.index_cast %add3A_375 : i32 to index
          %get3A_379 = tpu.vector_load %arg11[%get3A_378] {strides = array<i32>} : memref<4000xi32, #tpu.memory_space<vmem>>, vector<16xi32>,
          %get3A_380 = arith.index_cast %add3A_375 : i32 to index
          %get3A_381 = tpu.vector_load %arg12[%get3A_380] {strides = array<i32>} : memref<4000xi32, #tpu.memory_space<vmem>>, vector<16xi32>,
          %mul3A_382 = arith.constant 8 : i32
          %mul3A_383 = vector.broadcast %mul3A_382 : i32 to vector<16xi32>
          %mul3A_384 = arith.muli %get3A_379, %mul3A_383 : vector<16xi32>
          %add3A_385 = arith.addi %mul3A_384, %get3A_381 : vector<16xi32>
          %sub3A_386 = vector.broadcast %mul3A_18 : i32 to vector<16xi32>
          %sub3A_387 = arith.subi %get3A_379, %sub3A_386 : vector<16xi32>
          %ge3A_388 = arith.constant 0 : i32
          %ge3A_389 = vector.broadcast %ge3A_388 : i32 to vector<16xi32>
          %ge3A_390 = arith.cmpi sge, %sub3A_387, %ge3A_389 : vector<16xi32>
          %lt3A_391 = arith.constant 1792 : i32
          %lt3A_392 = vector.broadcast %lt3A_391 : i32 to vector<16xi32>
          %lt3A_393 = arith.cmpi slt, %sub3A_387, %lt3A_392 : vector<16xi32>
          %and3A_394 = arith.andi %ge3A_390, %lt3A_393 : vector<16xi1>
          %mul3A_395 = arith.constant 8 : i32
          %mul3A_396 = vector.broadcast %mul3A_395 : i32 to vector<16xi32>
          %mul3A_397 = arith.muli %get3A_377, %mul3A_396 : vector<16xi32>
          %add3A_398 = arith.addi %mul3A_397, %get3A_381 : vector<16xi32>
          %swap3A_399 = arith.constant 0 : i32
          %swap3A_400 = arith.index_cast %swap3A_399 : i32 to index
          %swap3A_401 = arith.constant 48 : index
          %swap3A_402 = tpu.vector_load %arg14[%swap3A_400, %swap3A_401] {strides = array<i32>} : memref<1x80xi32, #tpu.memory_space<vmem>>, vector<16xi32>,
          tpu.vector_store %arg14[%swap3A_400, %swap3A_401], %add3A_398 {strides = array<i32>} : memref<1x80xi32, #tpu.memory_space<vmem>>, vector<16xi32>,
          %jit3A_403 = arith.constant 1792 : i32
          %broadcast_in_dim3A_404 = vector.broadcast %jit3A_403 : i32 to vector<16xi32>
          %select_n3A_405 = arith.select %and3A_394, %sub3A_387, %broadcast_in_dim3A_404 : vector<16xi1>, vector<16xi32>
          %swap3A_406 = arith.constant 0 : i32
          %swap3A_407 = arith.index_cast %swap3A_406 : i32 to index
          %swap3A_408 = arith.constant 48 : index
          %swap3A_409 = tpu.vector_load %arg16[%swap3A_407, %swap3A_408] {strides = array<i32>} : memref<1x80xi32, #tpu.memory_space<vmem>>, vector<16xi32>,
          tpu.vector_store %arg16[%swap3A_407, %swap3A_408], %select_n3A_405 {strides = array<i32>} : memref<1x80xi32, #tpu.memory_space<vmem>>, vector<16xi32>,
          %gather3A_410 = tpu.vector_load_idx %arg9[%add3A_385] : memref<81920xf32, #tpu.memory_space<vmem>>[vector<16xi32>], vector<16xf32>,
          %swap3A_411 = arith.constant 48 : index
          %swap3A_412 = tpu.vector_load %arg18[%swap3A_411] {strides = array<i32>} : memref<80xf32, #tpu.memory_space<vmem>>, vector<16xf32>,
          tpu.vector_store %arg18[%swap3A_411], %gather3A_410 {strides = array<i32>} : memref<80xf32, #tpu.memory_space<vmem>>, vector<16xf32>,
          %mul3A_413 = arith.constant 80 : i32
          %mul3A_414 = arith.muli %add3A_248, %mul3A_413 : i32
          %add3A_415 = arith.constant 64 : i32
          %add3A_416 = arith.addi %mul3A_414, %add3A_415 : i32
          %get3A_417 = arith.index_cast %add3A_416 : i32 to index
          %get3A_418 = tpu.vector_load %arg10[%get3A_417] {strides = array<i32>} : memref<4000xi32, #tpu.memory_space<vmem>>, vector<16xi32>,
          %get3A_419 = arith.index_cast %add3A_416 : i32 to index
          %get3A_420 = tpu.vector_load %arg11[%get3A_419] {strides = array<i32>} : memref<4000xi32, #tpu.memory_space<vmem>>, vector<16xi32>,
          %get3A_421 = arith.index_cast %add3A_416 : i32 to index
          %get3A_422 = tpu.vector_load %arg12[%get3A_421] {strides = array<i32>} : memref<4000xi32, #tpu.memory_space<vmem>>, vector<16xi32>,
          %mul3A_423 = arith.constant 8 : i32
          %mul3A_424 = vector.broadcast %mul3A_423 : i32 to vector<16xi32>
          %mul3A_425 = arith.muli %get3A_420, %mul3A_424 : vector<16xi32>
          %add3A_426 = arith.addi %mul3A_425, %get3A_422 : vector<16xi32>
          %sub3A_427 = vector.broadcast %mul3A_18 : i32 to vector<16xi32>
          %sub3A_428 = arith.subi %get3A_420, %sub3A_427 : vector<16xi32>
          %ge3A_429 = arith.constant 0 : i32
          %ge3A_430 = vector.broadcast %ge3A_429 : i32 to vector<16xi32>
          %ge3A_431 = arith.cmpi sge, %sub3A_428, %ge3A_430 : vector<16xi32>
          %lt3A_432 = arith.constant 1792 : i32
          %lt3A_433 = vector.broadcast %lt3A_432 : i32 to vector<16xi32>
          %lt3A_434 = arith.cmpi slt, %sub3A_428, %lt3A_433 : vector<16xi32>
          %and3A_435 = arith.andi %ge3A_431, %lt3A_434 : vector<16xi1>
          %mul3A_436 = arith.constant 8 : i32
          %mul3A_437 = vector.broadcast %mul3A_436 : i32 to vector<16xi32>
          %mul3A_438 = arith.muli %get3A_418, %mul3A_437 : vector<16xi32>
          %add3A_439 = arith.addi %mul3A_438, %get3A_422 : vector<16xi32>
          %swap3A_440 = arith.constant 0 : i32
          %swap3A_441 = arith.index_cast %swap3A_440 : i32 to index
          %swap3A_442 = arith.constant 64 : index
          %swap3A_443 = tpu.vector_load %arg14[%swap3A_441, %swap3A_442] {strides = array<i32>} : memref<1x80xi32, #tpu.memory_space<vmem>>, vector<16xi32>,
          tpu.vector_store %arg14[%swap3A_441, %swap3A_442], %add3A_439 {strides = array<i32>} : memref<1x80xi32, #tpu.memory_space<vmem>>, vector<16xi32>,
          %jit3A_444 = arith.constant 1792 : i32
          %broadcast_in_dim3A_445 = vector.broadcast %jit3A_444 : i32 to vector<16xi32>
          %select_n3A_446 = arith.select %and3A_435, %sub3A_428, %broadcast_in_dim3A_445 : vector<16xi1>, vector<16xi32>
          %swap3A_447 = arith.constant 0 : i32
          %swap3A_448 = arith.index_cast %swap3A_447 : i32 to index
          %swap3A_449 = arith.constant 64 : index
          %swap3A_450 = tpu.vector_load %arg16[%swap3A_448, %swap3A_449] {strides = array<i32>} : memref<1x80xi32, #tpu.memory_space<vmem>>, vector<16xi32>,
          tpu.vector_store %arg16[%swap3A_448, %swap3A_449], %select_n3A_446 {strides = array<i32>} : memref<1x80xi32, #tpu.memory_space<vmem>>, vector<16xi32>,
          %gather3A_451 = tpu.vector_load_idx %arg9[%add3A_426] : memref<81920xf32, #tpu.memory_space<vmem>>[vector<16xi32>], vector<16xf32>,
          %swap3A_452 = arith.constant 64 : index
          %swap3A_453 = tpu.vector_load %arg18[%swap3A_452] {strides = array<i32>} : memref<80xf32, #tpu.memory_space<vmem>>, vector<16xf32>,
          tpu.vector_store %arg18[%swap3A_452], %gather3A_451 {strides = array<i32>} : memref<80xf32, #tpu.memory_space<vmem>>, vector<16xf32>,
          %dma_start3A_454 = arith.constant 0 : i32
          %dma_start3A_455 = arith.constant 0 : i32
          %dma_start3A_456 = tpu.memref_slice %arg14[%dma_start3A_454, %dma_start3A_455] : memref<1x80xi32, #tpu.memory_space<vmem>> -> memref<1x80xi32, #tpu.memory_space<vmem>>
          %dma_start3A_457 = tpu.memref_squeeze %dma_start3A_456 : memref<1x80xi32, #tpu.memory_space<vmem>> -> memref<80xi32, #tpu.memory_space<vmem>>
          %dma_start3A_458 = arith.constant 0 : i32
          %dma_start3A_459 = arith.constant 0 : i32
          %dma_start3A_460 = tpu.memref_slice %arg5[%dma_start3A_458, %dma_start3A_459] : memref<80000x128xf32, #tpu.memory_space<hbm>> -> memref<80000x128xf32, #tpu.memory_space<hbm>>
          tpu.enqueue_indirect_dma source(%dma_start3A_460 : memref<80000x128xf32, #tpu.memory_space<hbm>>) target(%arg20 : memref<80x128xf32, #tpu.memory_space<vmem>>) offsets(%dma_start3A_457 : memref<80xi32, #tpu.memory_space<vmem>>) semaphore(%arg23 : memref<!tpu.dma_semaphore, #tpu.memory_space<semaphore_mem>>)
          %dma_wait3A_461 = arith.constant 0 : i32
          %dma_wait3A_462 = arith.constant 0 : i32
          %dma_wait3A_463 = tpu.memref_slice %arg5[%dma_wait3A_461, %dma_wait3A_462] : memref<80000x128xf32, #tpu.memory_space<hbm>> -> memref<80x128xf32, #tpu.memory_space<hbm>>
          %dma_wait3A_464 = arith.constant 0 : i32
          %dma_wait3A_465 = arith.constant 0 : i32
          %dma_wait3A_466 = tpu.memref_slice %arg5[%dma_wait3A_464, %dma_wait3A_465] : memref<80000x128xf32, #tpu.memory_space<hbm>> -> memref<80x128xf32, #tpu.memory_space<hbm>>
          tpu.wait_dma2 semaphore(%arg22 : memref<!tpu.dma_semaphore, #tpu.memory_space<semaphore_mem>>) src(%dma_wait3A_466 : memref<80x128xf32, #tpu.memory_space<hbm>>) dst(%arg19 : memref<80x128xf32, #tpu.memory_space<vmem>>)
          %scan3A_467 = arith.constant 0 : i32
          %scan3A_468 = arith.constant 80 : i32
          %scan3A_469 = arith.addi %scan3A_467, %scan3A_468 : i32
          %scan3A_470 = arith.constant 4 : i32
          scf.for %scan3A_504 = %scan3A_467 to %scan3A_469 step %scan3A_470  : i32 {
            %mul3A_505 = arith.constant 1 : i32
            %mul3A_506 = arith.muli %scan3A_504, %mul3A_505 : i32
            %add3A_507 = arith.constant 0 : i32
            %add3A_508 = arith.addi %add3A_507, %mul3A_506 : i32
            %broadcast_in_dim3A_509 = arith.constant 0 : i32
            %broadcast_in_dim3A_510 = vector.broadcast %broadcast_in_dim3A_509 : i32 to vector<16xi32>
            %add3A_511 = vector.broadcast %add3A_508 : i32 to vector<16xi32>
            %add3A_512 = arith.addi %broadcast_in_dim3A_510, %add3A_511 : vector<16xi32>
            %gather3A_513 = tpu.vector_load_idx %arg17[%add3A_512] : memref<80xf32, #tpu.memory_space<vmem>>[vector<16xi32>], vector<16xf32>,
            %get3A_514 = arith.index_cast %add3A_508 : i32 to index
            %get3A_515 = arith.constant 0 : index
            %get3A_516 = tpu.vector_load %arg19[%get3A_514, %get3A_515] {strides = array<i32>} : memref<80x128xf32, #tpu.memory_space<vmem>>, vector<16xf32>,
            %mul3A_517 = arith.mulf %get3A_516, %gather3A_513 : vector<16xf32>
            %swap3A_518 = arith.index_cast %add3A_508 : i32 to index
            %swap3A_519 = arith.constant 0 : index
            %swap3A_520 = tpu.vector_load %arg19[%swap3A_518, %swap3A_519] {strides = array<i32>} : memref<80x128xf32, #tpu.memory_space<vmem>>, vector<16xf32>,
            tpu.vector_store %arg19[%swap3A_518, %swap3A_519], %mul3A_517 {strides = array<i32>} : memref<80x128xf32, #tpu.memory_space<vmem>>, vector<16xf32>,
            %get3A_521 = arith.index_cast %add3A_508 : i32 to index
            %get3A_522 = arith.constant 16 : index
            %get3A_523 = tpu.vector_load %arg19[%get3A_521, %get3A_522] {strides = array<i32>} : memref<80x128xf32, #tpu.memory_space<vmem>>, vector<16xf32>,
            %mul3A_524 = arith.mulf %get3A_523, %gather3A_513 : vector<16xf32>
            %swap3A_525 = arith.index_cast %add3A_508 : i32 to index
            %swap3A_526 = arith.constant 16 : index
            %swap3A_527 = tpu.vector_load %arg19[%swap3A_525, %swap3A_526] {strides = array<i32>} : memref<80x128xf32, #tpu.memory_space<vmem>>, vector<16xf32>,
            tpu.vector_store %arg19[%swap3A_525, %swap3A_526], %mul3A_524 {strides = array<i32>} : memref<80x128xf32, #tpu.memory_space<vmem>>, vector<16xf32>,
            %get3A_528 = arith.index_cast %add3A_508 : i32 to index
            %get3A_529 = arith.constant 32 : index
            %get3A_530 = tpu.vector_load %arg19[%get3A_528, %get3A_529] {strides = array<i32>} : memref<80x128xf32, #tpu.memory_space<vmem>>, vector<16xf32>,
            %mul3A_531 = arith.mulf %get3A_530, %gather3A_513 : vector<16xf32>
            %swap3A_532 = arith.index_cast %add3A_508 : i32 to index
            %swap3A_533 = arith.constant 32 : index
            %swap3A_534 = tpu.vector_load %arg19[%swap3A_532, %swap3A_533] {strides = array<i32>} : memref<80x128xf32, #tpu.memory_space<vmem>>, vector<16xf32>,
            tpu.vector_store %arg19[%swap3A_532, %swap3A_533], %mul3A_531 {strides = array<i32>} : memref<80x128xf32, #tpu.memory_space<vmem>>, vector<16xf32>,
            %get3A_535 = arith.index_cast %add3A_508 : i32 to index
            %get3A_536 = arith.constant 48 : index
            %get3A_537 = tpu.vector_load %arg19[%get3A_535, %get3A_536] {strides = array<i32>} : memref<80x128xf32, #tpu.memory_space<vmem>>, vector<16xf32>,
            %mul3A_538 = arith.mulf %get3A_537, %gather3A_513 : vector<16xf32>
            %swap3A_539 = arith.index_cast %add3A_508 : i32 to index
            %swap3A_540 = arith.constant 48 : index
            %swap3A_541 = tpu.vector_load %arg19[%swap3A_539, %swap3A_540] {strides = array<i32>} : memref<80x128xf32, #tpu.memory_space<vmem>>, vector<16xf32>,
            tpu.vector_store %arg19[%swap3A_539, %swap3A_540], %mul3A_538 {strides = array<i32>} : memref<80x128xf32, #tpu.memory_space<vmem>>, vector<16xf32>,
            %get3A_542 = arith.index_cast %add3A_508 : i32 to index
            %get3A_543 = arith.constant 64 : index
            %get3A_544 = tpu.vector_load %arg19[%get3A_542, %get3A_543] {strides = array<i32>} : memref<80x128xf32, #tpu.memory_space<vmem>>, vector<16xf32>,
            %mul3A_545 = arith.mulf %get3A_544, %gather3A_513 : vector<16xf32>
            %swap3A_546 = arith.index_cast %add3A_508 : i32 to index
            %swap3A_547 = arith.constant 64 : index
            %swap3A_548 = tpu.vector_load %arg19[%swap3A_546, %swap3A_547] {strides = array<i32>} : memref<80x128xf32, #tpu.memory_space<vmem>>, vector<16xf32>,
            tpu.vector_store %arg19[%swap3A_546, %swap3A_547], %mul3A_545 {strides = array<i32>} : memref<80x128xf32, #tpu.memory_space<vmem>>, vector<16xf32>,
            %get3A_549 = arith.index_cast %add3A_508 : i32 to index
            %get3A_550 = arith.constant 80 : index
            %get3A_551 = tpu.vector_load %arg19[%get3A_549, %get3A_550] {strides = array<i32>} : memref<80x128xf32, #tpu.memory_space<vmem>>, vector<16xf32>,
            %mul3A_552 = arith.mulf %get3A_551, %gather3A_513 : vector<16xf32>
            %swap3A_553 = arith.index_cast %add3A_508 : i32 to index
            %swap3A_554 = arith.constant 80 : index
            %swap3A_555 = tpu.vector_load %arg19[%swap3A_553, %swap3A_554] {strides = array<i32>} : memref<80x128xf32, #tpu.memory_space<vmem>>, vector<16xf32>,
            tpu.vector_store %arg19[%swap3A_553, %swap3A_554], %mul3A_552 {strides = array<i32>} : memref<80x128xf32, #tpu.memory_space<vmem>>, vector<16xf32>,
            %get3A_556 = arith.index_cast %add3A_508 : i32 to index
            %get3A_557 = arith.constant 96 : index
            %get3A_558 = tpu.vector_load %arg19[%get3A_556, %get3A_557] {strides = array<i32>} : memref<80x128xf32, #tpu.memory_space<vmem>>, vector<16xf32>,
            %mul3A_559 = arith.mulf %get3A_558, %gather3A_513 : vector<16xf32>
            %swap3A_560 = arith.index_cast %add3A_508 : i32 to index
            %swap3A_561 = arith.constant 96 : index
            %swap3A_562 = tpu.vector_load %arg19[%swap3A_560, %swap3A_561] {strides = array<i32>} : memref<80x128xf32, #tpu.memory_space<vmem>>, vector<16xf32>,
            tpu.vector_store %arg19[%swap3A_560, %swap3A_561], %mul3A_559 {strides = array<i32>} : memref<80x128xf32, #tpu.memory_space<vmem>>, vector<16xf32>,
            %get3A_563 = arith.index_cast %add3A_508 : i32 to index
            %get3A_564 = arith.constant 112 : index
            %get3A_565 = tpu.vector_load %arg19[%get3A_563, %get3A_564] {strides = array<i32>} : memref<80x128xf32, #tpu.memory_space<vmem>>, vector<16xf32>,
            %mul3A_566 = arith.mulf %get3A_565, %gather3A_513 : vector<16xf32>
            %swap3A_567 = arith.index_cast %add3A_508 : i32 to index
            %swap3A_568 = arith.constant 112 : index
            %swap3A_569 = tpu.vector_load %arg19[%swap3A_567, %swap3A_568] {strides = array<i32>} : memref<80x128xf32, #tpu.memory_space<vmem>>, vector<16xf32>,
            tpu.vector_store %arg19[%swap3A_567, %swap3A_568], %mul3A_566 {strides = array<i32>} : memref<80x128xf32, #tpu.memory_space<vmem>>, vector<16xf32>,
            %scan3A_570 = arith.constant 1 : i32
            %scan3A_571 = arith.addi %scan3A_504, %scan3A_570 : i32
            %mul3A_572 = arith.constant 1 : i32
            %mul3A_573 = arith.muli %scan3A_571, %mul3A_572 : i32
            %add3A_574 = arith.constant 0 : i32
            %add3A_575 = arith.addi %add3A_574, %mul3A_573 : i32
            %broadcast_in_dim3A_576 = arith.constant 0 : i32
            %broadcast_in_dim3A_577 = vector.broadcast %broadcast_in_dim3A_576 : i32 to vector<16xi32>
            %add3A_578 = vector.broadcast %add3A_575 : i32 to vector<16xi32>
            %add3A_579 = arith.addi %broadcast_in_dim3A_577, %add3A_578 : vector<16xi32>
            %gather3A_580 = tpu.vector_load_idx %arg17[%add3A_579] : memref<80xf32, #tpu.memory_space<vmem>>[vector<16xi32>], vector<16xf32>,
            %get3A_581 = arith.index_cast %add3A_575 : i32 to index
            %get3A_582 = arith.constant 0 : index
            %get3A_583 = tpu.vector_load %arg19[%get3A_581, %get3A_582] {strides = array<i32>} : memref<80x128xf32, #tpu.memory_space<vmem>>, vector<16xf32>,
            %mul3A_584 = arith.mulf %get3A_583, %gather3A_580 : vector<16xf32>
            %swap3A_585 = arith.index_cast %add3A_575 : i32 to index
            %swap3A_586 = arith.constant 0 : index
            %swap3A_587 = tpu.vector_load %arg19[%swap3A_585, %swap3A_586] {strides = array<i32>} : memref<80x128xf32, #tpu.memory_space<vmem>>, vector<16xf32>,
            tpu.vector_store %arg19[%swap3A_585, %swap3A_586], %mul3A_584 {strides = array<i32>} : memref<80x128xf32, #tpu.memory_space<vmem>>, vector<16xf32>,
            %get3A_588 = arith.index_cast %add3A_575 : i32 to index
            %get3A_589 = arith.constant 16 : index
            %get3A_590 = tpu.vector_load %arg19[%get3A_588, %get3A_589] {strides = array<i32>} : memref<80x128xf32, #tpu.memory_space<vmem>>, vector<16xf32>,
            %mul3A_591 = arith.mulf %get3A_590, %gather3A_580 : vector<16xf32>
            %swap3A_592 = arith.index_cast %add3A_575 : i32 to index
            %swap3A_593 = arith.constant 16 : index
            %swap3A_594 = tpu.vector_load %arg19[%swap3A_592, %swap3A_593] {strides = array<i32>} : memref<80x128xf32, #tpu.memory_space<vmem>>, vector<16xf32>,
            tpu.vector_store %arg19[%swap3A_592, %swap3A_593], %mul3A_591 {strides = array<i32>} : memref<80x128xf32, #tpu.memory_space<vmem>>, vector<16xf32>,
            %get3A_595 = arith.index_cast %add3A_575 : i32 to index
            %get3A_596 = arith.constant 32 : index
            %get3A_597 = tpu.vector_load %arg19[%get3A_595, %get3A_596] {strides = array<i32>} : memref<80x128xf32, #tpu.memory_space<vmem>>, vector<16xf32>,
            %mul3A_598 = arith.mulf %get3A_597, %gather3A_580 : vector<16xf32>
            %swap3A_599 = arith.index_cast %add3A_575 : i32 to index
            %swap3A_600 = arith.constant 32 : index
            %swap3A_601 = tpu.vector_load %arg19[%swap3A_599, %swap3A_600] {strides = array<i32>} : memref<80x128xf32, #tpu.memory_space<vmem>>, vector<16xf32>,
            tpu.vector_store %arg19[%swap3A_599, %swap3A_600], %mul3A_598 {strides = array<i32>} : memref<80x128xf32, #tpu.memory_space<vmem>>, vector<16xf32>,
            %get3A_602 = arith.index_cast %add3A_575 : i32 to index
            %get3A_603 = arith.constant 48 : index
            %get3A_604 = tpu.vector_load %arg19[%get3A_602, %get3A_603] {strides = array<i32>} : memref<80x128xf32, #tpu.memory_space<vmem>>, vector<16xf32>,
            %mul3A_605 = arith.mulf %get3A_604, %gather3A_580 : vector<16xf32>
            %swap3A_606 = arith.index_cast %add3A_575 : i32 to index
            %swap3A_607 = arith.constant 48 : index
            %swap3A_608 = tpu.vector_load %arg19[%swap3A_606, %swap3A_607] {strides = array<i32>} : memref<80x128xf32, #tpu.memory_space<vmem>>, vector<16xf32>,
            tpu.vector_store %arg19[%swap3A_606, %swap3A_607], %mul3A_605 {strides = array<i32>} : memref<80x128xf32, #tpu.memory_space<vmem>>, vector<16xf32>,
            %get3A_609 = arith.index_cast %add3A_575 : i32 to index
            %get3A_610 = arith.constant 64 : index
            %get3A_611 = tpu.vector_load %arg19[%get3A_609, %get3A_610] {strides = array<i32>} : memref<80x128xf32, #tpu.memory_space<vmem>>, vector<16xf32>,
            %mul3A_612 = arith.mulf %get3A_611, %gather3A_580 : vector<16xf32>
            %swap3A_613 = arith.index_cast %add3A_575 : i32 to index
            %swap3A_614 = arith.constant 64 : index
            %swap3A_615 = tpu.vector_load %arg19[%swap3A_613, %swap3A_614] {strides = array<i32>} : memref<80x128xf32, #tpu.memory_space<vmem>>, vector<16xf32>,
            tpu.vector_store %arg19[%swap3A_613, %swap3A_614], %mul3A_612 {strides = array<i32>} : memref<80x128xf32, #tpu.memory_space<vmem>>, vector<16xf32>,
            %get3A_616 = arith.index_cast %add3A_575 : i32 to index
            %get3A_617 = arith.constant 80 : index
            %get3A_618 = tpu.vector_load %arg19[%get3A_616, %get3A_617] {strides = array<i32>} : memref<80x128xf32, #tpu.memory_space<vmem>>, vector<16xf32>,
            %mul3A_619 = arith.mulf %get3A_618, %gather3A_580 : vector<16xf32>
            %swap3A_620 = arith.index_cast %add3A_575 : i32 to index
            %swap3A_621 = arith.constant 80 : index
            %swap3A_622 = tpu.vector_load %arg19[%swap3A_620, %swap3A_621] {strides = array<i32>} : memref<80x128xf32, #tpu.memory_space<vmem>>, vector<16xf32>,
            tpu.vector_store %arg19[%swap3A_620, %swap3A_621], %mul3A_619 {strides = array<i32>} : memref<80x128xf32, #tpu.memory_space<vmem>>, vector<16xf32>,
            %get3A_623 = arith.index_cast %add3A_575 : i32 to index
            %get3A_624 = arith.constant 96 : index
            %get3A_625 = tpu.vector_load %arg19[%get3A_623, %get3A_624] {strides = array<i32>} : memref<80x128xf32, #tpu.memory_space<vmem>>, vector<16xf32>,
            %mul3A_626 = arith.mulf %get3A_625, %gather3A_580 : vector<16xf32>
            %swap3A_627 = arith.index_cast %add3A_575 : i32 to index
            %swap3A_628 = arith.constant 96 : index
            %swap3A_629 = tpu.vector_load %arg19[%swap3A_627, %swap3A_628] {strides = array<i32>} : memref<80x128xf32, #tpu.memory_space<vmem>>, vector<16xf32>,
            tpu.vector_store %arg19[%swap3A_627, %swap3A_628], %mul3A_626 {strides = array<i32>} : memref<80x128xf32, #tpu.memory_space<vmem>>, vector<16xf32>,
            %get3A_630 = arith.index_cast %add3A_575 : i32 to index
            %get3A_631 = arith.constant 112 : index
            %get3A_632 = tpu.vector_load %arg19[%get3A_630, %get3A_631] {strides = array<i32>} : memref<80x128xf32, #tpu.memory_space<vmem>>, vector<16xf32>,
            %mul3A_633 = arith.mulf %get3A_632, %gather3A_580 : vector<16xf32>
            %swap3A_634 = arith.index_cast %add3A_575 : i32 to index
            %swap3A_635 = arith.constant 112 : index
            %swap3A_636 = tpu.vector_load %arg19[%swap3A_634, %swap3A_635] {strides = array<i32>} : memref<80x128xf32, #tpu.memory_space<vmem>>, vector<16xf32>,
            tpu.vector_store %arg19[%swap3A_634, %swap3A_635], %mul3A_633 {strides = array<i32>} : memref<80x128xf32, #tpu.memory_space<vmem>>, vector<16xf32>,
            %scan3A_637 = arith.constant 2 : i32
            %scan3A_638 = arith.addi %scan3A_504, %scan3A_637 : i32
            %mul3A_639 = arith.constant 1 : i32
            %mul3A_640 = arith.muli %scan3A_638, %mul3A_639 : i32
            %add3A_641 = arith.constant 0 : i32
            %add3A_642 = arith.addi %add3A_641, %mul3A_640 : i32
            %broadcast_in_dim3A_643 = arith.constant 0 : i32
            %broadcast_in_dim3A_644 = vector.broadcast %broadcast_in_dim3A_643 : i32 to vector<16xi32>
            %add3A_645 = vector.broadcast %add3A_642 : i32 to vector<16xi32>
            %add3A_646 = arith.addi %broadcast_in_dim3A_644, %add3A_645 : vector<16xi32>
            %gather3A_647 = tpu.vector_load_idx %arg17[%add3A_646] : memref<80xf32, #tpu.memory_space<vmem>>[vector<16xi32>], vector<16xf32>,
            %get3A_648 = arith.index_cast %add3A_642 : i32 to index
            %get3A_649 = arith.constant 0 : index
            %get3A_650 = tpu.vector_load %arg19[%get3A_648, %get3A_649] {strides = array<i32>} : memref<80x128xf32, #tpu.memory_space<vmem>>, vector<16xf32>,
            %mul3A_651 = arith.mulf %get3A_650, %gather3A_647 : vector<16xf32>
            %swap3A_652 = arith.index_cast %add3A_642 : i32 to index
            %swap3A_653 = arith.constant 0 : index
            %swap3A_654 = tpu.vector_load %arg19[%swap3A_652, %swap3A_653] {strides = array<i32>} : memref<80x128xf32, #tpu.memory_space<vmem>>, vector<16xf32>,
            tpu.vector_store %arg19[%swap3A_652, %swap3A_653], %mul3A_651 {strides = array<i32>} : memref<80x128xf32, #tpu.memory_space<vmem>>, vector<16xf32>,
            %get3A_655 = arith.index_cast %add3A_642 : i32 to index
            %get3A_656 = arith.constant 16 : index
            %get3A_657 = tpu.vector_load %arg19[%get3A_655, %get3A_656] {strides = array<i32>} : memref<80x128xf32, #tpu.memory_space<vmem>>, vector<16xf32>,
            %mul3A_658 = arith.mulf %get3A_657, %gather3A_647 : vector<16xf32>
            %swap3A_659 = arith.index_cast %add3A_642 : i32 to index
            %swap3A_660 = arith.constant 16 : index
            %swap3A_661 = tpu.vector_load %arg19[%swap3A_659, %swap3A_660] {strides = array<i32>} : memref<80x128xf32, #tpu.memory_space<vmem>>, vector<16xf32>,
            tpu.vector_store %arg19[%swap3A_659, %swap3A_660], %mul3A_658 {strides = array<i32>} : memref<80x128xf32, #tpu.memory_space<vmem>>, vector<16xf32>,
            %get3A_662 = arith.index_cast %add3A_642 : i32 to index
            %get3A_663 = arith.constant 32 : index
            %get3A_664 = tpu.vector_load %arg19[%get3A_662, %get3A_663] {strides = array<i32>} : memref<80x128xf32, #tpu.memory_space<vmem>>, vector<16xf32>,
            %mul3A_665 = arith.mulf %get3A_664, %gather3A_647 : vector<16xf32>
            %swap3A_666 = arith.index_cast %add3A_642 : i32 to index
            %swap3A_667 = arith.constant 32 : index
            %swap3A_668 = tpu.vector_load %arg19[%swap3A_666, %swap3A_667] {strides = array<i32>} : memref<80x128xf32, #tpu.memory_space<vmem>>, vector<16xf32>,
            tpu.vector_store %arg19[%swap3A_666, %swap3A_667], %mul3A_665 {strides = array<i32>} : memref<80x128xf32, #tpu.memory_space<vmem>>, vector<16xf32>,
            %get3A_669 = arith.index_cast %add3A_642 : i32 to index
            %get3A_670 = arith.constant 48 : index
            %get3A_671 = tpu.vector_load %arg19[%get3A_669, %get3A_670] {strides = array<i32>} : memref<80x128xf32, #tpu.memory_space<vmem>>, vector<16xf32>,
            %mul3A_672 = arith.mulf %get3A_671, %gather3A_647 : vector<16xf32>
            %swap3A_673 = arith.index_cast %add3A_642 : i32 to index
            %swap3A_674 = arith.constant 48 : index
            %swap3A_675 = tpu.vector_load %arg19[%swap3A_673, %swap3A_674] {strides = array<i32>} : memref<80x128xf32, #tpu.memory_space<vmem>>, vector<16xf32>,
            tpu.vector_store %arg19[%swap3A_673, %swap3A_674], %mul3A_672 {strides = array<i32>} : memref<80x128xf32, #tpu.memory_space<vmem>>, vector<16xf32>,
            %get3A_676 = arith.index_cast %add3A_642 : i32 to index
            %get3A_677 = arith.constant 64 : index
            %get3A_678 = tpu.vector_load %arg19[%get3A_676, %get3A_677] {strides = array<i32>} : memref<80x128xf32, #tpu.memory_space<vmem>>, vector<16xf32>,
            %mul3A_679 = arith.mulf %get3A_678, %gather3A_647 : vector<16xf32>
            %swap3A_680 = arith.index_cast %add3A_642 : i32 to index
            %swap3A_681 = arith.constant 64 : index
            %swap3A_682 = tpu.vector_load %arg19[%swap3A_680, %swap3A_681] {strides = array<i32>} : memref<80x128xf32, #tpu.memory_space<vmem>>, vector<16xf32>,
            tpu.vector_store %arg19[%swap3A_680, %swap3A_681], %mul3A_679 {strides = array<i32>} : memref<80x128xf32, #tpu.memory_space<vmem>>, vector<16xf32>,
            %get3A_683 = arith.index_cast %add3A_642 : i32 to index
            %get3A_684 = arith.constant 80 : index
            %get3A_685 = tpu.vector_load %arg19[%get3A_683, %get3A_684] {strides = array<i32>} : memref<80x128xf32, #tpu.memory_space<vmem>>, vector<16xf32>,
            %mul3A_686 = arith.mulf %get3A_685, %gather3A_647 : vector<16xf32>
            %swap3A_687 = arith.index_cast %add3A_642 : i32 to index
            %swap3A_688 = arith.constant 80 : index
            %swap3A_689 = tpu.vector_load %arg19[%swap3A_687, %swap3A_688] {strides = array<i32>} : memref<80x128xf32, #tpu.memory_space<vmem>>, vector<16xf32>,
            tpu.vector_store %arg19[%swap3A_687, %swap3A_688], %mul3A_686 {strides = array<i32>} : memref<80x128xf32, #tpu.memory_space<vmem>>, vector<16xf32>,
            %get3A_690 = arith.index_cast %add3A_642 : i32 to index
            %get3A_691 = arith.constant 96 : index
            %get3A_692 = tpu.vector_load %arg19[%get3A_690, %get3A_691] {strides = array<i32>} : memref<80x128xf32, #tpu.memory_space<vmem>>, vector<16xf32>,
            %mul3A_693 = arith.mulf %get3A_692, %gather3A_647 : vector<16xf32>
            %swap3A_694 = arith.index_cast %add3A_642 : i32 to index
            %swap3A_695 = arith.constant 96 : index
            %swap3A_696 = tpu.vector_load %arg19[%swap3A_694, %swap3A_695] {strides = array<i32>} : memref<80x128xf32, #tpu.memory_space<vmem>>, vector<16xf32>,
            tpu.vector_store %arg19[%swap3A_694, %swap3A_695], %mul3A_693 {strides = array<i32>} : memref<80x128xf32, #tpu.memory_space<vmem>>, vector<16xf32>,
            %get3A_697 = arith.index_cast %add3A_642 : i32 to index
            %get3A_698 = arith.constant 112 : index
            %get3A_699 = tpu.vector_load %arg19[%get3A_697, %get3A_698] {strides = array<i32>} : memref<80x128xf32, #tpu.memory_space<vmem>>, vector<16xf32>,
            %mul3A_700 = arith.mulf %get3A_699, %gather3A_647 : vector<16xf32>
            %swap3A_701 = arith.index_cast %add3A_642 : i32 to index
            %swap3A_702 = arith.constant 112 : index
            %swap3A_703 = tpu.vector_load %arg19[%swap3A_701, %swap3A_702] {strides = array<i32>} : memref<80x128xf32, #tpu.memory_space<vmem>>, vector<16xf32>,
            tpu.vector_store %arg19[%swap3A_701, %swap3A_702], %mul3A_700 {strides = array<i32>} : memref<80x128xf32, #tpu.memory_space<vmem>>, vector<16xf32>,
            %scan3A_704 = arith.constant 3 : i32
            %scan3A_705 = arith.addi %scan3A_504, %scan3A_704 : i32
            %mul3A_706 = arith.constant 1 : i32
            %mul3A_707 = arith.muli %scan3A_705, %mul3A_706 : i32
            %add3A_708 = arith.constant 0 : i32
            %add3A_709 = arith.addi %add3A_708, %mul3A_707 : i32
            %broadcast_in_dim3A_710 = arith.constant 0 : i32
            %broadcast_in_dim3A_711 = vector.broadcast %broadcast_in_dim3A_710 : i32 to vector<16xi32>
            %add3A_712 = vector.broadcast %add3A_709 : i32 to vector<16xi32>
            %add3A_713 = arith.addi %broadcast_in_dim3A_711, %add3A_712 : vector<16xi32>
            %gather3A_714 = tpu.vector_load_idx %arg17[%add3A_713] : memref<80xf32, #tpu.memory_space<vmem>>[vector<16xi32>], vector<16xf32>,
            %get3A_715 = arith.index_cast %add3A_709 : i32 to index
            %get3A_716 = arith.constant 0 : index
            %get3A_717 = tpu.vector_load %arg19[%get3A_715, %get3A_716] {strides = array<i32>} : memref<80x128xf32, #tpu.memory_space<vmem>>, vector<16xf32>,
            %mul3A_718 = arith.mulf %get3A_717, %gather3A_714 : vector<16xf32>
            %swap3A_719 = arith.index_cast %add3A_709 : i32 to index
            %swap3A_720 = arith.constant 0 : index
            %swap3A_721 = tpu.vector_load %arg19[%swap3A_719, %swap3A_720] {strides = array<i32>} : memref<80x128xf32, #tpu.memory_space<vmem>>, vector<16xf32>,
            tpu.vector_store %arg19[%swap3A_719, %swap3A_720], %mul3A_718 {strides = array<i32>} : memref<80x128xf32, #tpu.memory_space<vmem>>, vector<16xf32>,
            %get3A_722 = arith.index_cast %add3A_709 : i32 to index
            %get3A_723 = arith.constant 16 : index
            %get3A_724 = tpu.vector_load %arg19[%get3A_722, %get3A_723] {strides = array<i32>} : memref<80x128xf32, #tpu.memory_space<vmem>>, vector<16xf32>,
            %mul3A_725 = arith.mulf %get3A_724, %gather3A_714 : vector<16xf32>
            %swap3A_726 = arith.index_cast %add3A_709 : i32 to index
            %swap3A_727 = arith.constant 16 : index
            %swap3A_728 = tpu.vector_load %arg19[%swap3A_726, %swap3A_727] {strides = array<i32>} : memref<80x128xf32, #tpu.memory_space<vmem>>, vector<16xf32>,
            tpu.vector_store %arg19[%swap3A_726, %swap3A_727], %mul3A_725 {strides = array<i32>} : memref<80x128xf32, #tpu.memory_space<vmem>>, vector<16xf32>,
            %get3A_729 = arith.index_cast %add3A_709 : i32 to index
            %get3A_730 = arith.constant 32 : index
            %get3A_731 = tpu.vector_load %arg19[%get3A_729, %get3A_730] {strides = array<i32>} : memref<80x128xf32, #tpu.memory_space<vmem>>, vector<16xf32>,
            %mul3A_732 = arith.mulf %get3A_731, %gather3A_714 : vector<16xf32>
            %swap3A_733 = arith.index_cast %add3A_709 : i32 to index
            %swap3A_734 = arith.constant 32 : index
            %swap3A_735 = tpu.vector_load %arg19[%swap3A_733, %swap3A_734] {strides = array<i32>} : memref<80x128xf32, #tpu.memory_space<vmem>>, vector<16xf32>,
            tpu.vector_store %arg19[%swap3A_733, %swap3A_734], %mul3A_732 {strides = array<i32>} : memref<80x128xf32, #tpu.memory_space<vmem>>, vector<16xf32>,
            %get3A_736 = arith.index_cast %add3A_709 : i32 to index
            %get3A_737 = arith.constant 48 : index
            %get3A_738 = tpu.vector_load %arg19[%get3A_736, %get3A_737] {strides = array<i32>} : memref<80x128xf32, #tpu.memory_space<vmem>>, vector<16xf32>,
            %mul3A_739 = arith.mulf %get3A_738, %gather3A_714 : vector<16xf32>
            %swap3A_740 = arith.index_cast %add3A_709 : i32 to index
            %swap3A_741 = arith.constant 48 : index
            %swap3A_742 = tpu.vector_load %arg19[%swap3A_740, %swap3A_741] {strides = array<i32>} : memref<80x128xf32, #tpu.memory_space<vmem>>, vector<16xf32>,
            tpu.vector_store %arg19[%swap3A_740, %swap3A_741], %mul3A_739 {strides = array<i32>} : memref<80x128xf32, #tpu.memory_space<vmem>>, vector<16xf32>,
            %get3A_743 = arith.index_cast %add3A_709 : i32 to index
            %get3A_744 = arith.constant 64 : index
            %get3A_745 = tpu.vector_load %arg19[%get3A_743, %get3A_744] {strides = array<i32>} : memref<80x128xf32, #tpu.memory_space<vmem>>, vector<16xf32>,
            %mul3A_746 = arith.mulf %get3A_745, %gather3A_714 : vector<16xf32>
            %swap3A_747 = arith.index_cast %add3A_709 : i32 to index
            %swap3A_748 = arith.constant 64 : index
            %swap3A_749 = tpu.vector_load %arg19[%swap3A_747, %swap3A_748] {strides = array<i32>} : memref<80x128xf32, #tpu.memory_space<vmem>>, vector<16xf32>,
            tpu.vector_store %arg19[%swap3A_747, %swap3A_748], %mul3A_746 {strides = array<i32>} : memref<80x128xf32, #tpu.memory_space<vmem>>, vector<16xf32>,
            %get3A_750 = arith.index_cast %add3A_709 : i32 to index
            %get3A_751 = arith.constant 80 : index
            %get3A_752 = tpu.vector_load %arg19[%get3A_750, %get3A_751] {strides = array<i32>} : memref<80x128xf32, #tpu.memory_space<vmem>>, vector<16xf32>,
            %mul3A_753 = arith.mulf %get3A_752, %gather3A_714 : vector<16xf32>
            %swap3A_754 = arith.index_cast %add3A_709 : i32 to index
            %swap3A_755 = arith.constant 80 : index
            %swap3A_756 = tpu.vector_load %arg19[%swap3A_754, %swap3A_755] {strides = array<i32>} : memref<80x128xf32, #tpu.memory_space<vmem>>, vector<16xf32>,
            tpu.vector_store %arg19[%swap3A_754, %swap3A_755], %mul3A_753 {strides = array<i32>} : memref<80x128xf32, #tpu.memory_space<vmem>>, vector<16xf32>,
            %get3A_757 = arith.index_cast %add3A_709 : i32 to index
            %get3A_758 = arith.constant 96 : index
            %get3A_759 = tpu.vector_load %arg19[%get3A_757, %get3A_758] {strides = array<i32>} : memref<80x128xf32, #tpu.memory_space<vmem>>, vector<16xf32>,
            %mul3A_760 = arith.mulf %get3A_759, %gather3A_714 : vector<16xf32>
            %swap3A_761 = arith.index_cast %add3A_709 : i32 to index
            %swap3A_762 = arith.constant 96 : index
            %swap3A_763 = tpu.vector_load %arg19[%swap3A_761, %swap3A_762] {strides = array<i32>} : memref<80x128xf32, #tpu.memory_space<vmem>>, vector<16xf32>,
            tpu.vector_store %arg19[%swap3A_761, %swap3A_762], %mul3A_760 {strides = array<i32>} : memref<80x128xf32, #tpu.memory_space<vmem>>, vector<16xf32>,
            %get3A_764 = arith.index_cast %add3A_709 : i32 to index
            %get3A_765 = arith.constant 112 : index
            %get3A_766 = tpu.vector_load %arg19[%get3A_764, %get3A_765] {strides = array<i32>} : memref<80x128xf32, #tpu.memory_space<vmem>>, vector<16xf32>,
            %mul3A_767 = arith.mulf %get3A_766, %gather3A_714 : vector<16xf32>
            %swap3A_768 = arith.index_cast %add3A_709 : i32 to index
            %swap3A_769 = arith.constant 112 : index
            %swap3A_770 = tpu.vector_load %arg19[%swap3A_768, %swap3A_769] {strides = array<i32>} : memref<80x128xf32, #tpu.memory_space<vmem>>, vector<16xf32>,
            tpu.vector_store %arg19[%swap3A_768, %swap3A_769], %mul3A_767 {strides = array<i32>} : memref<80x128xf32, #tpu.memory_space<vmem>>, vector<16xf32>,
          }
          %scan3A_471 = arith.constant 80 : i32
          %dma_start3A_472 = arith.constant 0 : i32
          %dma_start3A_473 = arith.constant 0 : i32
          %dma_start3A_474 = tpu.memref_slice %arg15[%dma_start3A_472, %dma_start3A_473] : memref<1x80xi32, #tpu.memory_space<vmem>> -> memref<1x80xi32, #tpu.memory_space<vmem>>
          %dma_start3A_475 = tpu.memref_squeeze %dma_start3A_474 : memref<1x80xi32, #tpu.memory_space<vmem>> -> memref<80xi32, #tpu.memory_space<vmem>>
          %dma_start3A_476 = arith.constant 0 : i32
          %dma_start3A_477 = arith.constant 0 : i32
          %dma_start3A_478 = tpu.memref_slice %arg21[%dma_start3A_476, %dma_start3A_477] : memref<1800x128xf32, #tpu.memory_space<vmem_shared>> -> memref<1800x128xf32, #tpu.memory_space<vmem_shared>>
          tpu.enqueue_indirect_dma source(%arg19 : memref<80x128xf32, #tpu.memory_space<vmem>>) target(%dma_start3A_478 : memref<1800x128xf32, #tpu.memory_space<vmem_shared>>) offsets(%dma_start3A_475 : memref<80xi32, #tpu.memory_space<vmem>>) semaphore(%arg24 : memref<!tpu.dma_semaphore, #tpu.memory_space<semaphore_mem>>) {add = true}
          %dma_wait3A_479 = arith.constant 0 : i32
          %dma_wait3A_480 = arith.constant 0 : i32
          %dma_wait3A_481 = tpu.memref_slice %arg5[%dma_wait3A_479, %dma_wait3A_480] : memref<80000x128xf32, #tpu.memory_space<hbm>> -> memref<80x128xf32, #tpu.memory_space<hbm>>
          %dma_wait3A_482 = arith.constant 0 : i32
          %dma_wait3A_483 = arith.constant 0 : i32
          %dma_wait3A_484 = tpu.memref_slice %arg5[%dma_wait3A_482, %dma_wait3A_483] : memref<80000x128xf32, #tpu.memory_space<hbm>> -> memref<80x128xf32, #tpu.memory_space<hbm>>
          tpu.wait_dma2 semaphore(%arg23 : memref<!tpu.dma_semaphore, #tpu.memory_space<semaphore_mem>>) src(%dma_wait3A_484 : memref<80x128xf32, #tpu.memory_space<hbm>>) dst(%arg20 : memref<80x128xf32, #tpu.memory_space<vmem>>)
          %scan3A_485 = arith.constant 0 : i32
          %scan3A_486 = arith.constant 80 : i32
          %scan3A_487 = arith.addi %scan3A_485, %scan3A_486 : i32
          %scan3A_488 = arith.constant 4 : i32
          scf.for %scan3A_504 = %scan3A_485 to %scan3A_487 step %scan3A_488  : i32 {
            %mul3A_505 = arith.constant 1 : i32
            %mul3A_506 = arith.muli %scan3A_504, %mul3A_505 : i32
            %add3A_507 = arith.constant 0 : i32
            %add3A_508 = arith.addi %add3A_507, %mul3A_506 : i32
            %broadcast_in_dim3A_509 = arith.constant 0 : i32
            %broadcast_in_dim3A_510 = vector.broadcast %broadcast_in_dim3A_509 : i32 to vector<16xi32>
            %add3A_511 = vector.broadcast %add3A_508 : i32 to vector<16xi32>
            %add3A_512 = arith.addi %broadcast_in_dim3A_510, %add3A_511 : vector<16xi32>
            %gather3A_513 = tpu.vector_load_idx %arg18[%add3A_512] : memref<80xf32, #tpu.memory_space<vmem>>[vector<16xi32>], vector<16xf32>,
            %get3A_514 = arith.index_cast %add3A_508 : i32 to index
            %get3A_515 = arith.constant 0 : index
            %get3A_516 = tpu.vector_load %arg20[%get3A_514, %get3A_515] {strides = array<i32>} : memref<80x128xf32, #tpu.memory_space<vmem>>, vector<16xf32>,
            %mul3A_517 = arith.mulf %get3A_516, %gather3A_513 : vector<16xf32>
            %swap3A_518 = arith.index_cast %add3A_508 : i32 to index
            %swap3A_519 = arith.constant 0 : index
            %swap3A_520 = tpu.vector_load %arg20[%swap3A_518, %swap3A_519] {strides = array<i32>} : memref<80x128xf32, #tpu.memory_space<vmem>>, vector<16xf32>,
            tpu.vector_store %arg20[%swap3A_518, %swap3A_519], %mul3A_517 {strides = array<i32>} : memref<80x128xf32, #tpu.memory_space<vmem>>, vector<16xf32>,
            %get3A_521 = arith.index_cast %add3A_508 : i32 to index
            %get3A_522 = arith.constant 16 : index
            %get3A_523 = tpu.vector_load %arg20[%get3A_521, %get3A_522] {strides = array<i32>} : memref<80x128xf32, #tpu.memory_space<vmem>>, vector<16xf32>,
            %mul3A_524 = arith.mulf %get3A_523, %gather3A_513 : vector<16xf32>
            %swap3A_525 = arith.index_cast %add3A_508 : i32 to index
            %swap3A_526 = arith.constant 16 : index
            %swap3A_527 = tpu.vector_load %arg20[%swap3A_525, %swap3A_526] {strides = array<i32>} : memref<80x128xf32, #tpu.memory_space<vmem>>, vector<16xf32>,
            tpu.vector_store %arg20[%swap3A_525, %swap3A_526], %mul3A_524 {strides = array<i32>} : memref<80x128xf32, #tpu.memory_space<vmem>>, vector<16xf32>,
            %get3A_528 = arith.index_cast %add3A_508 : i32 to index
            %get3A_529 = arith.constant 32 : index
            %get3A_530 = tpu.vector_load %arg20[%get3A_528, %get3A_529] {strides = array<i32>} : memref<80x128xf32, #tpu.memory_space<vmem>>, vector<16xf32>,
            %mul3A_531 = arith.mulf %get3A_530, %gather3A_513 : vector<16xf32>
            %swap3A_532 = arith.index_cast %add3A_508 : i32 to index
            %swap3A_533 = arith.constant 32 : index
            %swap3A_534 = tpu.vector_load %arg20[%swap3A_532, %swap3A_533] {strides = array<i32>} : memref<80x128xf32, #tpu.memory_space<vmem>>, vector<16xf32>,
            tpu.vector_store %arg20[%swap3A_532, %swap3A_533], %mul3A_531 {strides = array<i32>} : memref<80x128xf32, #tpu.memory_space<vmem>>, vector<16xf32>,
            %get3A_535 = arith.index_cast %add3A_508 : i32 to index
            %get3A_536 = arith.constant 48 : index
            %get3A_537 = tpu.vector_load %arg20[%get3A_535, %get3A_536] {strides = array<i32>} : memref<80x128xf32, #tpu.memory_space<vmem>>, vector<16xf32>,
            %mul3A_538 = arith.mulf %get3A_537, %gather3A_513 : vector<16xf32>
            %swap3A_539 = arith.index_cast %add3A_508 : i32 to index
            %swap3A_540 = arith.constant 48 : index
            %swap3A_541 = tpu.vector_load %arg20[%swap3A_539, %swap3A_540] {strides = array<i32>} : memref<80x128xf32, #tpu.memory_space<vmem>>, vector<16xf32>,
            tpu.vector_store %arg20[%swap3A_539, %swap3A_540], %mul3A_538 {strides = array<i32>} : memref<80x128xf32, #tpu.memory_space<vmem>>, vector<16xf32>,
            %get3A_542 = arith.index_cast %add3A_508 : i32 to index
            %get3A_543 = arith.constant 64 : index
            %get3A_544 = tpu.vector_load %arg20[%get3A_542, %get3A_543] {strides = array<i32>} : memref<80x128xf32, #tpu.memory_space<vmem>>, vector<16xf32>,
            %mul3A_545 = arith.mulf %get3A_544, %gather3A_513 : vector<16xf32>
            %swap3A_546 = arith.index_cast %add3A_508 : i32 to index
            %swap3A_547 = arith.constant 64 : index
            %swap3A_548 = tpu.vector_load %arg20[%swap3A_546, %swap3A_547] {strides = array<i32>} : memref<80x128xf32, #tpu.memory_space<vmem>>, vector<16xf32>,
            tpu.vector_store %arg20[%swap3A_546, %swap3A_547], %mul3A_545 {strides = array<i32>} : memref<80x128xf32, #tpu.memory_space<vmem>>, vector<16xf32>,
            %get3A_549 = arith.index_cast %add3A_508 : i32 to index
            %get3A_550 = arith.constant 80 : index
            %get3A_551 = tpu.vector_load %arg20[%get3A_549, %get3A_550] {strides = array<i32>} : memref<80x128xf32, #tpu.memory_space<vmem>>, vector<16xf32>,
            %mul3A_552 = arith.mulf %get3A_551, %gather3A_513 : vector<16xf32>
            %swap3A_553 = arith.index_cast %add3A_508 : i32 to index
            %swap3A_554 = arith.constant 80 : index
            %swap3A_555 = tpu.vector_load %arg20[%swap3A_553, %swap3A_554] {strides = array<i32>} : memref<80x128xf32, #tpu.memory_space<vmem>>, vector<16xf32>,
            tpu.vector_store %arg20[%swap3A_553, %swap3A_554], %mul3A_552 {strides = array<i32>} : memref<80x128xf32, #tpu.memory_space<vmem>>, vector<16xf32>,
            %get3A_556 = arith.index_cast %add3A_508 : i32 to index
            %get3A_557 = arith.constant 96 : index
            %get3A_558 = tpu.vector_load %arg20[%get3A_556, %get3A_557] {strides = array<i32>} : memref<80x128xf32, #tpu.memory_space<vmem>>, vector<16xf32>,
            %mul3A_559 = arith.mulf %get3A_558, %gather3A_513 : vector<16xf32>
            %swap3A_560 = arith.index_cast %add3A_508 : i32 to index
            %swap3A_561 = arith.constant 96 : index
            %swap3A_562 = tpu.vector_load %arg20[%swap3A_560, %swap3A_561] {strides = array<i32>} : memref<80x128xf32, #tpu.memory_space<vmem>>, vector<16xf32>,
            tpu.vector_store %arg20[%swap3A_560, %swap3A_561], %mul3A_559 {strides = array<i32>} : memref<80x128xf32, #tpu.memory_space<vmem>>, vector<16xf32>,
            %get3A_563 = arith.index_cast %add3A_508 : i32 to index
            %get3A_564 = arith.constant 112 : index
            %get3A_565 = tpu.vector_load %arg20[%get3A_563, %get3A_564] {strides = array<i32>} : memref<80x128xf32, #tpu.memory_space<vmem>>, vector<16xf32>,
            %mul3A_566 = arith.mulf %get3A_565, %gather3A_513 : vector<16xf32>
            %swap3A_567 = arith.index_cast %add3A_508 : i32 to index
            %swap3A_568 = arith.constant 112 : index
            %swap3A_569 = tpu.vector_load %arg20[%swap3A_567, %swap3A_568] {strides = array<i32>} : memref<80x128xf32, #tpu.memory_space<vmem>>, vector<16xf32>,
            tpu.vector_store %arg20[%swap3A_567, %swap3A_568], %mul3A_566 {strides = array<i32>} : memref<80x128xf32, #tpu.memory_space<vmem>>, vector<16xf32>,
            %scan3A_570 = arith.constant 1 : i32
            %scan3A_571 = arith.addi %scan3A_504, %scan3A_570 : i32
            %mul3A_572 = arith.constant 1 : i32
            %mul3A_573 = arith.muli %scan3A_571, %mul3A_572 : i32
            %add3A_574 = arith.constant 0 : i32
            %add3A_575 = arith.addi %add3A_574, %mul3A_573 : i32
            %broadcast_in_dim3A_576 = arith.constant 0 : i32
            %broadcast_in_dim3A_577 = vector.broadcast %broadcast_in_dim3A_576 : i32 to vector<16xi32>
            %add3A_578 = vector.broadcast %add3A_575 : i32 to vector<16xi32>
            %add3A_579 = arith.addi %broadcast_in_dim3A_577, %add3A_578 : vector<16xi32>
            %gather3A_580 = tpu.vector_load_idx %arg18[%add3A_579] : memref<80xf32, #tpu.memory_space<vmem>>[vector<16xi32>], vector<16xf32>,
            %get3A_581 = arith.index_cast %add3A_575 : i32 to index
            %get3A_582 = arith.constant 0 : index
            %get3A_583 = tpu.vector_load %arg20[%get3A_581, %get3A_582] {strides = array<i32>} : memref<80x128xf32, #tpu.memory_space<vmem>>, vector<16xf32>,
            %mul3A_584 = arith.mulf %get3A_583, %gather3A_580 : vector<16xf32>
            %swap3A_585 = arith.index_cast %add3A_575 : i32 to index
            %swap3A_586 = arith.constant 0 : index
            %swap3A_587 = tpu.vector_load %arg20[%swap3A_585, %swap3A_586] {strides = array<i32>} : memref<80x128xf32, #tpu.memory_space<vmem>>, vector<16xf32>,
            tpu.vector_store %arg20[%swap3A_585, %swap3A_586], %mul3A_584 {strides = array<i32>} : memref<80x128xf32, #tpu.memory_space<vmem>>, vector<16xf32>,
            %get3A_588 = arith.index_cast %add3A_575 : i32 to index
            %get3A_589 = arith.constant 16 : index
            %get3A_590 = tpu.vector_load %arg20[%get3A_588, %get3A_589] {strides = array<i32>} : memref<80x128xf32, #tpu.memory_space<vmem>>, vector<16xf32>,
            %mul3A_591 = arith.mulf %get3A_590, %gather3A_580 : vector<16xf32>
            %swap3A_592 = arith.index_cast %add3A_575 : i32 to index
            %swap3A_593 = arith.constant 16 : index
            %swap3A_594 = tpu.vector_load %arg20[%swap3A_592, %swap3A_593] {strides = array<i32>} : memref<80x128xf32, #tpu.memory_space<vmem>>, vector<16xf32>,
            tpu.vector_store %arg20[%swap3A_592, %swap3A_593], %mul3A_591 {strides = array<i32>} : memref<80x128xf32, #tpu.memory_space<vmem>>, vector<16xf32>,
            %get3A_595 = arith.index_cast %add3A_575 : i32 to index
            %get3A_596 = arith.constant 32 : index
            %get3A_597 = tpu.vector_load %arg20[%get3A_595, %get3A_596] {strides = array<i32>} : memref<80x128xf32, #tpu.memory_space<vmem>>, vector<16xf32>,
            %mul3A_598 = arith.mulf %get3A_597, %gather3A_580 : vector<16xf32>
            %swap3A_599 = arith.index_cast %add3A_575 : i32 to index
            %swap3A_600 = arith.constant 32 : index
            %swap3A_601 = tpu.vector_load %arg20[%swap3A_599, %swap3A_600] {strides = array<i32>} : memref<80x128xf32, #tpu.memory_space<vmem>>, vector<16xf32>,
            tpu.vector_store %arg20[%swap3A_599, %swap3A_600], %mul3A_598 {strides = array<i32>} : memref<80x128xf32, #tpu.memory_space<vmem>>, vector<16xf32>,
            %get3A_602 = arith.index_cast %add3A_575 : i32 to index
            %get3A_603 = arith.constant 48 : index
            %get3A_604 = tpu.vector_load %arg20[%get3A_602, %get3A_603] {strides = array<i32>} : memref<80x128xf32, #tpu.memory_space<vmem>>, vector<16xf32>,
            %mul3A_605 = arith.mulf %get3A_604, %gather3A_580 : vector<16xf32>
            %swap3A_606 = arith.index_cast %add3A_575 : i32 to index
            %swap3A_607 = arith.constant 48 : index
            %swap3A_608 = tpu.vector_load %arg20[%swap3A_606, %swap3A_607] {strides = array<i32>} : memref<80x128xf32, #tpu.memory_space<vmem>>, vector<16xf32>,
            tpu.vector_store %arg20[%swap3A_606, %swap3A_607], %mul3A_605 {strides = array<i32>} : memref<80x128xf32, #tpu.memory_space<vmem>>, vector<16xf32>,
            %get3A_609 = arith.index_cast %add3A_575 : i32 to index
            %get3A_610 = arith.constant 64 : index
            %get3A_611 = tpu.vector_load %arg20[%get3A_609, %get3A_610] {strides = array<i32>} : memref<80x128xf32, #tpu.memory_space<vmem>>, vector<16xf32>,
            %mul3A_612 = arith.mulf %get3A_611, %gather3A_580 : vector<16xf32>
            %swap3A_613 = arith.index_cast %add3A_575 : i32 to index
            %swap3A_614 = arith.constant 64 : index
            %swap3A_615 = tpu.vector_load %arg20[%swap3A_613, %swap3A_614] {strides = array<i32>} : memref<80x128xf32, #tpu.memory_space<vmem>>, vector<16xf32>,
            tpu.vector_store %arg20[%swap3A_613, %swap3A_614], %mul3A_612 {strides = array<i32>} : memref<80x128xf32, #tpu.memory_space<vmem>>, vector<16xf32>,
            %get3A_616 = arith.index_cast %add3A_575 : i32 to index
            %get3A_617 = arith.constant 80 : index
            %get3A_618 = tpu.vector_load %arg20[%get3A_616, %get3A_617] {strides = array<i32>} : memref<80x128xf32, #tpu.memory_space<vmem>>, vector<16xf32>,
            %mul3A_619 = arith.mulf %get3A_618, %gather3A_580 : vector<16xf32>
            %swap3A_620 = arith.index_cast %add3A_575 : i32 to index
            %swap3A_621 = arith.constant 80 : index
            %swap3A_622 = tpu.vector_load %arg20[%swap3A_620, %swap3A_621] {strides = array<i32>} : memref<80x128xf32, #tpu.memory_space<vmem>>, vector<16xf32>,
            tpu.vector_store %arg20[%swap3A_620, %swap3A_621], %mul3A_619 {strides = array<i32>} : memref<80x128xf32, #tpu.memory_space<vmem>>, vector<16xf32>,
            %get3A_623 = arith.index_cast %add3A_575 : i32 to index
            %get3A_624 = arith.constant 96 : index
            %get3A_625 = tpu.vector_load %arg20[%get3A_623, %get3A_624] {strides = array<i32>} : memref<80x128xf32, #tpu.memory_space<vmem>>, vector<16xf32>,
            %mul3A_626 = arith.mulf %get3A_625, %gather3A_580 : vector<16xf32>
            %swap3A_627 = arith.index_cast %add3A_575 : i32 to index
            %swap3A_628 = arith.constant 96 : index
            %swap3A_629 = tpu.vector_load %arg20[%swap3A_627, %swap3A_628] {strides = array<i32>} : memref<80x128xf32, #tpu.memory_space<vmem>>, vector<16xf32>,
            tpu.vector_store %arg20[%swap3A_627, %swap3A_628], %mul3A_626 {strides = array<i32>} : memref<80x128xf32, #tpu.memory_space<vmem>>, vector<16xf32>,
            %get3A_630 = arith.index_cast %add3A_575 : i32 to index
            %get3A_631 = arith.constant 112 : index
            %get3A_632 = tpu.vector_load %arg20[%get3A_630, %get3A_631] {strides = array<i32>} : memref<80x128xf32, #tpu.memory_space<vmem>>, vector<16xf32>,
            %mul3A_633 = arith.mulf %get3A_632, %gather3A_580 : vector<16xf32>
            %swap3A_634 = arith.index_cast %add3A_575 : i32 to index
            %swap3A_635 = arith.constant 112 : index
            %swap3A_636 = tpu.vector_load %arg20[%swap3A_634, %swap3A_635] {strides = array<i32>} : memref<80x128xf32, #tpu.memory_space<vmem>>, vector<16xf32>,
            tpu.vector_store %arg20[%swap3A_634, %swap3A_635], %mul3A_633 {strides = array<i32>} : memref<80x128xf32, #tpu.memory_space<vmem>>, vector<16xf32>,
            %scan3A_637 = arith.constant 2 : i32
            %scan3A_638 = arith.addi %scan3A_504, %scan3A_637 : i32
            %mul3A_639 = arith.constant 1 : i32
            %mul3A_640 = arith.muli %scan3A_638, %mul3A_639 : i32
            %add3A_641 = arith.constant 0 : i32
            %add3A_642 = arith.addi %add3A_641, %mul3A_640 : i32
            %broadcast_in_dim3A_643 = arith.constant 0 : i32
            %broadcast_in_dim3A_644 = vector.broadcast %broadcast_in_dim3A_643 : i32 to vector<16xi32>
            %add3A_645 = vector.broadcast %add3A_642 : i32 to vector<16xi32>
            %add3A_646 = arith.addi %broadcast_in_dim3A_644, %add3A_645 : vector<16xi32>
            %gather3A_647 = tpu.vector_load_idx %arg18[%add3A_646] : memref<80xf32, #tpu.memory_space<vmem>>[vector<16xi32>], vector<16xf32>,
            %get3A_648 = arith.index_cast %add3A_642 : i32 to index
            %get3A_649 = arith.constant 0 : index
            %get3A_650 = tpu.vector_load %arg20[%get3A_648, %get3A_649] {strides = array<i32>} : memref<80x128xf32, #tpu.memory_space<vmem>>, vector<16xf32>,
            %mul3A_651 = arith.mulf %get3A_650, %gather3A_647 : vector<16xf32>
            %swap3A_652 = arith.index_cast %add3A_642 : i32 to index
            %swap3A_653 = arith.constant 0 : index
            %swap3A_654 = tpu.vector_load %arg20[%swap3A_652, %swap3A_653] {strides = array<i32>} : memref<80x128xf32, #tpu.memory_space<vmem>>, vector<16xf32>,
            tpu.vector_store %arg20[%swap3A_652, %swap3A_653], %mul3A_651 {strides = array<i32>} : memref<80x128xf32, #tpu.memory_space<vmem>>, vector<16xf32>,
            %get3A_655 = arith.index_cast %add3A_642 : i32 to index
            %get3A_656 = arith.constant 16 : index
            %get3A_657 = tpu.vector_load %arg20[%get3A_655, %get3A_656] {strides = array<i32>} : memref<80x128xf32, #tpu.memory_space<vmem>>, vector<16xf32>,
            %mul3A_658 = arith.mulf %get3A_657, %gather3A_647 : vector<16xf32>
            %swap3A_659 = arith.index_cast %add3A_642 : i32 to index
            %swap3A_660 = arith.constant 16 : index
            %swap3A_661 = tpu.vector_load %arg20[%swap3A_659, %swap3A_660] {strides = array<i32>} : memref<80x128xf32, #tpu.memory_space<vmem>>, vector<16xf32>,
            tpu.vector_store %arg20[%swap3A_659, %swap3A_660], %mul3A_658 {strides = array<i32>} : memref<80x128xf32, #tpu.memory_space<vmem>>, vector<16xf32>,
            %get3A_662 = arith.index_cast %add3A_642 : i32 to index
            %get3A_663 = arith.constant 32 : index
            %get3A_664 = tpu.vector_load %arg20[%get3A_662, %get3A_663] {strides = array<i32>} : memref<80x128xf32, #tpu.memory_space<vmem>>, vector<16xf32>,
            %mul3A_665 = arith.mulf %get3A_664, %gather3A_647 : vector<16xf32>
            %swap3A_666 = arith.index_cast %add3A_642 : i32 to index
            %swap3A_667 = arith.constant 32 : index
            %swap3A_668 = tpu.vector_load %arg20[%swap3A_666, %swap3A_667] {strides = array<i32>} : memref<80x128xf32, #tpu.memory_space<vmem>>, vector<16xf32>,
            tpu.vector_store %arg20[%swap3A_666, %swap3A_667], %mul3A_665 {strides = array<i32>} : memref<80x128xf32, #tpu.memory_space<vmem>>, vector<16xf32>,
            %get3A_669 = arith.index_cast %add3A_642 : i32 to index
            %get3A_670 = arith.constant 48 : index
            %get3A_671 = tpu.vector_load %arg20[%get3A_669, %get3A_670] {strides = array<i32>} : memref<80x128xf32, #tpu.memory_space<vmem>>, vector<16xf32>,
            %mul3A_672 = arith.mulf %get3A_671, %gather3A_647 : vector<16xf32>
            %swap3A_673 = arith.index_cast %add3A_642 : i32 to index
            %swap3A_674 = arith.constant 48 : index
            %swap3A_675 = tpu.vector_load %arg20[%swap3A_673, %swap3A_674] {strides = array<i32>} : memref<80x128xf32, #tpu.memory_space<vmem>>, vector<16xf32>,
            tpu.vector_store %arg20[%swap3A_673, %swap3A_674], %mul3A_672 {strides = array<i32>} : memref<80x128xf32, #tpu.memory_space<vmem>>, vector<16xf32>,
            %get3A_676 = arith.index_cast %add3A_642 : i32 to index
            %get3A_677 = arith.constant 64 : index
            %get3A_678 = tpu.vector_load %arg20[%get3A_676, %get3A_677] {strides = array<i32>} : memref<80x128xf32, #tpu.memory_space<vmem>>, vector<16xf32>,
            %mul3A_679 = arith.mulf %get3A_678, %gather3A_647 : vector<16xf32>
            %swap3A_680 = arith.index_cast %add3A_642 : i32 to index
            %swap3A_681 = arith.constant 64 : index
            %swap3A_682 = tpu.vector_load %arg20[%swap3A_680, %swap3A_681] {strides = array<i32>} : memref<80x128xf32, #tpu.memory_space<vmem>>, vector<16xf32>,
            tpu.vector_store %arg20[%swap3A_680, %swap3A_681], %mul3A_679 {strides = array<i32>} : memref<80x128xf32, #tpu.memory_space<vmem>>, vector<16xf32>,
            %get3A_683 = arith.index_cast %add3A_642 : i32 to index
            %get3A_684 = arith.constant 80 : index
            %get3A_685 = tpu.vector_load %arg20[%get3A_683, %get3A_684] {strides = array<i32>} : memref<80x128xf32, #tpu.memory_space<vmem>>, vector<16xf32>,
            %mul3A_686 = arith.mulf %get3A_685, %gather3A_647 : vector<16xf32>
            %swap3A_687 = arith.index_cast %add3A_642 : i32 to index
            %swap3A_688 = arith.constant 80 : index
            %swap3A_689 = tpu.vector_load %arg20[%swap3A_687, %swap3A_688] {strides = array<i32>} : memref<80x128xf32, #tpu.memory_space<vmem>>, vector<16xf32>,
            tpu.vector_store %arg20[%swap3A_687, %swap3A_688], %mul3A_686 {strides = array<i32>} : memref<80x128xf32, #tpu.memory_space<vmem>>, vector<16xf32>,
            %get3A_690 = arith.index_cast %add3A_642 : i32 to index
            %get3A_691 = arith.constant 96 : index
            %get3A_692 = tpu.vector_load %arg20[%get3A_690, %get3A_691] {strides = array<i32>} : memref<80x128xf32, #tpu.memory_space<vmem>>, vector<16xf32>,
            %mul3A_693 = arith.mulf %get3A_692, %gather3A_647 : vector<16xf32>
            %swap3A_694 = arith.index_cast %add3A_642 : i32 to index
            %swap3A_695 = arith.constant 96 : index
            %swap3A_696 = tpu.vector_load %arg20[%swap3A_694, %swap3A_695] {strides = array<i32>} : memref<80x128xf32, #tpu.memory_space<vmem>>, vector<16xf32>,
            tpu.vector_store %arg20[%swap3A_694, %swap3A_695], %mul3A_693 {strides = array<i32>} : memref<80x128xf32, #tpu.memory_space<vmem>>, vector<16xf32>,
            %get3A_697 = arith.index_cast %add3A_642 : i32 to index
            %get3A_698 = arith.constant 112 : index
            %get3A_699 = tpu.vector_load %arg20[%get3A_697, %get3A_698] {strides = array<i32>} : memref<80x128xf32, #tpu.memory_space<vmem>>, vector<16xf32>,
            %mul3A_700 = arith.mulf %get3A_699, %gather3A_647 : vector<16xf32>
            %swap3A_701 = arith.index_cast %add3A_642 : i32 to index
            %swap3A_702 = arith.constant 112 : index
            %swap3A_703 = tpu.vector_load %arg20[%swap3A_701, %swap3A_702] {strides = array<i32>} : memref<80x128xf32, #tpu.memory_space<vmem>>, vector<16xf32>,
            tpu.vector_store %arg20[%swap3A_701, %swap3A_702], %mul3A_700 {strides = array<i32>} : memref<80x128xf32, #tpu.memory_space<vmem>>, vector<16xf32>,
            %scan3A_704 = arith.constant 3 : i32
            %scan3A_705 = arith.addi %scan3A_504, %scan3A_704 : i32
            %mul3A_706 = arith.constant 1 : i32
            %mul3A_707 = arith.muli %scan3A_705, %mul3A_706 : i32
            %add3A_708 = arith.constant 0 : i32
            %add3A_709 = arith.addi %add3A_708, %mul3A_707 : i32
            %broadcast_in_dim3A_710 = arith.constant 0 : i32
            %broadcast_in_dim3A_711 = vector.broadcast %broadcast_in_dim3A_710 : i32 to vector<16xi32>
            %add3A_712 = vector.broadcast %add3A_709 : i32 to vector<16xi32>
            %add3A_713 = arith.addi %broadcast_in_dim3A_711, %add3A_712 : vector<16xi32>
            %gather3A_714 = tpu.vector_load_idx %arg18[%add3A_713] : memref<80xf32, #tpu.memory_space<vmem>>[vector<16xi32>], vector<16xf32>,
            %get3A_715 = arith.index_cast %add3A_709 : i32 to index
            %get3A_716 = arith.constant 0 : index
            %get3A_717 = tpu.vector_load %arg20[%get3A_715, %get3A_716] {strides = array<i32>} : memref<80x128xf32, #tpu.memory_space<vmem>>, vector<16xf32>,
            %mul3A_718 = arith.mulf %get3A_717, %gather3A_714 : vector<16xf32>
            %swap3A_719 = arith.index_cast %add3A_709 : i32 to index
            %swap3A_720 = arith.constant 0 : index
            %swap3A_721 = tpu.vector_load %arg20[%swap3A_719, %swap3A_720] {strides = array<i32>} : memref<80x128xf32, #tpu.memory_space<vmem>>, vector<16xf32>,
            tpu.vector_store %arg20[%swap3A_719, %swap3A_720], %mul3A_718 {strides = array<i32>} : memref<80x128xf32, #tpu.memory_space<vmem>>, vector<16xf32>,
            %get3A_722 = arith.index_cast %add3A_709 : i32 to index
            %get3A_723 = arith.constant 16 : index
            %get3A_724 = tpu.vector_load %arg20[%get3A_722, %get3A_723] {strides = array<i32>} : memref<80x128xf32, #tpu.memory_space<vmem>>, vector<16xf32>,
            %mul3A_725 = arith.mulf %get3A_724, %gather3A_714 : vector<16xf32>
            %swap3A_726 = arith.index_cast %add3A_709 : i32 to index
            %swap3A_727 = arith.constant 16 : index
            %swap3A_728 = tpu.vector_load %arg20[%swap3A_726, %swap3A_727] {strides = array<i32>} : memref<80x128xf32, #tpu.memory_space<vmem>>, vector<16xf32>,
            tpu.vector_store %arg20[%swap3A_726, %swap3A_727], %mul3A_725 {strides = array<i32>} : memref<80x128xf32, #tpu.memory_space<vmem>>, vector<16xf32>,
            %get3A_729 = arith.index_cast %add3A_709 : i32 to index
            %get3A_730 = arith.constant 32 : index
            %get3A_731 = tpu.vector_load %arg20[%get3A_729, %get3A_730] {strides = array<i32>} : memref<80x128xf32, #tpu.memory_space<vmem>>, vector<16xf32>,
            %mul3A_732 = arith.mulf %get3A_731, %gather3A_714 : vector<16xf32>
            %swap3A_733 = arith.index_cast %add3A_709 : i32 to index
            %swap3A_734 = arith.constant 32 : index
            %swap3A_735 = tpu.vector_load %arg20[%swap3A_733, %swap3A_734] {strides = array<i32>} : memref<80x128xf32, #tpu.memory_space<vmem>>, vector<16xf32>,
            tpu.vector_store %arg20[%swap3A_733, %swap3A_734], %mul3A_732 {strides = array<i32>} : memref<80x128xf32, #tpu.memory_space<vmem>>, vector<16xf32>,
            %get3A_736 = arith.index_cast %add3A_709 : i32 to index
            %get3A_737 = arith.constant 48 : index
            %get3A_738 = tpu.vector_load %arg20[%get3A_736, %get3A_737] {strides = array<i32>} : memref<80x128xf32, #tpu.memory_space<vmem>>, vector<16xf32>,
            %mul3A_739 = arith.mulf %get3A_738, %gather3A_714 : vector<16xf32>
            %swap3A_740 = arith.index_cast %add3A_709 : i32 to index
            %swap3A_741 = arith.constant 48 : index
            %swap3A_742 = tpu.vector_load %arg20[%swap3A_740, %swap3A_741] {strides = array<i32>} : memref<80x128xf32, #tpu.memory_space<vmem>>, vector<16xf32>,
            tpu.vector_store %arg20[%swap3A_740, %swap3A_741], %mul3A_739 {strides = array<i32>} : memref<80x128xf32, #tpu.memory_space<vmem>>, vector<16xf32>,
            %get3A_743 = arith.index_cast %add3A_709 : i32 to index
            %get3A_744 = arith.constant 64 : index
            %get3A_745 = tpu.vector_load %arg20[%get3A_743, %get3A_744] {strides = array<i32>} : memref<80x128xf32, #tpu.memory_space<vmem>>, vector<16xf32>,
            %mul3A_746 = arith.mulf %get3A_745, %gather3A_714 : vector<16xf32>
            %swap3A_747 = arith.index_cast %add3A_709 : i32 to index
            %swap3A_748 = arith.constant 64 : index
            %swap3A_749 = tpu.vector_load %arg20[%swap3A_747, %swap3A_748] {strides = array<i32>} : memref<80x128xf32, #tpu.memory_space<vmem>>, vector<16xf32>,
            tpu.vector_store %arg20[%swap3A_747, %swap3A_748], %mul3A_746 {strides = array<i32>} : memref<80x128xf32, #tpu.memory_space<vmem>>, vector<16xf32>,
            %get3A_750 = arith.index_cast %add3A_709 : i32 to index
            %get3A_751 = arith.constant 80 : index
            %get3A_752 = tpu.vector_load %arg20[%get3A_750, %get3A_751] {strides = array<i32>} : memref<80x128xf32, #tpu.memory_space<vmem>>, vector<16xf32>,
            %mul3A_753 = arith.mulf %get3A_752, %gather3A_714 : vector<16xf32>
            %swap3A_754 = arith.index_cast %add3A_709 : i32 to index
            %swap3A_755 = arith.constant 80 : index
            %swap3A_756 = tpu.vector_load %arg20[%swap3A_754, %swap3A_755] {strides = array<i32>} : memref<80x128xf32, #tpu.memory_space<vmem>>, vector<16xf32>,
            tpu.vector_store %arg20[%swap3A_754, %swap3A_755], %mul3A_753 {strides = array<i32>} : memref<80x128xf32, #tpu.memory_space<vmem>>, vector<16xf32>,
            %get3A_757 = arith.index_cast %add3A_709 : i32 to index
            %get3A_758 = arith.constant 96 : index
            %get3A_759 = tpu.vector_load %arg20[%get3A_757, %get3A_758] {strides = array<i32>} : memref<80x128xf32, #tpu.memory_space<vmem>>, vector<16xf32>,
            %mul3A_760 = arith.mulf %get3A_759, %gather3A_714 : vector<16xf32>
            %swap3A_761 = arith.index_cast %add3A_709 : i32 to index
            %swap3A_762 = arith.constant 96 : index
            %swap3A_763 = tpu.vector_load %arg20[%swap3A_761, %swap3A_762] {strides = array<i32>} : memref<80x128xf32, #tpu.memory_space<vmem>>, vector<16xf32>,
            tpu.vector_store %arg20[%swap3A_761, %swap3A_762], %mul3A_760 {strides = array<i32>} : memref<80x128xf32, #tpu.memory_space<vmem>>, vector<16xf32>,
            %get3A_764 = arith.index_cast %add3A_709 : i32 to index
            %get3A_765 = arith.constant 112 : index
            %get3A_766 = tpu.vector_load %arg20[%get3A_764, %get3A_765] {strides = array<i32>} : memref<80x128xf32, #tpu.memory_space<vmem>>, vector<16xf32>,
            %mul3A_767 = arith.mulf %get3A_766, %gather3A_714 : vector<16xf32>
            %swap3A_768 = arith.index_cast %add3A_709 : i32 to index
            %swap3A_769 = arith.constant 112 : index
            %swap3A_770 = tpu.vector_load %arg20[%swap3A_768, %swap3A_769] {strides = array<i32>} : memref<80x128xf32, #tpu.memory_space<vmem>>, vector<16xf32>,
            tpu.vector_store %arg20[%swap3A_768, %swap3A_769], %mul3A_767 {strides = array<i32>} : memref<80x128xf32, #tpu.memory_space<vmem>>, vector<16xf32>,
          }
          %scan3A_489 = arith.constant 80 : i32
          %dma_start3A_490 = arith.constant 0 : i32
          %dma_start3A_491 = arith.constant 0 : i32
          %dma_start3A_492 = tpu.memref_slice %arg16[%dma_start3A_490, %dma_start3A_491] : memref<1x80xi32, #tpu.memory_space<vmem>> -> memref<1x80xi32, #tpu.memory_space<vmem>>
          %dma_start3A_493 = tpu.memref_squeeze %dma_start3A_492 : memref<1x80xi32, #tpu.memory_space<vmem>> -> memref<80xi32, #tpu.memory_space<vmem>>
          %dma_start3A_494 = arith.constant 0 : i32
          %dma_start3A_495 = arith.constant 0 : i32
          %dma_start3A_496 = tpu.memref_slice %arg21[%dma_start3A_494, %dma_start3A_495] : memref<1800x128xf32, #tpu.memory_space<vmem_shared>> -> memref<1800x128xf32, #tpu.memory_space<vmem_shared>>
          tpu.enqueue_indirect_dma source(%arg20 : memref<80x128xf32, #tpu.memory_space<vmem>>) target(%dma_start3A_496 : memref<1800x128xf32, #tpu.memory_space<vmem_shared>>) offsets(%dma_start3A_493 : memref<80xi32, #tpu.memory_space<vmem>>) semaphore(%arg25 : memref<!tpu.dma_semaphore, #tpu.memory_space<semaphore_mem>>) {add = true}
          %add3A_497 = arith.constant 1 : i32
          %add3A_498 = arith.addi %add3A_240, %add3A_497 : i32
          %lt3A_499 = arith.constant 25 : i32
          %lt3A_500 = arith.cmpi slt, %add3A_498, %lt3A_499 : i32
          %convert_element_type3A_501 = arith.extui %lt3A_500 : i1 to i32
          %cond3A_502 = arith.constant 0 : i32
          %cond3A_503 = arith.cmpi ne, %convert_element_type3A_501, %cond3A_502 : i32
          scf.if %cond3A_503 {
            %dma_wait3A_504 = arith.constant 0 : i32
            %dma_wait3A_505 = arith.constant 0 : i32
            %dma_wait3A_506 = tpu.memref_slice %arg21[%dma_wait3A_504, %dma_wait3A_505] : memref<1800x128xf32, #tpu.memory_space<vmem_shared>> -> memref<80x128xf32, #tpu.memory_space<vmem_shared>>
            %dma_wait3A_507 = arith.constant 0 : i32
            %dma_wait3A_508 = arith.constant 0 : i32
            %dma_wait3A_509 = tpu.memref_slice %arg21[%dma_wait3A_507, %dma_wait3A_508] : memref<1800x128xf32, #tpu.memory_space<vmem_shared>> -> memref<80x128xf32, #tpu.memory_space<vmem_shared>>
            tpu.wait_dma2 semaphore(%arg24 : memref<!tpu.dma_semaphore, #tpu.memory_space<semaphore_mem>>) src(%arg19 : memref<80x128xf32, #tpu.memory_space<vmem>>) dst(%dma_wait3A_509 : memref<80x128xf32, #tpu.memory_space<vmem_shared>>)
            %mul3A_510 = arith.constant 2 : i32
            %mul3A_511 = arith.muli %mul3A_510, %add3A_240 : i32
            %add3A_512 = arith.constant 2 : i32
            %add3A_513 = arith.addi %mul3A_511, %add3A_512 : i32
            %mul3A_514 = arith.constant 80 : i32
            %mul3A_515 = arith.muli %add3A_513, %mul3A_514 : i32
            %add3A_516 = arith.constant 0 : i32
            %add3A_517 = arith.addi %mul3A_515, %add3A_516 : i32
            %get3A_518 = arith.index_cast %add3A_517 : i32 to index
            %get3A_519 = tpu.vector_load %arg10[%get3A_518] {strides = array<i32>} : memref<4000xi32, #tpu.memory_space<vmem>>, vector<16xi32>,
            %get3A_520 = arith.index_cast %add3A_517 : i32 to index
            %get3A_521 = tpu.vector_load %arg11[%get3A_520] {strides = array<i32>} : memref<4000xi32, #tpu.memory_space<vmem>>, vector<16xi32>,
            %get3A_522 = arith.index_cast %add3A_517 : i32 to index
            %get3A_523 = tpu.vector_load %arg12[%get3A_522] {strides = array<i32>} : memref<4000xi32, #tpu.memory_space<vmem>>, vector<16xi32>,
            %mul3A_524 = arith.constant 8 : i32
            %mul3A_525 = vector.broadcast %mul3A_524 : i32 to vector<16xi32>
            %mul3A_526 = arith.muli %get3A_521, %mul3A_525 : vector<16xi32>
            %add3A_527 = arith.addi %mul3A_526, %get3A_523 : vector<16xi32>
            %sub3A_528 = vector.broadcast %mul3A_18 : i32 to vector<16xi32>
            %sub3A_529 = arith.subi %get3A_521, %sub3A_528 : vector<16xi32>
            %ge3A_530 = arith.constant 0 : i32
            %ge3A_531 = vector.broadcast %ge3A_530 : i32 to vector<16xi32>
            %ge3A_532 = arith.cmpi sge, %sub3A_529, %ge3A_531 : vector<16xi32>
            %lt3A_533 = arith.constant 1792 : i32
            %lt3A_534 = vector.broadcast %lt3A_533 : i32 to vector<16xi32>
            %lt3A_535 = arith.cmpi slt, %sub3A_529, %lt3A_534 : vector<16xi32>
            %and3A_536 = arith.andi %ge3A_532, %lt3A_535 : vector<16xi1>
            %mul3A_537 = arith.constant 8 : i32
            %mul3A_538 = vector.broadcast %mul3A_537 : i32 to vector<16xi32>
            %mul3A_539 = arith.muli %get3A_519, %mul3A_538 : vector<16xi32>
            %add3A_540 = arith.addi %mul3A_539, %get3A_523 : vector<16xi32>
            %swap3A_541 = arith.constant 0 : i32
            %swap3A_542 = arith.index_cast %swap3A_541 : i32 to index
            %swap3A_543 = arith.constant 0 : index
            %swap3A_544 = tpu.vector_load %arg13[%swap3A_542, %swap3A_543] {strides = array<i32>} : memref<1x80xi32, #tpu.memory_space<vmem>>, vector<16xi32>,
            tpu.vector_store %arg13[%swap3A_542, %swap3A_543], %add3A_540 {strides = array<i32>} : memref<1x80xi32, #tpu.memory_space<vmem>>, vector<16xi32>,
            %jit3A_545 = arith.constant 1792 : i32
            %broadcast_in_dim3A_546 = vector.broadcast %jit3A_545 : i32 to vector<16xi32>
            %select_n3A_547 = arith.select %and3A_536, %sub3A_529, %broadcast_in_dim3A_546 : vector<16xi1>, vector<16xi32>
            %swap3A_548 = arith.constant 0 : i32
            %swap3A_549 = arith.index_cast %swap3A_548 : i32 to index
            %swap3A_550 = arith.constant 0 : index
            %swap3A_551 = tpu.vector_load %arg15[%swap3A_549, %swap3A_550] {strides = array<i32>} : memref<1x80xi32, #tpu.memory_space<vmem>>, vector<16xi32>,
            tpu.vector_store %arg15[%swap3A_549, %swap3A_550], %select_n3A_547 {strides = array<i32>} : memref<1x80xi32, #tpu.memory_space<vmem>>, vector<16xi32>,
            %gather3A_552 = tpu.vector_load_idx %arg9[%add3A_527] : memref<81920xf32, #tpu.memory_space<vmem>>[vector<16xi32>], vector<16xf32>,
            %swap3A_553 = arith.constant 0 : index
            %swap3A_554 = tpu.vector_load %arg17[%swap3A_553] {strides = array<i32>} : memref<80xf32, #tpu.memory_space<vmem>>, vector<16xf32>,
            tpu.vector_store %arg17[%swap3A_553], %gather3A_552 {strides = array<i32>} : memref<80xf32, #tpu.memory_space<vmem>>, vector<16xf32>,
            %mul3A_555 = arith.constant 80 : i32
            %mul3A_556 = arith.muli %add3A_513, %mul3A_555 : i32
            %add3A_557 = arith.constant 16 : i32
            %add3A_558 = arith.addi %mul3A_556, %add3A_557 : i32
            %get3A_559 = arith.index_cast %add3A_558 : i32 to index
            %get3A_560 = tpu.vector_load %arg10[%get3A_559] {strides = array<i32>} : memref<4000xi32, #tpu.memory_space<vmem>>, vector<16xi32>,
            %get3A_561 = arith.index_cast %add3A_558 : i32 to index
            %get3A_562 = tpu.vector_load %arg11[%get3A_561] {strides = array<i32>} : memref<4000xi32, #tpu.memory_space<vmem>>, vector<16xi32>,
            %get3A_563 = arith.index_cast %add3A_558 : i32 to index
            %get3A_564 = tpu.vector_load %arg12[%get3A_563] {strides = array<i32>} : memref<4000xi32, #tpu.memory_space<vmem>>, vector<16xi32>,
            %mul3A_565 = arith.constant 8 : i32
            %mul3A_566 = vector.broadcast %mul3A_565 : i32 to vector<16xi32>
            %mul3A_567 = arith.muli %get3A_562, %mul3A_566 : vector<16xi32>
            %add3A_568 = arith.addi %mul3A_567, %get3A_564 : vector<16xi32>
            %sub3A_569 = vector.broadcast %mul3A_18 : i32 to vector<16xi32>
            %sub3A_570 = arith.subi %get3A_562, %sub3A_569 : vector<16xi32>
            %ge3A_571 = arith.constant 0 : i32
            %ge3A_572 = vector.broadcast %ge3A_571 : i32 to vector<16xi32>
            %ge3A_573 = arith.cmpi sge, %sub3A_570, %ge3A_572 : vector<16xi32>
            %lt3A_574 = arith.constant 1792 : i32
            %lt3A_575 = vector.broadcast %lt3A_574 : i32 to vector<16xi32>
            %lt3A_576 = arith.cmpi slt, %sub3A_570, %lt3A_575 : vector<16xi32>
            %and3A_577 = arith.andi %ge3A_573, %lt3A_576 : vector<16xi1>
            %mul3A_578 = arith.constant 8 : i32
            %mul3A_579 = vector.broadcast %mul3A_578 : i32 to vector<16xi32>
            %mul3A_580 = arith.muli %get3A_560, %mul3A_579 : vector<16xi32>
            %add3A_581 = arith.addi %mul3A_580, %get3A_564 : vector<16xi32>
            %swap3A_582 = arith.constant 0 : i32
            %swap3A_583 = arith.index_cast %swap3A_582 : i32 to index
            %swap3A_584 = arith.constant 16 : index
            %swap3A_585 = tpu.vector_load %arg13[%swap3A_583, %swap3A_584] {strides = array<i32>} : memref<1x80xi32, #tpu.memory_space<vmem>>, vector<16xi32>,
            tpu.vector_store %arg13[%swap3A_583, %swap3A_584], %add3A_581 {strides = array<i32>} : memref<1x80xi32, #tpu.memory_space<vmem>>, vector<16xi32>,
            %jit3A_586 = arith.constant 1792 : i32
            %broadcast_in_dim3A_587 = vector.broadcast %jit3A_586 : i32 to vector<16xi32>
            %select_n3A_588 = arith.select %and3A_577, %sub3A_570, %broadcast_in_dim3A_587 : vector<16xi1>, vector<16xi32>
            %swap3A_589 = arith.constant 0 : i32
            %swap3A_590 = arith.index_cast %swap3A_589 : i32 to index
            %swap3A_591 = arith.constant 16 : index
            %swap3A_592 = tpu.vector_load %arg15[%swap3A_590, %swap3A_591] {strides = array<i32>} : memref<1x80xi32, #tpu.memory_space<vmem>>, vector<16xi32>,
            tpu.vector_store %arg15[%swap3A_590, %swap3A_591], %select_n3A_588 {strides = array<i32>} : memref<1x80xi32, #tpu.memory_space<vmem>>, vector<16xi32>,
            %gather3A_593 = tpu.vector_load_idx %arg9[%add3A_568] : memref<81920xf32, #tpu.memory_space<vmem>>[vector<16xi32>], vector<16xf32>,
            %swap3A_594 = arith.constant 16 : index
            %swap3A_595 = tpu.vector_load %arg17[%swap3A_594] {strides = array<i32>} : memref<80xf32, #tpu.memory_space<vmem>>, vector<16xf32>,
            tpu.vector_store %arg17[%swap3A_594], %gather3A_593 {strides = array<i32>} : memref<80xf32, #tpu.memory_space<vmem>>, vector<16xf32>,
            %mul3A_596 = arith.constant 80 : i32
            %mul3A_597 = arith.muli %add3A_513, %mul3A_596 : i32
            %add3A_598 = arith.constant 32 : i32
            %add3A_599 = arith.addi %mul3A_597, %add3A_598 : i32
            %get3A_600 = arith.index_cast %add3A_599 : i32 to index
            %get3A_601 = tpu.vector_load %arg10[%get3A_600] {strides = array<i32>} : memref<4000xi32, #tpu.memory_space<vmem>>, vector<16xi32>,
            %get3A_602 = arith.index_cast %add3A_599 : i32 to index
            %get3A_603 = tpu.vector_load %arg11[%get3A_602] {strides = array<i32>} : memref<4000xi32, #tpu.memory_space<vmem>>, vector<16xi32>,
            %get3A_604 = arith.index_cast %add3A_599 : i32 to index
            %get3A_605 = tpu.vector_load %arg12[%get3A_604] {strides = array<i32>} : memref<4000xi32, #tpu.memory_space<vmem>>, vector<16xi32>,
            %mul3A_606 = arith.constant 8 : i32
            %mul3A_607 = vector.broadcast %mul3A_606 : i32 to vector<16xi32>
            %mul3A_608 = arith.muli %get3A_603, %mul3A_607 : vector<16xi32>
            %add3A_609 = arith.addi %mul3A_608, %get3A_605 : vector<16xi32>
            %sub3A_610 = vector.broadcast %mul3A_18 : i32 to vector<16xi32>
            %sub3A_611 = arith.subi %get3A_603, %sub3A_610 : vector<16xi32>
            %ge3A_612 = arith.constant 0 : i32
            %ge3A_613 = vector.broadcast %ge3A_612 : i32 to vector<16xi32>
            %ge3A_614 = arith.cmpi sge, %sub3A_611, %ge3A_613 : vector<16xi32>
            %lt3A_615 = arith.constant 1792 : i32
            %lt3A_616 = vector.broadcast %lt3A_615 : i32 to vector<16xi32>
            %lt3A_617 = arith.cmpi slt, %sub3A_611, %lt3A_616 : vector<16xi32>
            %and3A_618 = arith.andi %ge3A_614, %lt3A_617 : vector<16xi1>
            %mul3A_619 = arith.constant 8 : i32
            %mul3A_620 = vector.broadcast %mul3A_619 : i32 to vector<16xi32>
            %mul3A_621 = arith.muli %get3A_601, %mul3A_620 : vector<16xi32>
            %add3A_622 = arith.addi %mul3A_621, %get3A_605 : vector<16xi32>
            %swap3A_623 = arith.constant 0 : i32
            %swap3A_624 = arith.index_cast %swap3A_623 : i32 to index
            %swap3A_625 = arith.constant 32 : index
            %swap3A_626 = tpu.vector_load %arg13[%swap3A_624, %swap3A_625] {strides = array<i32>} : memref<1x80xi32, #tpu.memory_space<vmem>>, vector<16xi32>,
            tpu.vector_store %arg13[%swap3A_624, %swap3A_625], %add3A_622 {strides = array<i32>} : memref<1x80xi32, #tpu.memory_space<vmem>>, vector<16xi32>,
            %jit3A_627 = arith.constant 1792 : i32
            %broadcast_in_dim3A_628 = vector.broadcast %jit3A_627 : i32 to vector<16xi32>
            %select_n3A_629 = arith.select %and3A_618, %sub3A_611, %broadcast_in_dim3A_628 : vector<16xi1>, vector<16xi32>
            %swap3A_630 = arith.constant 0 : i32
            %swap3A_631 = arith.index_cast %swap3A_630 : i32 to index
            %swap3A_632 = arith.constant 32 : index
            %swap3A_633 = tpu.vector_load %arg15[%swap3A_631, %swap3A_632] {strides = array<i32>} : memref<1x80xi32, #tpu.memory_space<vmem>>, vector<16xi32>,
            tpu.vector_store %arg15[%swap3A_631, %swap3A_632], %select_n3A_629 {strides = array<i32>} : memref<1x80xi32, #tpu.memory_space<vmem>>, vector<16xi32>,
            %gather3A_634 = tpu.vector_load_idx %arg9[%add3A_609] : memref<81920xf32, #tpu.memory_space<vmem>>[vector<16xi32>], vector<16xf32>,
            %swap3A_635 = arith.constant 32 : index
            %swap3A_636 = tpu.vector_load %arg17[%swap3A_635] {strides = array<i32>} : memref<80xf32, #tpu.memory_space<vmem>>, vector<16xf32>,
            tpu.vector_store %arg17[%swap3A_635], %gather3A_634 {strides = array<i32>} : memref<80xf32, #tpu.memory_space<vmem>>, vector<16xf32>,
            %mul3A_637 = arith.constant 80 : i32
            %mul3A_638 = arith.muli %add3A_513, %mul3A_637 : i32
            %add3A_639 = arith.constant 48 : i32
            %add3A_640 = arith.addi %mul3A_638, %add3A_639 : i32
            %get3A_641 = arith.index_cast %add3A_640 : i32 to index
            %get3A_642 = tpu.vector_load %arg10[%get3A_641] {strides = array<i32>} : memref<4000xi32, #tpu.memory_space<vmem>>, vector<16xi32>,
            %get3A_643 = arith.index_cast %add3A_640 : i32 to index
            %get3A_644 = tpu.vector_load %arg11[%get3A_643] {strides = array<i32>} : memref<4000xi32, #tpu.memory_space<vmem>>, vector<16xi32>,
            %get3A_645 = arith.index_cast %add3A_640 : i32 to index
            %get3A_646 = tpu.vector_load %arg12[%get3A_645] {strides = array<i32>} : memref<4000xi32, #tpu.memory_space<vmem>>, vector<16xi32>,
            %mul3A_647 = arith.constant 8 : i32
            %mul3A_648 = vector.broadcast %mul3A_647 : i32 to vector<16xi32>
            %mul3A_649 = arith.muli %get3A_644, %mul3A_648 : vector<16xi32>
            %add3A_650 = arith.addi %mul3A_649, %get3A_646 : vector<16xi32>
            %sub3A_651 = vector.broadcast %mul3A_18 : i32 to vector<16xi32>
            %sub3A_652 = arith.subi %get3A_644, %sub3A_651 : vector<16xi32>
            %ge3A_653 = arith.constant 0 : i32
            %ge3A_654 = vector.broadcast %ge3A_653 : i32 to vector<16xi32>
            %ge3A_655 = arith.cmpi sge, %sub3A_652, %ge3A_654 : vector<16xi32>
            %lt3A_656 = arith.constant 1792 : i32
            %lt3A_657 = vector.broadcast %lt3A_656 : i32 to vector<16xi32>
            %lt3A_658 = arith.cmpi slt, %sub3A_652, %lt3A_657 : vector<16xi32>
            %and3A_659 = arith.andi %ge3A_655, %lt3A_658 : vector<16xi1>
            %mul3A_660 = arith.constant 8 : i32
            %mul3A_661 = vector.broadcast %mul3A_660 : i32 to vector<16xi32>
            %mul3A_662 = arith.muli %get3A_642, %mul3A_661 : vector<16xi32>
            %add3A_663 = arith.addi %mul3A_662, %get3A_646 : vector<16xi32>
            %swap3A_664 = arith.constant 0 : i32
            %swap3A_665 = arith.index_cast %swap3A_664 : i32 to index
            %swap3A_666 = arith.constant 48 : index
            %swap3A_667 = tpu.vector_load %arg13[%swap3A_665, %swap3A_666] {strides = array<i32>} : memref<1x80xi32, #tpu.memory_space<vmem>>, vector<16xi32>,
            tpu.vector_store %arg13[%swap3A_665, %swap3A_666], %add3A_663 {strides = array<i32>} : memref<1x80xi32, #tpu.memory_space<vmem>>, vector<16xi32>,
            %jit3A_668 = arith.constant 1792 : i32
            %broadcast_in_dim3A_669 = vector.broadcast %jit3A_668 : i32 to vector<16xi32>
            %select_n3A_670 = arith.select %and3A_659, %sub3A_652, %broadcast_in_dim3A_669 : vector<16xi1>, vector<16xi32>
            %swap3A_671 = arith.constant 0 : i32
            %swap3A_672 = arith.index_cast %swap3A_671 : i32 to index
            %swap3A_673 = arith.constant 48 : index
            %swap3A_674 = tpu.vector_load %arg15[%swap3A_672, %swap3A_673] {strides = array<i32>} : memref<1x80xi32, #tpu.memory_space<vmem>>, vector<16xi32>,
            tpu.vector_store %arg15[%swap3A_672, %swap3A_673], %select_n3A_670 {strides = array<i32>} : memref<1x80xi32, #tpu.memory_space<vmem>>, vector<16xi32>,
            %gather3A_675 = tpu.vector_load_idx %arg9[%add3A_650] : memref<81920xf32, #tpu.memory_space<vmem>>[vector<16xi32>], vector<16xf32>,
            %swap3A_676 = arith.constant 48 : index
            %swap3A_677 = tpu.vector_load %arg17[%swap3A_676] {strides = array<i32>} : memref<80xf32, #tpu.memory_space<vmem>>, vector<16xf32>,
            tpu.vector_store %arg17[%swap3A_676], %gather3A_675 {strides = array<i32>} : memref<80xf32, #tpu.memory_space<vmem>>, vector<16xf32>,
            %mul3A_678 = arith.constant 80 : i32
            %mul3A_679 = arith.muli %add3A_513, %mul3A_678 : i32
            %add3A_680 = arith.constant 64 : i32
            %add3A_681 = arith.addi %mul3A_679, %add3A_680 : i32
            %get3A_682 = arith.index_cast %add3A_681 : i32 to index
            %get3A_683 = tpu.vector_load %arg10[%get3A_682] {strides = array<i32>} : memref<4000xi32, #tpu.memory_space<vmem>>, vector<16xi32>,
            %get3A_684 = arith.index_cast %add3A_681 : i32 to index
            %get3A_685 = tpu.vector_load %arg11[%get3A_684] {strides = array<i32>} : memref<4000xi32, #tpu.memory_space<vmem>>, vector<16xi32>,
            %get3A_686 = arith.index_cast %add3A_681 : i32 to index
            %get3A_687 = tpu.vector_load %arg12[%get3A_686] {strides = array<i32>} : memref<4000xi32, #tpu.memory_space<vmem>>, vector<16xi32>,
            %mul3A_688 = arith.constant 8 : i32
            %mul3A_689 = vector.broadcast %mul3A_688 : i32 to vector<16xi32>
            %mul3A_690 = arith.muli %get3A_685, %mul3A_689 : vector<16xi32>
            %add3A_691 = arith.addi %mul3A_690, %get3A_687 : vector<16xi32>
            %sub3A_692 = vector.broadcast %mul3A_18 : i32 to vector<16xi32>
            %sub3A_693 = arith.subi %get3A_685, %sub3A_692 : vector<16xi32>
            %ge3A_694 = arith.constant 0 : i32
            %ge3A_695 = vector.broadcast %ge3A_694 : i32 to vector<16xi32>
            %ge3A_696 = arith.cmpi sge, %sub3A_693, %ge3A_695 : vector<16xi32>
            %lt3A_697 = arith.constant 1792 : i32
            %lt3A_698 = vector.broadcast %lt3A_697 : i32 to vector<16xi32>
            %lt3A_699 = arith.cmpi slt, %sub3A_693, %lt3A_698 : vector<16xi32>
            %and3A_700 = arith.andi %ge3A_696, %lt3A_699 : vector<16xi1>
            %mul3A_701 = arith.constant 8 : i32
            %mul3A_702 = vector.broadcast %mul3A_701 : i32 to vector<16xi32>
            %mul3A_703 = arith.muli %get3A_683, %mul3A_702 : vector<16xi32>
            %add3A_704 = arith.addi %mul3A_703, %get3A_687 : vector<16xi32>
            %swap3A_705 = arith.constant 0 : i32
            %swap3A_706 = arith.index_cast %swap3A_705 : i32 to index
            %swap3A_707 = arith.constant 64 : index
            %swap3A_708 = tpu.vector_load %arg13[%swap3A_706, %swap3A_707] {strides = array<i32>} : memref<1x80xi32, #tpu.memory_space<vmem>>, vector<16xi32>,
            tpu.vector_store %arg13[%swap3A_706, %swap3A_707], %add3A_704 {strides = array<i32>} : memref<1x80xi32, #tpu.memory_space<vmem>>, vector<16xi32>,
            %jit3A_709 = arith.constant 1792 : i32
            %broadcast_in_dim3A_710 = vector.broadcast %jit3A_709 : i32 to vector<16xi32>
            %select_n3A_711 = arith.select %and3A_700, %sub3A_693, %broadcast_in_dim3A_710 : vector<16xi1>, vector<16xi32>
            %swap3A_712 = arith.constant 0 : i32
            %swap3A_713 = arith.index_cast %swap3A_712 : i32 to index
            %swap3A_714 = arith.constant 64 : index
            %swap3A_715 = tpu.vector_load %arg15[%swap3A_713, %swap3A_714] {strides = array<i32>} : memref<1x80xi32, #tpu.memory_space<vmem>>, vector<16xi32>,
            tpu.vector_store %arg15[%swap3A_713, %swap3A_714], %select_n3A_711 {strides = array<i32>} : memref<1x80xi32, #tpu.memory_space<vmem>>, vector<16xi32>,
            %gather3A_716 = tpu.vector_load_idx %arg9[%add3A_691] : memref<81920xf32, #tpu.memory_space<vmem>>[vector<16xi32>], vector<16xf32>,
            %swap3A_717 = arith.constant 64 : index
            %swap3A_718 = tpu.vector_load %arg17[%swap3A_717] {strides = array<i32>} : memref<80xf32, #tpu.memory_space<vmem>>, vector<16xf32>,
            tpu.vector_store %arg17[%swap3A_717], %gather3A_716 {strides = array<i32>} : memref<80xf32, #tpu.memory_space<vmem>>, vector<16xf32>,
            %dma_start3A_719 = arith.constant 0 : i32
            %dma_start3A_720 = arith.constant 0 : i32
            %dma_start3A_721 = tpu.memref_slice %arg13[%dma_start3A_719, %dma_start3A_720] : memref<1x80xi32, #tpu.memory_space<vmem>> -> memref<1x80xi32, #tpu.memory_space<vmem>>
            %dma_start3A_722 = tpu.memref_squeeze %dma_start3A_721 : memref<1x80xi32, #tpu.memory_space<vmem>> -> memref<80xi32, #tpu.memory_space<vmem>>
            %dma_start3A_723 = arith.constant 0 : i32
            %dma_start3A_724 = arith.constant 0 : i32
            %dma_start3A_725 = tpu.memref_slice %arg5[%dma_start3A_723, %dma_start3A_724] : memref<80000x128xf32, #tpu.memory_space<hbm>> -> memref<80000x128xf32, #tpu.memory_space<hbm>>
            tpu.enqueue_indirect_dma source(%dma_start3A_725 : memref<80000x128xf32, #tpu.memory_space<hbm>>) target(%arg19 : memref<80x128xf32, #tpu.memory_space<vmem>>) offsets(%dma_start3A_722 : memref<80xi32, #tpu.memory_space<vmem>>) semaphore(%arg22 : memref<!tpu.dma_semaphore, #tpu.memory_space<semaphore_mem>>)
          } else {
          }
        }
        %scan3A_224 = arith.constant 25 : i32
        %dma_wait3A = arith.constant 0 : i32
        %dma_wait3A_225 = arith.constant 0 : i32
        %dma_wait3A_226 = tpu.memref_slice %arg21[%dma_wait3A, %dma_wait3A_225] : memref<1800x128xf32, #tpu.memory_space<vmem_shared>> -> memref<80x128xf32, #tpu.memory_space<vmem_shared>>
        %dma_wait3A_227 = arith.constant 0 : i32
        %dma_wait3A_228 = arith.constant 0 : i32
        %dma_wait3A_229 = tpu.memref_slice %arg21[%dma_wait3A_227, %dma_wait3A_228] : memref<1800x128xf32, #tpu.memory_space<vmem_shared>> -> memref<80x128xf32, #tpu.memory_space<vmem_shared>>
        tpu.wait_dma2 semaphore(%arg24 : memref<!tpu.dma_semaphore, #tpu.memory_space<semaphore_mem>>) src(%arg19 : memref<80x128xf32, #tpu.memory_space<vmem>>) dst(%dma_wait3A_229 : memref<80x128xf32, #tpu.memory_space<vmem_shared>>)
        %dma_wait3A_230 = arith.constant 0 : i32
        %dma_wait3A_231 = arith.constant 0 : i32
        %dma_wait3A_232 = tpu.memref_slice %arg21[%dma_wait3A_230, %dma_wait3A_231] : memref<1800x128xf32, #tpu.memory_space<vmem_shared>> -> memref<80x128xf32, #tpu.memory_space<vmem_shared>>
        %dma_wait3A_233 = arith.constant 0 : i32
        %dma_wait3A_234 = arith.constant 0 : i32
        %dma_wait3A_235 = tpu.memref_slice %arg21[%dma_wait3A_233, %dma_wait3A_234] : memref<1800x128xf32, #tpu.memory_space<vmem_shared>> -> memref<80x128xf32, #tpu.memory_space<vmem_shared>>
        tpu.wait_dma2 semaphore(%arg25 : memref<!tpu.dma_semaphore, #tpu.memory_space<semaphore_mem>>) src(%arg20 : memref<80x128xf32, #tpu.memory_space<vmem>>) dst(%dma_wait3A_235 : memref<80x128xf32, #tpu.memory_space<vmem_shared>>)
      }
      %scan3A_25 = arith.constant 5 : i32
      %barrier3A_26 = arith.constant 0 : index
      tpu.barrier barrier_id(%barrier3A_26)
      %add3A_27 = arith.addi %mul3A_18, %mul3A_4 : i32
      "tpu.region"() ({
        %run_scoped3A = tpu.sem_alloc : memref<!tpu.dma_semaphore, #tpu.memory_space<semaphore_mem>>
        %dma_start3A = arith.constant 0 : i32
        %dma_start3A_29 = tpu.memref_slice %arg8[%add3A_27, %dma_start3A] : memref<10752x128xf32, #tpu.memory_space<hbm>> -> memref<112x128xf32, #tpu.memory_space<hbm>>
        %dma_start3A_30 = arith.constant 0 : i32
        %dma_start3A_31 = tpu.memref_slice %arg21[%mul3A_4, %dma_start3A_30] : memref<1800x128xf32, #tpu.memory_space<vmem_shared>> -> memref<112x128xf32, #tpu.memory_space<vmem_shared>>
        tpu.enqueue_dma source(%dma_start3A_31 : memref<112x128xf32, #tpu.memory_space<vmem_shared>>) target(%dma_start3A_29 : memref<112x128xf32, #tpu.memory_space<hbm>>) target_semaphore(%run_scoped3A : memref<!tpu.dma_semaphore, #tpu.memory_space<semaphore_mem>>)
        %dma_wait3A = arith.constant 0 : i32
        %dma_wait3A_32 = tpu.memref_slice %arg8[%add3A_27, %dma_wait3A] : memref<10752x128xf32, #tpu.memory_space<hbm>> -> memref<112x128xf32, #tpu.memory_space<hbm>>
        %dma_wait3A_33 = arith.constant 0 : i32
        %dma_wait3A_34 = tpu.memref_slice %arg21[%mul3A_4, %dma_wait3A_33] : memref<1800x128xf32, #tpu.memory_space<vmem_shared>> -> memref<112x128xf32, #tpu.memory_space<vmem_shared>>
        tpu.wait_dma2 semaphore(%run_scoped3A : memref<!tpu.dma_semaphore, #tpu.memory_space<semaphore_mem>>) src(%dma_wait3A_34 : memref<112x128xf32, #tpu.memory_space<vmem_shared>>) dst(%dma_wait3A_32 : memref<112x128xf32, #tpu.memory_space<hbm>>)
        tpu.yield
      }) : () -> ()
      %barrier3A_28 = arith.constant 0 : index
      tpu.barrier barrier_id(%barrier3A_28)
    }
    %scan3A_9 = arith.constant 3 : i32
    return
  }
}

module attributes {stable_mosaic.version = 14 : i64} {
  func.func @body(%arg0: i32, %arg1: memref<32x64x128xf32, #tpu.memory_space<vmem>>, %arg2: memref<64x128xf32, #tpu.memory_space<vmem>>) attributes {dimension_semantics = [#tpu.dimension_semantics<arbitrary>], iteration_bounds = array<i64: 10>, scalar_prefetch = 0 : i64, scratch_operands = 0 : i64, tpu.core_type = #tpu.core_type<tc>, window_params = [{transform_indices = @transform_0, window_bounds = array<i64: 32, 64, 128>}, {transform_indices = @transform_1, window_bounds = array<i64: 64, 128>}]} {
    %get3A = arith.constant 0 : index
    %get3A_0 = arith.constant 0 : index
    %get3A_1 = arith.constant 0 : index
    %get3A_2 = vector.load %arg1[%get3A, %get3A_0, %get3A_1] : memref<32x64x128xf32, #tpu.memory_space<vmem>>, vector<32x64x128xf32>
    %reduce_sum3A = arith.constant dense<0.000000e+00> : vector<64x128xf32>
    %reduce_sum3A_3 = vector.multi_reduction <add>, %get3A_2, %reduce_sum3A [0] : vector<32x64x128xf32> to vector<64x128xf32>
    %max3A = arith.constant 1.000000e+00 : f32
    %max3A_4 = vector.broadcast %max3A : f32 to vector<64x128xf32>
    %max3A_5 = arith.maximumf %reduce_sum3A_3, %max3A_4 : vector<64x128xf32>
    %div3A = arith.constant 1.000000e+00 : f32
    %div3A_6 = vector.broadcast %div3A : f32 to vector<64x128xf32>
    %div3A_7 = arith.divf %div3A_6, %max3A_5 : vector<64x128xf32>
    %swap3A = arith.constant 0 : index
    %swap3A_8 = arith.constant 0 : index
    %swap3A_9 = vector.load %arg2[%swap3A, %swap3A_8] : memref<64x128xf32, #tpu.memory_space<vmem>>, vector<64x128xf32>
    tpu.vector_store %arg2[%swap3A, %swap3A_8], %div3A_7 {strides = array<i32>} : memref<64x128xf32, #tpu.memory_space<vmem>>, vector<64x128xf32>,
    return
  }
  func.func @transform_0(%arg0: i32) -> (i32, i32, i32) {
    %c0_i32 = arith.constant 0 : i32
    %c0_i32_0 = arith.constant 0 : i32
    %c0_i32_1 = arith.constant 0 : i32
    return %c0_i32, %arg0, %c0_i32_0 : i32, i32, i32
  }
  func.func @transform_1(%arg0: i32) -> (i32, i32) {
    %c0_i32 = arith.constant 0 : i32
    %c0_i32_0 = arith.constant 0 : i32
    return %arg0, %c0_i32 : i32, i32
  }
}

module attributes {stable_mosaic.version = 14 : i64} {
  func.func @body(%arg0: i32, %arg1: memref<1000x128xf32, #tpu.memory_space<vmem>>, %arg2: memref<8x128x128xf32, #tpu.memory_space<vmem>>, %arg3: memref<128x128xf32, #tpu.memory_space<vmem>>, %arg4: memref<1x128xf32, #tpu.memory_space<vmem>>, %arg5: memref<1000x8x128xf32, #tpu.memory_space<vmem>>, %arg6: memref<1000x128xf32, #tpu.memory_space<vmem>>) attributes {dimension_semantics = [#tpu.dimension_semantics<arbitrary>], iteration_bounds = array<i64: 10>, scalar_prefetch = 0 : i64, scratch_operands = 0 : i64, tpu.core_type = #tpu.core_type<tc>, window_params = [{transform_indices = @transform_0, window_bounds = array<i64: 1000, 128>}, {pipeline_mode = #tpu.pipeline_mode<synchronous>, transform_indices = @transform_1, window_bounds = array<i64: 8, 128, 128>}, {pipeline_mode = #tpu.pipeline_mode<synchronous>, transform_indices = @transform_2, window_bounds = array<i64: 128, 128>}, {pipeline_mode = #tpu.pipeline_mode<synchronous>, transform_indices = @transform_3, window_bounds = array<i64: 1, 128>}, {transform_indices = @transform_4, window_bounds = array<i64: 1000, 8, 128>}, {transform_indices = @transform_5, window_bounds = array<i64: 1000, 128>}]} {
    %get3A = arith.constant 0 : index
    %get3A_0 = arith.constant 0 : index
    %get3A_1 = vector.load %arg1[%get3A, %get3A_0] : memref<1000x128xf32, #tpu.memory_space<vmem>>, vector<1000x128xf32>
    %get3A_2 = arith.constant 0 : index
    %get3A_3 = arith.constant 0 : index
    %get3A_4 = arith.constant 0 : index
    %get3A_5 = vector.load %arg2[%get3A_2, %get3A_3, %get3A_4] : memref<8x128x128xf32, #tpu.memory_space<vmem>>, vector<1x128x128xf32>
    %get3A_6 = vector.shape_cast %get3A_5 : vector<1x128x128xf32> to vector<128x128xf32>
    %dot_general3A = arith.constant dense<0.000000e+00> : vector<1000x128xf32>
    %dot_general3A_7 = tpu.matmul %get3A_1, %get3A_6, %dot_general3A {dimension_numbers = #tpu.dot_dimension_numbers<[1], [0], [0], [1], [0, 0, 1, 1], [], []>, transpose_lhs_hint = false} : vector<1000x128xf32>, vector<128x128xf32>, vector<1000x128xf32> -> vector<1000x128xf32>
    %swap3A = arith.constant 0 : index
    %swap3A_8 = arith.constant 0 : index
    %swap3A_9 = arith.constant 0 : index
    %swap3A_10 = vector.load %arg5[%swap3A, %swap3A_8, %swap3A_9] : memref<1000x8x128xf32, #tpu.memory_space<vmem>>, vector<1000x1x128xf32>
    %swap3A_11 = vector.shape_cast %swap3A_10 : vector<1000x1x128xf32> to vector<1000x128xf32>
    %swap3A_12 = vector.shape_cast %dot_general3A_7 : vector<1000x128xf32> to vector<1000x1x128xf32>
    tpu.vector_store %arg5[%swap3A, %swap3A_8, %swap3A_9], %swap3A_12 {strides = array<i32>} : memref<1000x8x128xf32, #tpu.memory_space<vmem>>, vector<1000x1x128xf32>,
    %get3A_13 = arith.constant 1 : index
    %get3A_14 = arith.constant 0 : index
    %get3A_15 = arith.constant 0 : index
    %get3A_16 = vector.load %arg2[%get3A_13, %get3A_14, %get3A_15] : memref<8x128x128xf32, #tpu.memory_space<vmem>>, vector<1x128x128xf32>
    %get3A_17 = vector.shape_cast %get3A_16 : vector<1x128x128xf32> to vector<128x128xf32>
    %dot_general3A_18 = arith.constant dense<0.000000e+00> : vector<1000x128xf32>
    %dot_general3A_19 = tpu.matmul %get3A_1, %get3A_17, %dot_general3A_18 {dimension_numbers = #tpu.dot_dimension_numbers<[1], [0], [0], [1], [0, 0, 1, 1], [], []>, transpose_lhs_hint = false} : vector<1000x128xf32>, vector<128x128xf32>, vector<1000x128xf32> -> vector<1000x128xf32>
    %swap3A_20 = arith.constant 0 : index
    %swap3A_21 = arith.constant 1 : index
    %swap3A_22 = arith.constant 0 : index
    %swap3A_23 = vector.load %arg5[%swap3A_20, %swap3A_21, %swap3A_22] : memref<1000x8x128xf32, #tpu.memory_space<vmem>>, vector<1000x1x128xf32>
    %swap3A_24 = vector.shape_cast %swap3A_23 : vector<1000x1x128xf32> to vector<1000x128xf32>
    %swap3A_25 = vector.shape_cast %dot_general3A_19 : vector<1000x128xf32> to vector<1000x1x128xf32>
    tpu.vector_store %arg5[%swap3A_20, %swap3A_21, %swap3A_22], %swap3A_25 {strides = array<i32>} : memref<1000x8x128xf32, #tpu.memory_space<vmem>>, vector<1000x1x128xf32>,
    %get3A_26 = arith.constant 2 : index
    %get3A_27 = arith.constant 0 : index
    %get3A_28 = arith.constant 0 : index
    %get3A_29 = vector.load %arg2[%get3A_26, %get3A_27, %get3A_28] : memref<8x128x128xf32, #tpu.memory_space<vmem>>, vector<1x128x128xf32>
    %get3A_30 = vector.shape_cast %get3A_29 : vector<1x128x128xf32> to vector<128x128xf32>
    %dot_general3A_31 = arith.constant dense<0.000000e+00> : vector<1000x128xf32>
    %dot_general3A_32 = tpu.matmul %get3A_1, %get3A_30, %dot_general3A_31 {dimension_numbers = #tpu.dot_dimension_numbers<[1], [0], [0], [1], [0, 0, 1, 1], [], []>, transpose_lhs_hint = false} : vector<1000x128xf32>, vector<128x128xf32>, vector<1000x128xf32> -> vector<1000x128xf32>
    %swap3A_33 = arith.constant 0 : index
    %swap3A_34 = arith.constant 2 : index
    %swap3A_35 = arith.constant 0 : index
    %swap3A_36 = vector.load %arg5[%swap3A_33, %swap3A_34, %swap3A_35] : memref<1000x8x128xf32, #tpu.memory_space<vmem>>, vector<1000x1x128xf32>
    %swap3A_37 = vector.shape_cast %swap3A_36 : vector<1000x1x128xf32> to vector<1000x128xf32>
    %swap3A_38 = vector.shape_cast %dot_general3A_32 : vector<1000x128xf32> to vector<1000x1x128xf32>
    tpu.vector_store %arg5[%swap3A_33, %swap3A_34, %swap3A_35], %swap3A_38 {strides = array<i32>} : memref<1000x8x128xf32, #tpu.memory_space<vmem>>, vector<1000x1x128xf32>,
    %get3A_39 = arith.constant 3 : index
    %get3A_40 = arith.constant 0 : index
    %get3A_41 = arith.constant 0 : index
    %get3A_42 = vector.load %arg2[%get3A_39, %get3A_40, %get3A_41] : memref<8x128x128xf32, #tpu.memory_space<vmem>>, vector<1x128x128xf32>
    %get3A_43 = vector.shape_cast %get3A_42 : vector<1x128x128xf32> to vector<128x128xf32>
    %dot_general3A_44 = arith.constant dense<0.000000e+00> : vector<1000x128xf32>
    %dot_general3A_45 = tpu.matmul %get3A_1, %get3A_43, %dot_general3A_44 {dimension_numbers = #tpu.dot_dimension_numbers<[1], [0], [0], [1], [0, 0, 1, 1], [], []>, transpose_lhs_hint = false} : vector<1000x128xf32>, vector<128x128xf32>, vector<1000x128xf32> -> vector<1000x128xf32>
    %swap3A_46 = arith.constant 0 : index
    %swap3A_47 = arith.constant 3 : index
    %swap3A_48 = arith.constant 0 : index
    %swap3A_49 = vector.load %arg5[%swap3A_46, %swap3A_47, %swap3A_48] : memref<1000x8x128xf32, #tpu.memory_space<vmem>>, vector<1000x1x128xf32>
    %swap3A_50 = vector.shape_cast %swap3A_49 : vector<1000x1x128xf32> to vector<1000x128xf32>
    %swap3A_51 = vector.shape_cast %dot_general3A_45 : vector<1000x128xf32> to vector<1000x1x128xf32>
    tpu.vector_store %arg5[%swap3A_46, %swap3A_47, %swap3A_48], %swap3A_51 {strides = array<i32>} : memref<1000x8x128xf32, #tpu.memory_space<vmem>>, vector<1000x1x128xf32>,
    %get3A_52 = arith.constant 4 : index
    %get3A_53 = arith.constant 0 : index
    %get3A_54 = arith.constant 0 : index
    %get3A_55 = vector.load %arg2[%get3A_52, %get3A_53, %get3A_54] : memref<8x128x128xf32, #tpu.memory_space<vmem>>, vector<1x128x128xf32>
    %get3A_56 = vector.shape_cast %get3A_55 : vector<1x128x128xf32> to vector<128x128xf32>
    %dot_general3A_57 = arith.constant dense<0.000000e+00> : vector<1000x128xf32>
    %dot_general3A_58 = tpu.matmul %get3A_1, %get3A_56, %dot_general3A_57 {dimension_numbers = #tpu.dot_dimension_numbers<[1], [0], [0], [1], [0, 0, 1, 1], [], []>, transpose_lhs_hint = false} : vector<1000x128xf32>, vector<128x128xf32>, vector<1000x128xf32> -> vector<1000x128xf32>
    %swap3A_59 = arith.constant 0 : index
    %swap3A_60 = arith.constant 4 : index
    %swap3A_61 = arith.constant 0 : index
    %swap3A_62 = vector.load %arg5[%swap3A_59, %swap3A_60, %swap3A_61] : memref<1000x8x128xf32, #tpu.memory_space<vmem>>, vector<1000x1x128xf32>
    %swap3A_63 = vector.shape_cast %swap3A_62 : vector<1000x1x128xf32> to vector<1000x128xf32>
    %swap3A_64 = vector.shape_cast %dot_general3A_58 : vector<1000x128xf32> to vector<1000x1x128xf32>
    tpu.vector_store %arg5[%swap3A_59, %swap3A_60, %swap3A_61], %swap3A_64 {strides = array<i32>} : memref<1000x8x128xf32, #tpu.memory_space<vmem>>, vector<1000x1x128xf32>,
    %get3A_65 = arith.constant 5 : index
    %get3A_66 = arith.constant 0 : index
    %get3A_67 = arith.constant 0 : index
    %get3A_68 = vector.load %arg2[%get3A_65, %get3A_66, %get3A_67] : memref<8x128x128xf32, #tpu.memory_space<vmem>>, vector<1x128x128xf32>
    %get3A_69 = vector.shape_cast %get3A_68 : vector<1x128x128xf32> to vector<128x128xf32>
    %dot_general3A_70 = arith.constant dense<0.000000e+00> : vector<1000x128xf32>
    %dot_general3A_71 = tpu.matmul %get3A_1, %get3A_69, %dot_general3A_70 {dimension_numbers = #tpu.dot_dimension_numbers<[1], [0], [0], [1], [0, 0, 1, 1], [], []>, transpose_lhs_hint = false} : vector<1000x128xf32>, vector<128x128xf32>, vector<1000x128xf32> -> vector<1000x128xf32>
    %swap3A_72 = arith.constant 0 : index
    %swap3A_73 = arith.constant 5 : index
    %swap3A_74 = arith.constant 0 : index
    %swap3A_75 = vector.load %arg5[%swap3A_72, %swap3A_73, %swap3A_74] : memref<1000x8x128xf32, #tpu.memory_space<vmem>>, vector<1000x1x128xf32>
    %swap3A_76 = vector.shape_cast %swap3A_75 : vector<1000x1x128xf32> to vector<1000x128xf32>
    %swap3A_77 = vector.shape_cast %dot_general3A_71 : vector<1000x128xf32> to vector<1000x1x128xf32>
    tpu.vector_store %arg5[%swap3A_72, %swap3A_73, %swap3A_74], %swap3A_77 {strides = array<i32>} : memref<1000x8x128xf32, #tpu.memory_space<vmem>>, vector<1000x1x128xf32>,
    %get3A_78 = arith.constant 6 : index
    %get3A_79 = arith.constant 0 : index
    %get3A_80 = arith.constant 0 : index
    %get3A_81 = vector.load %arg2[%get3A_78, %get3A_79, %get3A_80] : memref<8x128x128xf32, #tpu.memory_space<vmem>>, vector<1x128x128xf32>
    %get3A_82 = vector.shape_cast %get3A_81 : vector<1x128x128xf32> to vector<128x128xf32>
    %dot_general3A_83 = arith.constant dense<0.000000e+00> : vector<1000x128xf32>
    %dot_general3A_84 = tpu.matmul %get3A_1, %get3A_82, %dot_general3A_83 {dimension_numbers = #tpu.dot_dimension_numbers<[1], [0], [0], [1], [0, 0, 1, 1], [], []>, transpose_lhs_hint = false} : vector<1000x128xf32>, vector<128x128xf32>, vector<1000x128xf32> -> vector<1000x128xf32>
    %swap3A_85 = arith.constant 0 : index
    %swap3A_86 = arith.constant 6 : index
    %swap3A_87 = arith.constant 0 : index
    %swap3A_88 = vector.load %arg5[%swap3A_85, %swap3A_86, %swap3A_87] : memref<1000x8x128xf32, #tpu.memory_space<vmem>>, vector<1000x1x128xf32>
    %swap3A_89 = vector.shape_cast %swap3A_88 : vector<1000x1x128xf32> to vector<1000x128xf32>
    %swap3A_90 = vector.shape_cast %dot_general3A_84 : vector<1000x128xf32> to vector<1000x1x128xf32>
    tpu.vector_store %arg5[%swap3A_85, %swap3A_86, %swap3A_87], %swap3A_90 {strides = array<i32>} : memref<1000x8x128xf32, #tpu.memory_space<vmem>>, vector<1000x1x128xf32>,
    %get3A_91 = arith.constant 7 : index
    %get3A_92 = arith.constant 0 : index
    %get3A_93 = arith.constant 0 : index
    %get3A_94 = vector.load %arg2[%get3A_91, %get3A_92, %get3A_93] : memref<8x128x128xf32, #tpu.memory_space<vmem>>, vector<1x128x128xf32>
    %get3A_95 = vector.shape_cast %get3A_94 : vector<1x128x128xf32> to vector<128x128xf32>
    %dot_general3A_96 = arith.constant dense<0.000000e+00> : vector<1000x128xf32>
    %dot_general3A_97 = tpu.matmul %get3A_1, %get3A_95, %dot_general3A_96 {dimension_numbers = #tpu.dot_dimension_numbers<[1], [0], [0], [1], [0, 0, 1, 1], [], []>, transpose_lhs_hint = false} : vector<1000x128xf32>, vector<128x128xf32>, vector<1000x128xf32> -> vector<1000x128xf32>
    %swap3A_98 = arith.constant 0 : index
    %swap3A_99 = arith.constant 7 : index
    %swap3A_100 = arith.constant 0 : index
    %swap3A_101 = vector.load %arg5[%swap3A_98, %swap3A_99, %swap3A_100] : memref<1000x8x128xf32, #tpu.memory_space<vmem>>, vector<1000x1x128xf32>
    %swap3A_102 = vector.shape_cast %swap3A_101 : vector<1000x1x128xf32> to vector<1000x128xf32>
    %swap3A_103 = vector.shape_cast %dot_general3A_97 : vector<1000x128xf32> to vector<1000x1x128xf32>
    tpu.vector_store %arg5[%swap3A_98, %swap3A_99, %swap3A_100], %swap3A_103 {strides = array<i32>} : memref<1000x8x128xf32, #tpu.memory_space<vmem>>, vector<1000x1x128xf32>,
    %get3A_104 = arith.constant 0 : index
    %get3A_105 = arith.constant 0 : index
    %get3A_106 = vector.load %arg3[%get3A_104, %get3A_105] : memref<128x128xf32, #tpu.memory_space<vmem>>, vector<128x128xf32>
    %dot_general3A_107 = arith.constant dense<0.000000e+00> : vector<1000x128xf32>
    %dot_general3A_108 = tpu.matmul %get3A_1, %get3A_106, %dot_general3A_107 {dimension_numbers = #tpu.dot_dimension_numbers<[1], [0], [0], [1], [0, 0, 1, 1], [], []>, transpose_lhs_hint = false} : vector<1000x128xf32>, vector<128x128xf32>, vector<1000x128xf32> -> vector<1000x128xf32>
    %get3A_109 = arith.constant 0 : index
    %get3A_110 = arith.constant 0 : index
    %get3A_111 = vector.load %arg4[%get3A_109, %get3A_110] : memref<1x128xf32, #tpu.memory_space<vmem>>, vector<1x128xf32>
    %get3A_112 = vector.shape_cast %get3A_111 : vector<1x128xf32> to vector<128xf32>
    %broadcast_in_dim3A = vector.shape_cast %get3A_112 : vector<128xf32> to vector<1x128xf32>
    %add3A = vector.broadcast %broadcast_in_dim3A : vector<1x128xf32> to vector<1000x128xf32>
    %add3A_113 = arith.addf %dot_general3A_108, %add3A : vector<1000x128xf32>
    %swap3A_114 = arith.constant 0 : index
    %swap3A_115 = arith.constant 0 : index
    %swap3A_116 = vector.load %arg6[%swap3A_114, %swap3A_115] : memref<1000x128xf32, #tpu.memory_space<vmem>>, vector<1000x128xf32>
    tpu.vector_store %arg6[%swap3A_114, %swap3A_115], %add3A_113 {strides = array<i32>} : memref<1000x128xf32, #tpu.memory_space<vmem>>, vector<1000x128xf32>,
    return
  }
  func.func @transform_0(%arg0: i32) -> (i32, i32) {
    %c0_i32 = arith.constant 0 : i32
    %c0_i32_0 = arith.constant 0 : i32
    return %arg0, %c0_i32 : i32, i32
  }
  func.func @transform_1(%arg0: i32) -> (i32, i32, i32) {
    %c0_i32 = arith.constant 0 : i32
    %c0_i32_0 = arith.constant 0 : i32
    %c0_i32_1 = arith.constant 0 : i32
    %c0_i32_2 = arith.constant 0 : i32
    return %c0_i32, %c0_i32_0, %c0_i32_1 : i32, i32, i32
  }
  func.func @transform_2(%arg0: i32) -> (i32, i32) {
    %c0_i32 = arith.constant 0 : i32
    %c0_i32_0 = arith.constant 0 : i32
    %c0_i32_1 = arith.constant 0 : i32
    return %c0_i32, %c0_i32_0 : i32, i32
  }
  func.func @transform_3(%arg0: i32) -> (i32, i32) {
    %c0_i32 = arith.constant 0 : i32
    %c0_i32_0 = arith.constant 0 : i32
    %c0_i32_1 = arith.constant 0 : i32
    return %c0_i32, %c0_i32_0 : i32, i32
  }
  func.func @transform_4(%arg0: i32) -> (i32, i32, i32) {
    %c0_i32 = arith.constant 0 : i32
    %c0_i32_0 = arith.constant 0 : i32
    %c0_i32_1 = arith.constant 0 : i32
    return %arg0, %c0_i32, %c0_i32_0 : i32, i32, i32
  }
  func.func @transform_5(%arg0: i32) -> (i32, i32) {
    %c0_i32 = arith.constant 0 : i32
    %c0_i32_0 = arith.constant 0 : i32
    return %arg0, %c0_i32 : i32, i32
  }
}

module attributes {stable_mosaic.version = 14 : i64} {
  func.func @body(%arg0: i32, %arg1: memref<1000x128xf32, #tpu.memory_space<vmem>>, %arg2: memref<1000x128xf32, #tpu.memory_space<vmem>>, %arg3: memref<1000x128xf32, #tpu.memory_space<vmem>>) attributes {dimension_semantics = [#tpu.dimension_semantics<arbitrary>], iteration_bounds = array<i64: 10>, scalar_prefetch = 0 : i64, scratch_operands = 0 : i64, tpu.core_type = #tpu.core_type<tc>, window_params = [{transform_indices = @transform_0, window_bounds = array<i64: 1000, 128>}, {transform_indices = @transform_1, window_bounds = array<i64: 1000, 128>}, {transform_indices = @transform_2, window_bounds = array<i64: 1000, 128>}]} {
    %get3A = arith.constant 0 : index
    %get3A_0 = arith.constant 0 : index
    %get3A_1 = vector.load %arg1[%get3A, %get3A_0] : memref<1000x128xf32, #tpu.memory_space<vmem>>, vector<1000x128xf32>
    %get3A_2 = arith.constant 0 : index
    %get3A_3 = arith.constant 0 : index
    %get3A_4 = vector.load %arg2[%get3A_2, %get3A_3] : memref<1000x128xf32, #tpu.memory_space<vmem>>, vector<1000x128xf32>
    %add3A = arith.addf %get3A_1, %get3A_4 : vector<1000x128xf32>
    %max3A = arith.constant 0.000000e+00 : f32
    %max3A_5 = vector.broadcast %max3A : f32 to vector<1000x128xf32>
    %max3A_6 = arith.maximumf %add3A, %max3A_5 : vector<1000x128xf32>
    %swap3A = arith.constant 0 : index
    %swap3A_7 = arith.constant 0 : index
    %swap3A_8 = vector.load %arg3[%swap3A, %swap3A_7] : memref<1000x128xf32, #tpu.memory_space<vmem>>, vector<1000x128xf32>
    tpu.vector_store %arg3[%swap3A, %swap3A_7], %max3A_6 {strides = array<i32>} : memref<1000x128xf32, #tpu.memory_space<vmem>>, vector<1000x128xf32>,
    return
  }
  func.func @transform_0(%arg0: i32) -> (i32, i32) {
    %c0_i32 = arith.constant 0 : i32
    %c0_i32_0 = arith.constant 0 : i32
    return %arg0, %c0_i32 : i32, i32
  }
  func.func @transform_1(%arg0: i32) -> (i32, i32) {
    %c0_i32 = arith.constant 0 : i32
    %c0_i32_0 = arith.constant 0 : i32
    return %arg0, %c0_i32 : i32, i32
  }
  func.func @transform_2(%arg0: i32) -> (i32, i32) {
    %c0_i32 = arith.constant 0 : i32
    %c0_i32_0 = arith.constant 0 : i32
    return %arg0, %c0_i32 : i32, i32
  }
}

</mosaic_0001>

<sc_bundles>
// kernel: kernel.10.cloned.1.call-start
scs
__scs_entry_jumppad:
0x0: {  	(pc) =	sbr.rel $0x88, $3  }
0x1: {  	(tag) =	ssettag $0x0;
	lr =	simm.s32 $0x1  }
0x2: {  	[smem:$0x3F9B] =	sst lr;
	_ =	strace $0xD0000000  }
0x3: {  	_ = 	snop  }
0x4: {  	_ = 	snop  }
0x5: {  	_ = 	snop  }
0x6: {  	_ = 	snop  }
0x7: {  	_ = 	snop  }
__scs_overlays_trampoline_lowered:
0x8: {  	[smem:$0x3FAA] =	sst s0  }
0x9: {  	[smem:$0x3FAB] =	sst s1  }
0xa: {  	[smem:$0x3FAC] =	sst s2  }
0xb: {  	[smem:$0x3FAD] =	sst s3  }
0xc: {  	[smem:$0x3FAE] =	sst s4  }
0xd: {  	[smem:$0x3FAF] =	sst s5  }
0xe: {  	[smem:$0x3FB0] =	sst s6  }
0xf: {  	[smem:$0x3FB1] =	sst s7  }
0x10: {  	[smem:$0x3FB2] =	sst s8  }
0x11: {  	[smem:$0x3FB3] =	sst s9;
	s0 =	simm.s32 @!p0 $0x0  }
0x12: {  	s1 =	sld [smem:$0x3F99];
	s0 =	simm.s32 @p0 $0x1  }
0x13: {  	[smem:$0x3FB4] =	sst s0;
	s0 =	simm.s32 @!p1 $0x0  }
0x14: {  	s2 =	sld [smem:$0x3F98];
	s0 =	simm.s32 @p1 $0x1  }
0x15: {  	[smem:$0x3FB5] =	sst s0;
	s0 =	simm.s32 @!p2 $0x0  }
0x16: {  	s3 =	sld [smem:$0x3FDB];
	s0 =	simm.s32 @p2 $0x1  }
0x17: {  	s4 =	simm.s32 $0x1BF5;
	[smem:$0x3FB7] =	sst s0  }
0x18: {  	s0 =	sld [smem:$0x3F9A];
	_ =	swait.ge [sflag:s4], $0x0  }
0x19: {  	s7 =	sld [smem:$0x3F9B]  }
0x1a: {  	s8 =	sadd.s32 $0xFFFFE003, lr  }
0x1b: {  	s9 =	sadd.s32 $0xFFFFFEF7, lr;
	s5 =	simm.s32 $0xFFFFFFFF;
	p2 =	slt.u32 s8, $0xFFFFF086  }
0x1c: {  	p1 =	slt.u32 s9, $0xF7A;
	s5 =	simm.s32 @!p2 $0x0  }
0x1d: {  	s5 =	simm.s32 @p1 $0x1;
	p0 =	seq.s32 s7, s2  }
0x1e: {  	s7 =	smul.u32 @!p0 $0xF7A, s2;
	p2 =	seq.s32 @!p0 s5, $0x0  }
0x1f: {  	s9 =	smul.u32 $0xF7A, s1;
	s8 =	simm.s32 @!p0 $0x1BF5;
	p2 =	por !p2, p0  }
0x20: {  	[sflag:s8] =	ssyncset.s32 @!p0 $0xFFFFF086;
	s6 =	sadd.s32 @!p0 s3, s7;
	s7 =	simm.s32 @!p0 $0x108  }
0x21: {  	s3 =	sadd.s32 s3, s9;
	s6 =	sadd.s32 @!p0 $0x88, s6;
	s7 =	simm.s32 @p2 $0x1082  }
0x22: {  	[simem:s7], [sflag:s8] =	dma.local @!p0 [hbm:s6], $0xF7A  }
0x23: {  	s9 =	sor.u32 $0xD0000000, s2;
	s6 =	simm.s32 $0x108;
	_ =	swait.ge @!p0 [sflag:s8], $0x0  }
0x24: {  	s3 =	sadd.s32 $0x88, s3;
	s6 =	simm.s32 @!p1 $0x1082;
	[sflag:s4] =	ssyncset.s32 $0xFFFFF086  }
0x25: {  	[simem:s6], [sflag:s4] =	dma.local [hbm:s3], $0xF7A  }
0x26: {  	[smem:$0x3F9B] =	sst s1;
	(tag) =	ssettag s2;
	_ =	strace s9  }
0x27: {  	s1 =	sld [smem:$0x3FAB]  }
0x28: {  	s2 =	sld [smem:$0x3FAC]  }
0x29: {  	s4 =	sld [smem:$0x3FAE]  }
0x2a: {  	p0 =	seq.s32 s5, $0x0;
	s5 =	sld [smem:$0x3FAF]  }
0x2b: {  	s6 =	sld [smem:$0x3FB0]  }
0x2c: {  	s7 =	sld [smem:$0x3FB1]  }
0x2d: {  	s3 =	simm.s32 $0x108;
	s8 =	sld [smem:$0x3FB2]  }
0x2e: {  	s3 =	simm.s32 @!p0 $0x1082;
	s9 =	sld [smem:$0x3FB3]  }
0x2f: {  	lr =	sadd.s32 s0, s3;
	s0 =	sld [smem:$0x3FAA]  }
0x30: {  	s3 =	sld [smem:$0x3FAD]  }
0x31: {  	[smem:$0x3FB6] =	sst s10  }
0x32: {  	s10 =	sld [smem:$0x3FB4];
	_ =	sdelay $0x3  }
0x33: {  	p0 =	seq.s32 s10, $0x1;
	s10 =	sld [smem:$0x3FB6];
	_ =	sdelay $0x3  }
0x34: {  	[smem:$0x3FB6] =	sst s10  }
0x35: {  	s10 =	sld [smem:$0x3FB5];
	_ =	sdelay $0x3  }
0x36: {  	p1 =	seq.s32 s10, $0x1;
	s10 =	sld [smem:$0x3FB6];
	_ =	sdelay $0x3  }
0x37: {  	[smem:$0x3FB6] =	sst s10  }
0x38: {  	s10 =	sld [smem:$0x3FB7]  }
0x39: {  	_ = 	snop;
	(pc) =	sbr.ind lr, $3  }
0x3a: {  	_ = 	snop  }
0x3b: {  	_ = 	snop  }
0x3c: {  	p2 =	seq.s32 s10, $0x1;
	s10 =	sld [smem:$0x3FB6]  }
0x3d: {  	_ =	shalt  }
0x3e: {  	_ =	shalt  }
0x3f: {  	_ =	shalt  }
0x40: {  	_ =	shalt  }
0x41: {  	_ =	shalt  }
0x42: {  	_ =	shalt  }
0x43: {  	_ =	shalt  }
0x44: {  	_ =	shalt  }
0x45: {  	_ =	shalt  }
0x46: {  	_ =	shalt  }
0x47: {  	_ =	shalt  }
0x48: {  	_ =	shalt  }
0x49: {  	_ =	shalt  }
0x4a: {  	_ =	shalt  }
0x4b: {  	_ =	shalt  }
0x4c: {  	_ =	shalt  }
0x4d: {  	_ =	shalt  }
0x4e: {  	_ =	shalt  }
0x4f: {  	_ =	shalt  }
0x50: {  	_ =	shalt  }
0x51: {  	_ =	shalt  }
0x52: {  	_ =	shalt  }
0x53: {  	_ =	shalt  }
0x54: {  	_ =	shalt  }
0x55: {  	_ =	shalt  }
0x56: {  	_ =	shalt  }
0x57: {  	_ =	shalt  }
0x58: {  	_ =	shalt  }
0x59: {  	_ =	shalt  }
0x5a: {  	_ =	shalt  }
0x5b: {  	_ =	shalt  }
0x5c: {  	_ =	shalt  }
0x5d: {  	_ =	shalt  }
0x5e: {  	_ =	shalt  }
0x5f: {  	_ =	shalt  }
0x60: {  	_ =	shalt  }
0x61: {  	_ =	shalt  }
0x62: {  	_ =	shalt  }
0x63: {  	_ =	shalt  }
0x64: {  	_ =	shalt  }
0x65: {  	_ =	shalt  }
0x66: {  	_ =	shalt  }
0x67: {  	_ =	shalt  }
0x68: {  	_ =	shalt  }
0x69: {  	_ =	shalt  }
0x6a: {  	_ =	shalt  }
0x6b: {  	_ =	shalt  }
0x6c: {  	_ =	shalt  }
0x6d: {  	_ =	shalt  }
0x6e: {  	_ =	shalt  }
0x6f: {  	_ =	shalt  }
0x70: {  	_ =	shalt  }
0x71: {  	_ =	shalt  }
0x72: {  	_ =	shalt  }
0x73: {  	_ =	shalt  }
0x74: {  	_ =	shalt  }
0x75: {  	_ =	shalt  }
0x76: {  	_ =	shalt  }
0x77: {  	_ =	shalt  }
0x78: {  	_ =	shalt  }
0x79: {  	_ =	shalt  }
0x7a: {  	_ =	shalt  }
0x7b: {  	_ =	shalt  }
0x7c: {  	_ =	shalt  }
0x7d: {  	_ =	shalt  }
0x7e: {  	_ =	shalt  }
0x7f: {  	_ =	shalt  }
0x80: {  	_ =	shalt  }
0x81: {  	_ =	shalt  }
0x82: {  	_ =	shalt  }
0x83: {  	_ =	shalt  }
0x84: {  	_ =	shalt  }
0x85: {  	_ =	shalt  }
0x86: {  	_ =	shalt  }
0x87: {  	_ =	shalt  }
.Lfunc_end0:
.L_simem_size_0:
called_computation.1_lowered:
.L_overlay_start_0:
0x88: {  	s2 =	sld [smem:$0x3FD9]  }
0x89: {  	s3 =	sld [smem:$0x3FFE];
	_ =	sdelay $0x1  }
0x8a: {  	s1 =	srdreg.scid  }
0x8b: {  	s0 =	sand.u32 $0x1, s1  }
0x8c: {  	s17 =	sshll.u32 s0, $0xA;
	s2 =	sadd.s32 s3, s2  }
0x8d: {  	s2 =	sadd.s32 s2, s17  }
0x8e: {  	[smem:$0x3FC2] =	sst s2  }
0x8f: {  	_ = 	snop  }
0x90: {  	s2 =	sld [smem:$0x3FC7]  }
0x91: {  	s18 =	sld [smem:$0x3FD0];
	(tm) =	ssettm $0x1  }
0x92: {  	s4 =	sld [smem:$0x3FFB];
	_ =	sdelay $0x3  }
0x93: {  	_ =	strace s4  }
0x94: {  	s4 =	sld [smem:$0x3FFC];
	_ =	sdelay $0x3  }
0x95: {  	_ =	strace s4  }
0x96: {  	s4 =	sld [smem:$0x3FFD];
	_ =	sdelay $0x3  }
0x97: {  	_ =	strace s4  }
0x98: {  	_ =	strace $0x8FFFFFFF  }
0x99: {  	s19 =	sld [smem:$0x3FDB];
	_ =	sdelay $0x1  }
0x9a: {  	s5 =	simm.s32 $_scs_section_size  }
0x9b: {  	s6 =	simm.s32 $_size__tile_overlayer_lowered;
	s7 =	simm.s32 $_tile_overlayer_lowered  }
0x9c: {  	s22 =	simm.s32 $0x1BFF;
	s21 =	sshll.u32 s7, $0x1;
	s4 =	sadd.s32 s5, s19  }
0x9d: {  	s8 =	simm.s32 $0x0;
	s20 =	sshll.u32 s6, $0x1;
	s6 =	sadd.s32 s21, s4  }
0x9e: {  	[timem:s8], [sflag:s22] =	dma.local [hbm:s6], s20  }
0x9f: {  	_ =	swait.ge [sflag:s22], s20  }
0xa0: {  	s5 =	ssub.s32 $0x0, s20;
	[sflag:s22] =	ssyncset.done $0x0  }
0xa1: {  	[sflag:s22] =	ssyncadd.s32 s5;
	_ =	sdelay $0x1  }
0xa2: {  	s23 =	simm.s32 $0x1B8B  }
0xa3: {  	_ =	swait.ge [sflag:s23], $0x1  }
0xa4: {  	[sflag:s23] =	ssyncset.done $0x0  }
0xa5: {  	s25 =	simm.s32 $0x1B8E;
	s24 =	sld [smem:$0x3FFE];
	[sflag:s23] =	ssyncadd.s32 $0xFFFFFFFF  }
0xa6: {  	s26 =	simm.s32 $execute0_lowered;
	[smem:$0x3FD2] =	sst s25  }
0xa7: {  	s6 =	sshll.u32 s26, $0x1;
	_ =	strace $0x80000049;
	[dreg:$0x1] =	wrdreg $0xFFFFFFFF  }
0xa8: {  	s28 =	simm.s32 $_size_execute0_lowered;
	s4 =	sadd.s32 s4, s6;
	[dreg:$0x0] =	wrdreg $0x0  }
0xa9: {  	s6 =	sshll.u32 s28, $0x1;
	[dreg:$0x2] =	wrdreg s4  }
0xaa: {  	[dreg:$0x3] =	wrdreg s6  }
0xab: {  	[dreg:$0x4] =	wrdreg $0xC0  }
0xac: {  	_ =	task [dreg:s8], $0x5FFFF  }
0xad: {  	[dreg:$0x1] =	wrdreg $0xFFFFFFFF  }
0xae: {  	[dreg:$0x0] =	wrdreg $0x60  }
0xaf: {  	[dreg:$0x2] =	wrdreg s24  }
0xb0: {  	[dreg:$0x3] =	wrdreg s18  }
0xb1: {  	[dreg:$0x4] =	wrdreg s2  }
0xb2: {  	[dreg:$0x5] =	wrdreg $0x1C3000  }
0xb3: {  	[dreg:$0x6] =	wrdreg $0x9  }
0xb4: {  	_ =	task.clear_ibuf [dreg:s8], $0x7FFFF;
	_ =	strace $0x90000049  }
0xb5: {  	s29 =	simm.s32 $0x9;
	_ =	strace $0x8000004B  }
0xb6: {  	_ =	swait.ge [sflag:s29], $0x1  }
0xb7: {  	[sflag:s29] =	ssyncadd.s32 $0xFFFFFFFF  }
0xb8: {  	_ =	strace $0x9000004B  }
0xb9: {  	_ =	sfence  }
0xba: {  	s30 =	sld [smem:$0x0];
	_ =	sdelay $0x2  }
0xbb: {  	s31 =	sshll.u32 s1, $0xD;
	s1 =	sshrl.u32 s1, $0x2  }
0xbc: {  	s3 =	sand.u32 $0x4000, s31;
	s1 =	sadd.s32 s1, s30  }
0xbd: {  	s0 =	sor.u32 s3, s0;
	s1 =	sshll.u32 s1, $0x11  }
0xbe: {  	s0 =	sor.u32 s1, s0  }
0xbf: {  	s0 =	sadd.s32 $0x8F2B, s0  }
0xc0: {  	[sflag:s0] =	ssyncadd.remote.s32 $0x1  }
0xc1: {  	_ =	sfence.sel $0xFFFF  }
0xc2: {  	[dreg:$0x0] =	wrdreg $0xFFFFFFFF;
	(pc) =	sbr.abs _section_cstart, $3  }
0xc3: {  	[dreg:$0x1] =	wrdreg $0xFFFFFFFF  }
0xc4: {  	_ =	task.clear_ibuf [dreg:s8], $0x2FFFF;
	_ =	strace $0x9FFFFFFF  }
0xc5: {  	(tm) =	ssettm $0x7FFFFFFF  }
tec
execute0_lowered:
.L_overlay_start_1:
0x0: {  	(tag) =	ssettag $0x1  }
0x1: {  	s0 =	rddreg [dreg:$0x0]  }
0x2: {  	s3 =	rddreg [dreg:$0x3]  }
0x3: {  	s1 =	simm.s32 $0x0;
	s4 =	srdreg.scid;
	s12 =	stileid.u32  }
0x4: {  	s28 =	simm.s32 $0x15000;
	[smem:$0x7FF] =	sst s1;
	s11 =	sadd.s32 $0xB200, s0  }
0x5: {  	s2 =	sadd.s32 $0xDA00, s0;
	_ =	strace $0x8000004A;
	[dreg:$0x5] =	wrdreg s11  }
0x6: {  	s29 =	simm.s32 $0x16000;
	s13 =	sadd.s32 $0xE200, s0;
	[dreg:$0x6] =	wrdreg s2  }
0x7: {  	s30 =	simm.s32 $0x50;
	s19 =	sadd.s32 $0xB600, s0;
	[dreg:$0x7] =	wrdreg s13  }
0x8: {  	s31 =	simm.s32 $0x17000;
	s20 =	sadd.s32 $0xBA00, s0;
	[dreg:$0xc] =	wrdreg s19  }
0x9: {  	s6 =	sadd.s32 $0x1400, s0;
	s21 =	sadd.s32 $0xBE00, s0;
	[dreg:$0xd] =	wrdreg s20  }
0xa: {  	s7 =	sadd.s32 $0x5B200, s0;
	s22 =	sadd.s32 $0xC200, s0;
	[dreg:$0xe] =	wrdreg s21  }
0xb: {  	s4 =	sand.u32 $0x1, s4;
	s23 =	sadd.s32 $0xC600, s0;
	[dreg:$0xf] =	wrdreg s22  }
0xc: {  	s8 =	smul.u32 $0xE000, s12;
	s24 =	sadd.s32 $0xCA00, s0;
	[dreg:$0x10] =	wrdreg s23  }
0xd: {  	s14 =	smul.u32 $0x70, s12;
	s25 =	sadd.s32 $0xCE00, s0;
	[dreg:$0x11] =	wrdreg s24  }
0xe: {  	p0 =	sne.s32 s12, $0xF;
	s26 =	sadd.s32 $0xD200, s0;
	[dreg:$0x12] =	wrdreg s25  }
0xf: {  	s0 =	sadd.s32 $0xD600, s0;
	s5 =	ssub.s32 $0x2, s4;
	[dreg:$0x13] =	wrdreg s26  }
0x10: {  	s15 =	smul.u32 $0x3, s4;
	s4 =	sadd.s32 $0x38000, s3;
	[dreg:$0x14] =	wrdreg s0  }
0x11: {  	s26 =	simm.s32 $0x5;
	s19 =	simm.s32 $0x2;
	s20 =	simm.s32 $0x17280  }
0x12: {  	s21 =	simm.s32 $0x17180;
	s22 =	simm.s32 $0x3;
	s23 =	simm.s32 $0x4  }
0x13: {  	s2 =	simm.s32 $0x0;
	s9 =	sshrl.u32 s5, $0x1;
	[dreg:$0x8] =	wrdreg s14  }
0x14: {  	s16 =	sshrl.u32 s8, $0x2;
	s14 =	smul.u32 $0x4E20, s12;
	s0 =	sshrl.u32 @!p0 s4, $0x3  }
0x15: {  	s8 =	simm.s32 $0x17080;
	s12 =	simm.s32 $0x0;
	[dreg:$0x9] =	wrdreg s15  }
0x16: {  	s5 =	ssub.s32 s5, s9;
	s17 =	sadd.s32 s16, s3;
	[dreg:$0x15] =	wrdreg s0  }
0x17: {  	s0 =	simm.s32 $0x14000;
	s15 =	simm.s32 $0x19B00;
	s16 =	simm.s32 $0x1  }
0x18: {  	[dreg:$0xa] =	wrdreg s17;
	s18 =	smax.u32 s5, $0x1;
	s5 =	simm.s32 $0x17300  }
0x19: {  	s17 =	simm.s32 $0x17200;
	[dreg:$0xb] =	wrdreg s18;
	s18 =	simm.s32 $0x17100  }
.LBB2_1:
0x1a: {  	[dreg:$0x16] =	wrdreg s2  }
0x1b: {  	s1 =	simm.s32 $0x0;
	s24 =	rddreg [dreg:$0x5]  }
0x1c: {  	[tilespmem:s1], [sflag:$0x5] =	stream.linear.gather [hbm4b:s24+s1], $0x2000, $0x38;
	[tilespmem:$0x1FB40] =	vst v63  }
0x1d: {  	_ =	swait.ge [sflag:s26], $0x2000  }
0x1e: {  	[sflag:s26] =	ssyncset.done $0x0  }
0x1f: {  	s4 =	simm.s32 $0x2000;
	s25 =	rddreg [dreg:$0xc];
	[sflag:s26] =	ssyncadd.s32 $0xFFFFE000  }
0x20: {  	[tilespmem:s4], [sflag:$0x5] =	stream.linear.gather [hbm4b:s25+s1], $0x2000, $0x38;
	[tilespmem:$0x1FB40] =	vst v63  }
0x21: {  	_ =	swait.ge [sflag:s26], $0x2000  }
0x22: {  	[sflag:s26] =	ssyncset.done $0x0  }
0x23: {  	s10 =	simm.s32 $0x4000;
	s9 =	rddreg [dreg:$0xd];
	[sflag:s26] =	ssyncadd.s32 $0xFFFFE000  }
0x24: {  	[tilespmem:s10], [sflag:$0x5] =	stream.linear.gather [hbm4b:s9+s1], $0x2000, $0x38;
	[tilespmem:$0x1FB40] =	vst v63  }
0x25: {  	_ =	swait.ge [sflag:s26], $0x2000  }
0x26: {  	[sflag:s26] =	ssyncset.done $0x0  }
0x27: {  	s13 =	simm.s32 $0x6000;
	s11 =	rddreg [dreg:$0xe];
	[sflag:s26] =	ssyncadd.s32 $0xFFFFE000  }
0x28: {  	[tilespmem:s13], [sflag:$0x5] =	stream.linear.gather [hbm4b:s11+s1], $0x2000, $0x38;
	[tilespmem:$0x1FB40] =	vst v63  }
0x29: {  	_ =	swait.ge [sflag:s26], $0x2000  }
0x2a: {  	[sflag:s26] =	ssyncset.done $0x0  }
0x2b: {  	s25 =	simm.s32 $0x8000;
	s24 =	rddreg [dreg:$0xf];
	[sflag:s26] =	ssyncadd.s32 $0xFFFFE000  }
0x2c: {  	[tilespmem:s25], [sflag:$0x5] =	stream.linear.gather [hbm4b:s24+s1], $0x2000, $0x38;
	[tilespmem:$0x1FB40] =	vst v63  }
0x2d: {  	_ =	swait.ge [sflag:s26], $0x2000  }
0x2e: {  	[sflag:s26] =	ssyncset.done $0x0  }
0x2f: {  	s10 =	simm.s32 $0xA000;
	s9 =	rddreg [dreg:$0x10];
	[sflag:s26] =	ssyncadd.s32 $0xFFFFE000  }
0x30: {  	[tilespmem:s10], [sflag:$0x5] =	stream.linear.gather [hbm4b:s9+s1], $0x2000, $0x38;
	[tilespmem:$0x1FB40] =	vst v63  }
0x31: {  	_ =	swait.ge [sflag:s26], $0x2000  }
0x32: {  	[sflag:s26] =	ssyncset.done $0x0  }
0x33: {  	s13 =	simm.s32 $0xC000;
	s11 =	rddreg [dreg:$0x11];
	[sflag:s26] =	ssyncadd.s32 $0xFFFFE000  }
0x34: {  	[tilespmem:s13], [sflag:$0x5] =	stream.linear.gather [hbm4b:s11+s1], $0x2000, $0x38;
	[tilespmem:$0x1FB40] =	vst v63  }
0x35: {  	_ =	swait.ge [sflag:s26], $0x2000  }
0x36: {  	[sflag:s26] =	ssyncset.done $0x0  }
0x37: {  	s25 =	simm.s32 $0xE000;
	s24 =	rddreg [dreg:$0x12];
	[sflag:s26] =	ssyncadd.s32 $0xFFFFE000  }
0x38: {  	[tilespmem:s25], [sflag:$0x5] =	stream.linear.gather [hbm4b:s24+s1], $0x2000, $0x38;
	[tilespmem:$0x1FB40] =	vst v63  }
0x39: {  	_ =	swait.ge [sflag:s26], $0x2000  }
0x3a: {  	[sflag:s26] =	ssyncset.done $0x0  }
0x3b: {  	s10 =	simm.s32 $0x10000;
	s9 =	rddreg [dreg:$0x13];
	[sflag:s26] =	ssyncadd.s32 $0xFFFFE000  }
0x3c: {  	[tilespmem:s10], [sflag:$0x5] =	stream.linear.gather [hbm4b:s9+s1], $0x2000, $0x38;
	[tilespmem:$0x1FB40] =	vst v63  }
0x3d: {  	_ =	swait.ge [sflag:s26], $0x2000  }
0x3e: {  	s13 =	simm.s32 $0x12000;
	[sflag:s26] =	ssyncset.done $0x0  }
0x3f: {  	s24 =	stileid.u32;
	s11 =	rddreg [dreg:$0x14];
	[sflag:s26] =	ssyncadd.s32 $0xFFFFE000  }
0x40: {  	[tilespmem:s13], [sflag:$0x5] =	stream.linear.gather [hbm4b:s11+s1], $0x2000, $0x38;
	[tilespmem:$0x1FB40] =	vst v63  }
0x41: {  	s25 =	sshll.u32 s24, $0x6;
	_ =	swait.ge [sflag:s26], $0x2000  }
0x42: {  	s4 =	sor.u32 $0x1C05, s25;
	[sflag:s26] =	ssyncset.done $0x0  }
0x43: {  	s9 =	simm.s32 $0x0;
	[dreg:$0x17] =	wrdreg s4;
	[sflag:s26] =	ssyncadd.s32 $0xFFFFE000  }
.LBB2_2:
0x44: {  	s1 =	rddreg [dreg:$0xa]  }
0x45: {  	s2 =	sshrl.u32 s1, $0x3;
	s1 =	rddreg [dreg:$0x6]  }
0x46: {  	[dreg:$0x19] =	wrdreg s2  }
0x47: {  	[spmem:s2], [sflag:s4] =	dma.local [hbm:s1], $0x700  }
0x48: {  	_ =	swait.ge [sflag:s26], $0x700  }
0x49: {  	[sflag:s26] =	ssyncset.done $0x0  }
0x4a: {  	s2 =	rddreg [dreg:$0x15];
	[sflag:s26] =	ssyncadd.s32 $0xFFFFF900  }
0x4b: {  	[spmem:s2], [sflag:s4] =	dma.local @!p0 [hbm:s1], $0x80  }
0x4c: {  	s4 =	simm.s32 @!p0 $0x5;
	[dreg:$0x18] =	wrdreg s9  }
0x4d: {  	s1 =	rddreg [dreg:$0x9];
	_ =	swait.ge @!p0 [sflag:s4], $0x80  }
0x4e: {  	s25 =	sadd.s32 s1, s9;
	[sflag:s4] =	ssyncset.done @!p0 $0x0  }
0x4f: {  	s1 =	smul.u32 $0x700, s25;
	[sflag:s4] =	ssyncadd.s32 @!p0 $0xFFFFFF80  }
0x50: {  	[bflag:$0x0] =	sbarrier.arrive $0xFFFF  }
0x51: {  	s13 =	simm.s32 $0x0;
	[dreg:$0x1a] =	wrdreg s1;
	v0 =	vmov s1  }
.LBB2_3:
0x52: {  	s4 =	smul.u32 $0xFA0, s13;
	_ =	sdelay $0x1  }
0x53: {  	s4 =	sadd.s32 s14, s4  }
0x54: {  	s4 =	sshrl.u32 s4, $0x3  }
0x55: {  	s9 =	sadd.s32 s6, s4  }
0x56: {  	[tilespmem:s0], [sflag:$0x5] =	stream.linear.gather [hbm4b:s9+s12], $0xFA0, $0x38;
	[tilespmem:$0x1FB40] =	vst v63  }
0x57: {  	_ =	swait.ge [sflag:s26], $0xFA0  }
0x58: {  	[sflag:s26] =	ssyncset.done $0x0  }
0x59: {  	[sflag:s26] =	ssyncadd.s32 $0xFFFFF060  }
0x5a: {  	s1 =	rddreg [dreg:$0x1]  }
0x5b: {  	s24 =	sadd.s32 s1, s4  }
0x5c: {  	[tilespmem:s28], [sflag:$0x5] =	stream.linear.gather [hbm4b:s24+s12], $0xFA0, $0x38;
	[tilespmem:$0x1FB40] =	vst v63  }
0x5d: {  	_ =	swait.ge [sflag:s26], $0xFA0  }
0x5e: {  	[sflag:s26] =	ssyncset.done $0x0  }
0x5f: {  	[sflag:s26] =	ssyncadd.s32 $0xFFFFF060  }
0x60: {  	s25 =	rddreg [dreg:$0x2]  }
0x61: {  	s4 =	sadd.s32 s25, s4  }
0x62: {  	[tilespmem:s29], [sflag:$0x5] =	stream.linear.gather [hbm4b:s4+s12], $0xFA0, $0x38;
	[tilespmem:$0x1FB40] =	vst v63  }
0x63: {  	_ =	swait.ge [sflag:s26], $0xFA0  }
0x64: {  	[sflag:s26] =	ssyncset.done $0x0  }
0x65: {  	[sflag:s26] =	ssyncadd.s32 $0xFFFFF060  }
0x66: {  	v1 =	vld [tilespmem:$0x15000]  }
0x67: {  	v3 =	vld [tilespmem:$0x14000]  }
0x68: {  	v2 =	vld [tilespmem:$0x16000];
	_ =	sdelay $0x3  }
0x69: {  	v4 =	vshll.u32 v1, $0x3;
	v3 =	vshll.u32 v3, $0x3  }
0x6a: {  	v1 =	vsub.s32 v1, v0;
	v4 =	vadd.s32 v2, v4;
	v2 =	vadd.s32 v3, v2;
	v3 =	vld [tilespmem:$0x15010]  }
0x6b: {  	v1 =	vmin.u32 v1, $0x700;
	[tilespmem:$0x17000] =	vst v2;
	v2 =	vld [tilespmem:$0x16010]  }
0x6c: {  	[tilespmem:$0x17100] =	vst v1;
	v1 =	vld [tilespmem:$0x14010];
	_ =	sdelay $0x3  }
0x6d: {  	v4 =	vld.idx.msk [tilespmem:v4+s12+$0x0], $0xffff;
	v5 =	vshll.u32 v3, $0x3  }
0x6e: {  	v5 =	vadd.s32 v2, v5;
	v1 =	vshll.u32 v1, $0x3  }
0x6f: {  	v3 =	vsub.s32 v3, v0;
	v1 =	vadd.s32 v1, v2  }
0x70: {  	v2 =	vld [tilespmem:$0x15020];
	[tilespmem:$0x17010] =	vst v1;
	v1 =	vmin.u32 v3, $0x700  }
0x71: {  	v3 =	vld [tilespmem:$0x16020];
	[tilespmem:$0x17110] =	vst v1  }
0x72: {  	v1 =	vld [tilespmem:$0x14020];
	[tilespmem:$0x17200] =	vst v4  }
0x73: {  	v4 =	vld.idx.msk [tilespmem:v5+s12+$0x0], $0xffff;
	_ =	sdelay $0x1  }
0x74: {  	v61 =	vshll.u32 v2, $0x3  }
0x75: {  	v5 =	vadd.s32 v3, v61  }
0x76: {  	v1 =	vshll.u32 v1, $0x3  }
0x77: {  	v2 =	vsub.s32 v2, v0;
	v1 =	vadd.s32 v1, v3;
	v3 =	vld [tilespmem:$0x15030];
	[tilespmem:$0x17210] =	vst v4  }
0x78: {  	[tilespmem:$0x17020] =	vst v1;
	v1 =	vmin.u32 v2, $0x700;
	v2 =	vld [tilespmem:$0x16030]  }
0x79: {  	[tilespmem:$0x17120] =	vst v1;
	v1 =	vld [tilespmem:$0x14030]  }
0x7a: {  	v4 =	vld.idx.msk [tilespmem:v5+s12+$0x0], $0xffff;
	_ =	sdelay $0x1  }
0x7b: {  	v62 =	vshll.u32 v3, $0x3  }
0x7c: {  	v5 =	vadd.s32 v2, v62  }
0x7d: {  	v1 =	vshll.u32 v1, $0x3  }
0x7e: {  	v3 =	vsub.s32 v3, v0;
	[tilespmem:$0x17220] =	vst v4;
	v1 =	vadd.s32 v1, v2;
	v2 =	vld [tilespmem:$0x15040]  }
0x7f: {  	[tilespmem:$0x17030] =	vst v1;
	v1 =	vmin.u32 v3, $0x700;
	v3 =	vld [tilespmem:$0x16040]  }
0x80: {  	[tilespmem:$0x17130] =	vst v1;
	v1 =	vld [tilespmem:$0x14040]  }
0x81: {  	v4 =	vld.idx.msk [tilespmem:v5+s12+$0x0], $0xffff;
	_ =	sdelay $0x1  }
0x82: {  	v63 =	vshll.u32 v2, $0x3  }
0x83: {  	v5 =	vadd.s32 v3, v63  }
0x84: {  	v1 =	vshll.u32 v1, $0x3  }
0x85: {  	v2 =	vsub.s32 v2, v0;
	[tilespmem:$0x17230] =	vst v4;
	v1 =	vadd.s32 v1, v3  }
0x86: {  	[tilespmem:$0x17040] =	vst v1;
	v1 =	vmin.u32 v2, $0x700  }
0x87: {  	[tilespmem:$0x17140] =	vst v1  }
0x88: {  	v1 =	vld.idx.msk [tilespmem:v5+s12+$0x0], $0xffff;
	_ =	sdelay $0x4  }
0x89: {  	s25 =	simm.s32 $0x0;
	[tilespmem:$0x17240] =	vst v1  }
0x8a: {  	[tilespmem:s5], [sflag:$0x1] =	stream.indirect.gather [hbm4b:s7+s30], $0x80, s31, s30, $0xb8;
	[tilespmem:$0x1FB40] =	vst v63  }
.LBB2_4:
0x8b: {  	p1 =	seq.s32 s25, $0x0  }
0x8c: {  	s4 =	simm.s32 @!p1 $0x4  }
0x8d: {  	_ =	swait.ge @!p1 [sflag:s4], $0x2800  }
0x8e: {  	s9 =	smul.u32 $0xA0, s25;
	[sflag:s4] =	ssyncset.done @!p1 $0x0  }
0x8f: {  	[sflag:s4] =	ssyncadd.s32 @!p1 $0xFFFFD800  }
0x90: {  	v1 =	vld [tilespmem:s9+$0x15050]  }
0x91: {  	v2 =	vld [tilespmem:s9+$0x16050]  }
0x92: {  	v3 =	vld [tilespmem:s9+$0x14050];
	_ =	sdelay $0x2  }
0x93: {  	v4 =	vshll.u32 v1, $0x3  }
0x94: {  	v4 =	vadd.s32 v2, v4  }
0x95: {  	v3 =	vshll.u32 v3, $0x3  }
0x96: {  	v1 =	vsub.s32 v1, v0;
	v2 =	vadd.s32 v3, v2  }
0x97: {  	v1 =	vmin.u32 v1, $0x700;
	[tilespmem:$0x17080] =	vst v2  }
0x98: {  	s4 =	simm.s32 $0x0;
	[tilespmem:$0x17180] =	vst v1  }
0x99: {  	v1 =	vld.idx.msk [tilespmem:v4+s4+$0x0], $0xffff;
	_ =	sdelay $0x4  }
0x9a: {  	[tilespmem:$0x17280] =	vst v1  }
0x9b: {  	v1 =	vld [tilespmem:s9+$0x15060]  }
0x9c: {  	v2 =	vld [tilespmem:s9+$0x16060]  }
0x9d: {  	v3 =	vld [tilespmem:s9+$0x14060];
	_ =	sdelay $0x2  }
0x9e: {  	v4 =	vshll.u32 v1, $0x3  }
0x9f: {  	v4 =	vadd.s32 v2, v4  }
0xa0: {  	v3 =	vshll.u32 v3, $0x3  }
0xa1: {  	v1 =	vsub.s32 v1, v0;
	v2 =	vadd.s32 v3, v2  }
0xa2: {  	v1 =	vmin.u32 v1, $0x700;
	[tilespmem:$0x17090] =	vst v2  }
0xa3: {  	[tilespmem:$0x17190] =	vst v1  }
0xa4: {  	v1 =	vld.idx.msk [tilespmem:v4+s4+$0x0], $0xffff;
	_ =	sdelay $0x4  }
0xa5: {  	[tilespmem:$0x17290] =	vst v1  }
0xa6: {  	v1 =	vld [tilespmem:s9+$0x15070]  }
0xa7: {  	v2 =	vld [tilespmem:s9+$0x16070]  }
0xa8: {  	v3 =	vld [tilespmem:s9+$0x14070];
	_ =	sdelay $0x2  }
0xa9: {  	v4 =	vshll.u32 v1, $0x3  }
0xaa: {  	v4 =	vadd.s32 v2, v4  }
0xab: {  	v3 =	vshll.u32 v3, $0x3  }
0xac: {  	v1 =	vsub.s32 v1, v0;
	v2 =	vadd.s32 v3, v2  }
0xad: {  	v1 =	vmin.u32 v1, $0x700;
	[tilespmem:$0x170A0] =	vst v2  }
0xae: {  	[tilespmem:$0x171A0] =	vst v1  }
0xaf: {  	v1 =	vld.idx.msk [tilespmem:v4+s4+$0x0], $0xffff;
	_ =	sdelay $0x4  }
0xb0: {  	s10 =	sand.u32 $0x1FE0, s9;
	[tilespmem:$0x172A0] =	vst v1  }
0xb1: {  	v1 =	vld [tilespmem:s10+$0x15080]  }
0xb2: {  	v2 =	vld [tilespmem:s10+$0x16080]  }
0xb3: {  	v3 =	vld [tilespmem:s10+$0x14080];
	_ =	sdelay $0x2  }
0xb4: {  	v4 =	vshll.u32 v1, $0x3  }
0xb5: {  	v4 =	vadd.s32 v2, v4  }
0xb6: {  	v3 =	vshll.u32 v3, $0x3  }
0xb7: {  	v1 =	vsub.s32 v1, v0;
	v2 =	vadd.s32 v3, v2  }
0xb8: {  	v1 =	vmin.u32 v1, $0x700;
	[tilespmem:$0x170B0] =	vst v2  }
0xb9: {  	[tilespmem:$0x171B0] =	vst v1  }
0xba: {  	v1 =	vld.idx.msk [tilespmem:v4+s4+$0x0], $0xffff;
	_ =	sdelay $0x4  }
0xbb: {  	[tilespmem:$0x172B0] =	vst v1  }
0xbc: {  	v1 =	vld [tilespmem:s9+$0x15090]  }
0xbd: {  	v2 =	vld [tilespmem:s9+$0x16090]  }
0xbe: {  	v3 =	vld [tilespmem:s9+$0x14090];
	_ =	sdelay $0x2  }
0xbf: {  	v4 =	vshll.u32 v1, $0x3  }
0xc0: {  	v4 =	vadd.s32 v2, v4  }
0xc1: {  	v3 =	vshll.u32 v3, $0x3  }
0xc2: {  	v1 =	vsub.s32 v1, v0;
	v2 =	vadd.s32 v3, v2  }
0xc3: {  	v1 =	vmin.u32 v1, $0x700;
	[tilespmem:$0x170C0] =	vst v2  }
0xc4: {  	[tilespmem:$0x171C0] =	vst v1  }
0xc5: {  	v1 =	vld.idx.msk [tilespmem:v4+s4+$0x0], $0xffff;
	_ =	sdelay $0x2  }
0xc6: {  	v2 =	vmov s4  }
0xc7: {  	v2 =	vand.u32 $0xFFFFFFFC, v2  }
0xc8: {  	[tilespmem:$0x172C0] =	vst v1;
	v1 =	vbroadcast v2, $0x0  }
0xc9: {  	[tilespmem:s15], [sflag:$0x2] =	stream.indirect.gather [hbm4b:s7+s30], $0x80, s8, s30, $0xb8;
	[tilespmem:$0x1FB40] =	vst v63  }
0xca: {  	_ =	swait.ge [sflag:s16], $0x2800  }
0xcb: {  	[sflag:s16] =	ssyncset.done $0x0  }
0xcc: {  	s10 =	simm.s32 $0x17400;
	[sflag:s16] =	ssyncadd.s32 $0xFFFFD800  }
0xcd: {  	v2 =	vld [tilespmem:s10+$0xFFFFFF70]  }
0xce: {  	v1 =	vld.idx.msk [tilespmem:v1+s17+$0x0], $0xffff  }
0xcf: {  	v3 =	vld [tilespmem:s10+$0xFFFFFF00]  }
0xd0: {  	v4 =	vld [tilespmem:s10+$0xFFFFFF20]  }
0xd1: {  	v5 =	vld [tilespmem:s10+$0xFFFFFF50]  }
0xd2: {  	v6 =	vld [tilespmem:s10+$0xFFFFFF40]  }
0xd3: {  	v7 =	vld [tilespmem:s10+$0xFFFFFF60];
	v2 =	vmul.f32 v2, v1  }
0xd4: {  	s11 =	simm.s32 $0x1;
	v8 =	vld [tilespmem:s10+$0xFFFFFF30];
	v3 =	vmul.f32 v3, v1  }
0xd5: {  	v9 =	vld [tilespmem:s10+$0xFFFFFF10];
	v4 =	vmul.f32 v4, v1;
	[tilespmem:s10+$0xFFFFFF70] =	vst v2;
	v2 =	vmov s11  }
0xd6: {  	v5 =	vmul.f32 v5, v1;
	[tilespmem:s10+$0xFFFFFF00] =	vst v3;
	v2 =	vand.u32 $0xFFFFFFFD, v2  }
0xd7: {  	v3 =	vmul.f32 v6, v1;
	[tilespmem:s10+$0xFFFFFF20] =	vst v4;
	v2 =	vbroadcast v2, $0x0  }
0xd8: {  	v4 =	vmul.f32 v7, v1;
	[tilespmem:s10+$0xFFFFFF50] =	vst v5  }
0xd9: {  	v5 =	vmul.f32 v8, v1;
	[tilespmem:s10+$0xFFFFFF40] =	vst v3  }
0xda: {  	v1 =	vmul.f32 v9, v1;
	[tilespmem:s10+$0xFFFFFF60] =	vst v4  }
0xdb: {  	[tilespmem:s10+$0xFFFFFF30] =	vst v5  }
0xdc: {  	[tilespmem:s10+$0xFFFFFF10] =	vst v1;
	v1 =	vld [tilespmem:s10+$0xFFFFFF90]  }
0xdd: {  	v3 =	vld.idx.msk [tilespmem:v2+s17+$0x0], $0xffff  }
0xde: {  	v2 =	vld [tilespmem:s10+$0xFFFFFFA0]  }
0xdf: {  	v4 =	vld [tilespmem:s10+$0xFFFFFF80]  }
0xe0: {  	v5 =	vld [tilespmem:s10+$0xFFFFFFB0]  }
0xe1: {  	v6 =	vld [tilespmem:s10+$0xFFFFFFC0]  }
0xe2: {  	v7 =	vld [tilespmem:s10+$0xFFFFFFD0];
	v1 =	vmul.f32 v1, v3  }
0xe3: {  	s24 =	simm.s32 $0x2;
	v8 =	vld [tilespmem:s10+$0xFFFFFFF0];
	v2 =	vmul.f32 v2, v3  }
0xe4: {  	v63 =	vld [tilespmem:s10+$0xFFFFFFE0];
	v4 =	vmul.f32 v4, v3;
	[tilespmem:s10+$0xFFFFFF90] =	vst v1;
	v1 =	vmov s24  }
0xe5: {  	v5 =	vmul.f32 v5, v3;
	[tilespmem:s10+$0xFFFFFFA0] =	vst v2;
	v1 =	vand.u32 $0xFFFFFFFE, v1  }
0xe6: {  	v2 =	vmul.f32 v6, v3;
	[tilespmem:s10+$0xFFFFFF80] =	vst v4;
	v6 =	vld [tilespmem:s10+$0x60];
	v10 =	vbroadcast v1, $0x0  }
0xe7: {  	v4 =	vmul.f32 v7, v3;
	[tilespmem:s10+$0xFFFFFFB0] =	vst v5;
	v7 =	vld [tilespmem:s10+$0x0]  }
0xe8: {  	v5 =	vmul.f32 v8, v3;
	v1 =	vld [tilespmem:s10+$0x20];
	[tilespmem:s10+$0xFFFFFFC0] =	vst v2  }
0xe9: {  	v3 =	vmul.f32 v63, v3;
	v2 =	vld [tilespmem:s10+$0x30];
	[tilespmem:s10+$0xFFFFFFD0] =	vst v4  }
0xea: {  	[tilespmem:s10+$0xFFFFFFF0] =	vst v5;
	v4 =	vld [tilespmem:s10+$0x40]  }
0xeb: {  	[tilespmem:s10+$0xFFFFFFE0] =	vst v3;
	v5 =	vld [tilespmem:s10+$0x10]  }
0xec: {  	s11 =	simm.s32 $0x4;
	s24 =	simm.s32 $0x17400;
	v3 =	vld.idx.msk [tilespmem:v10+s17+$0x0], $0xffff  }
.LBB2_5:
0xed: {  	p1 =	slt.u32 s11, $0x4C  }
0xee: {  	v8 =	vld [tilespmem:s10+$0x50];
	s24 =	sadd.s32 $0x200, s24;
	s1 =	smov.u32 s11;
	s11 =	sadd.s32 $0x4, s11  }
0xef: {  	v9 =	vld [tilespmem:s10+$0x70];
	_ =	sdelay $0x1  }
0xf0: {  	v6 =	vmul.f32 v6, v3;
	v7 =	vmul.f32 v7, v3  }
0xf1: {  	v4 =	vmul.f32 v4, v3;
	v5 =	vmul.f32 v5, v3  }
0xf2: {  	v1 =	vmul.f32 v1, v3;
	v2 =	vmul.f32 v2, v3;
	[tilespmem:s10+$0x60] =	vst v6  }
0xf3: {  	[tilespmem:s10+$0x40] =	vst v4;
	v4 =	vmul.f32 v8, v3;
	v3 =	vmul.f32 v9, v3  }
0xf4: {  	s2 =	sadd.s32 $0x3, s4;
	s4 =	smov.u32 s1;
	[tilespmem:s10+$0x20] =	vst v1;
	v6 =	vld [tilespmem:s10+$0x80]  }
0xf5: {  	v1 =	vld [tilespmem:s24+$0x20];
	[tilespmem:s10+$0x0] =	vst v7;
	v7 =	vmov s2  }
0xf6: {  	[tilespmem:s10+$0x50] =	vst v4;
	v4 =	vld [tilespmem:s10+$0xE0]  }
0xf7: {  	[tilespmem:s10+$0x30] =	vst v2;
	v8 =	vld [tilespmem:s10+$0xC0]  }
0xf8: {  	v2 =	vld [tilespmem:s24+$0x30];
	[tilespmem:s10+$0x10] =	vst v5  }
0xf9: {  	[tilespmem:s10+$0x70] =	vst v3;
	v3 =	vld [tilespmem:s10+$0xA0]  }
0xfa: {  	v5 =	vld.idx.msk [tilespmem:v7+s17+$0x0], $0xffff  }
0xfb: {  	v7 =	vld [tilespmem:s10+$0x90]  }
0xfc: {  	v9 =	vld [tilespmem:s10+$0xB0]  }
0xfd: {  	v10 =	vld [tilespmem:s10+$0xD0]  }
0xfe: {  	v11 =	vld [tilespmem:s10+$0xF0];
	_ =	sdelay $0x1  }
0xff: {  	v6 =	vmul.f32 v6, v5;
	v7 =	vmul.f32 v7, v5  }
0x100: {  	v3 =	vmul.f32 v3, v5;
	v9 =	vmul.f32 v9, v5  }
0x101: {  	v12 =	vmov s4;
	[tilespmem:s10+$0x80] =	vst v6;
	v6 =	vmul.f32 v8, v5;
	v8 =	vmul.f32 v10, v5  }
0x102: {  	v10 =	vand.u32 $0xFFFFFFFC, v12;
	[tilespmem:s10+$0xA0] =	vst v3;
	v3 =	vmul.f32 v4, v5;
	v4 =	vmul.f32 v11, v5  }
0x103: {  	v5 =	vbroadcast v10, $0x0;
	[tilespmem:s10+$0xC0] =	vst v6  }
0x104: {  	[tilespmem:s10+$0xF0] =	vst v4  }
0x105: {  	v4 =	vld [tilespmem:s24+$0xFFFFFF40];
	[tilespmem:s10+$0xE0] =	vst v3  }
0x106: {  	v3 =	vld [tilespmem:s24+$0xFFFFFF50];
	[tilespmem:s10+$0x90] =	vst v7  }
0x107: {  	v6 =	vld [tilespmem:s24+$0xFFFFFF60];
	[tilespmem:s10+$0xB0] =	vst v9  }
0x108: {  	v7 =	vld [tilespmem:s24+$0xFFFFFF70];
	[tilespmem:s10+$0xD0] =	vst v8;
	s10 =	smov.u32 s24  }
0x109: {  	v5 =	vld.idx.msk [tilespmem:v5+s17+$0x0], $0xffff  }
0x10a: {  	v8 =	vld [tilespmem:s24+$0xFFFFFF00]  }
0x10b: {  	v9 =	vld [tilespmem:s24+$0xFFFFFF20]  }
0x10c: {  	v10 =	vld [tilespmem:s24+$0xFFFFFF10]  }
0x10d: {  	v11 =	vld [tilespmem:s24+$0xFFFFFF30];
	_ =	sdelay $0x1  }
0x10e: {  	v7 =	vmul.f32 v7, v5;
	v8 =	vmul.f32 v8, v5  }
0x10f: {  	s1 =	sadd.s32 $0x1, s4;
	v6 =	vmul.f32 v6, v5;
	v9 =	vmul.f32 v9, v5  }
0x110: {  	v3 =	vmul.f32 v3, v5;
	v10 =	vmul.f32 v10, v5;
	[tilespmem:s24+$0xFFFFFF70] =	vst v7;
	v7 =	vmov s1  }
0x111: {  	v4 =	vmul.f32 v4, v5;
	[tilespmem:s24+$0xFFFFFF00] =	vst v8;
	v8 =	vmul.f32 v11, v5;
	v5 =	vand.u32 $0xFFFFFFFD, v7  }
0x112: {  	[tilespmem:s24+$0xFFFFFF20] =	vst v9;
	v5 =	vbroadcast v5, $0x0  }
0x113: {  	[tilespmem:s24+$0xFFFFFF50] =	vst v3  }
0x114: {  	[tilespmem:s24+$0xFFFFFF40] =	vst v4;
	v3 =	vld [tilespmem:s24+$0xFFFFFFF0]  }
0x115: {  	[tilespmem:s24+$0xFFFFFF60] =	vst v6;
	v4 =	vld [tilespmem:s24+$0xFFFFFFC0]  }
0x116: {  	[tilespmem:s24+$0xFFFFFF30] =	vst v8;
	v6 =	vld [tilespmem:s24+$0xFFFFFFD0]  }
0x117: {  	[tilespmem:s24+$0xFFFFFF10] =	vst v10;
	v7 =	vld [tilespmem:s24+$0xFFFFFF90]  }
0x118: {  	v5 =	vld.idx.msk [tilespmem:v5+s17+$0x0], $0xffff  }
0x119: {  	v8 =	vld [tilespmem:s24+$0xFFFFFF80]  }
0x11a: {  	v9 =	vld [tilespmem:s24+$0xFFFFFFA0]  }
0x11b: {  	v10 =	vld [tilespmem:s24+$0xFFFFFFB0]  }
0x11c: {  	v11 =	vld [tilespmem:s24+$0xFFFFFFE0];
	_ =	sdelay $0x1  }
0x11d: {  	v7 =	vmul.f32 v7, v5;
	v8 =	vmul.f32 v8, v5  }
0x11e: {  	s1 =	sadd.s32 $0x2, s4;
	v6 =	vmul.f32 v6, v5;
	v9 =	vmul.f32 v9, v5  }
0x11f: {  	v4 =	vmul.f32 v4, v5;
	[tilespmem:s24+$0xFFFFFF90] =	vst v7;
	v7 =	vmul.f32 v10, v5;
	v10 =	vmov s1  }
0x120: {  	v3 =	vmul.f32 v3, v5;
	[tilespmem:s24+$0xFFFFFFA0] =	vst v9;
	v9 =	vmul.f32 v11, v5;
	v5 =	vand.u32 $0xFFFFFFFE, v10  }
0x121: {  	[tilespmem:s24+$0xFFFFFF80] =	vst v8;
	v5 =	vbroadcast v5, $0x0  }
0x122: {  	[tilespmem:s24+$0xFFFFFFB0] =	vst v7  }
0x123: {  	[tilespmem:s24+$0xFFFFFFC0] =	vst v4  }
0x124: {  	[tilespmem:s24+$0xFFFFFFD0] =	vst v6  }
.Ltmp0:
0x125: {  	[tilespmem:s24+$0xFFFFFFF0] =	vst v3;
	v4 =	vld [tilespmem:s24+$0x40];
	(pc) =	sbr.rel @p1 .LBB2_5-.Ltmp0, $4  }
0x126: {  	[tilespmem:s24+$0xFFFFFFE0] =	vst v9;
	v6 =	vld [tilespmem:s24+$0x60]  }
0x127: {  	v3 =	vld.idx.msk [tilespmem:v5+s17+$0x0], $0xffff  }
0x128: {  	v7 =	vld [tilespmem:s24+$0x0]  }
0x129: {  	v5 =	vld [tilespmem:s24+$0x10]  }
0x12a: {  	_ =	sdelay $0x1  }
0x12b: {  	v6 =	vmul.f32 v6, v3  }
0x12c: {  	v8 =	vld [tilespmem:s10+$0x50];
	v4 =	vmul.f32 v4, v3  }
0x12d: {  	v9 =	vld [tilespmem:s10+$0x70];
	v1 =	vmul.f32 v1, v3;
	[tilespmem:s10+$0x60] =	vst v6  }
0x12e: {  	v6 =	vmul.f32 v7, v3;
	[tilespmem:s10+$0x40] =	vst v4  }
0x12f: {  	s1 =	sadd.s32 $0x3, s4;
	[tilespmem:s10+$0x20] =	vst v1;
	v1 =	vmul.f32 v2, v3  }
0x130: {  	v5 =	vmul.f32 v5, v3;
	[tilespmem:s10+$0x0] =	vst v6;
	v6 =	vmov s1  }
0x131: {  	v4 =	vmul.f32 v8, v3;
	[tilespmem:s10+$0x30] =	vst v1  }
0x132: {  	v3 =	vmul.f32 v9, v3;
	[tilespmem:s10+$0x10] =	vst v5  }
0x133: {  	[tilespmem:s10+$0x50] =	vst v4  }
0x134: {  	v2 =	vld [tilespmem:s10+$0x80];
	[tilespmem:s10+$0x70] =	vst v3  }
0x135: {  	v1 =	vld.idx.msk [tilespmem:v6+s17+$0x0], $0xffff  }
0x136: {  	v3 =	vld [tilespmem:s10+$0xA0]  }
0x137: {  	v4 =	vld [tilespmem:s10+$0xC0]  }
0x138: {  	v5 =	vld [tilespmem:s10+$0xF0]  }
0x139: {  	v6 =	vld [tilespmem:s10+$0xE0]  }
0x13a: {  	v7 =	vld [tilespmem:s10+$0x90];
	v2 =	vmul.f32 v2, v1  }
0x13b: {  	v8 =	vld [tilespmem:s10+$0xB0];
	v3 =	vmul.f32 v3, v1  }
0x13c: {  	v61 =	vld [tilespmem:s10+$0xD0];
	[tilespmem:s10+$0x80] =	vst v2;
	v2 =	vmul.f32 v4, v1  }
0x13d: {  	[tilespmem:s10+$0xA0] =	vst v3;
	v3 =	vmul.f32 v5, v1  }
0x13e: {  	v4 =	vmul.f32 v6, v1;
	[tilespmem:s10+$0xC0] =	vst v2  }
0x13f: {  	v2 =	vmul.f32 v7, v1;
	[tilespmem:s10+$0xF0] =	vst v3  }
0x140: {  	s11 =	simm.s32 $0x0;
	v3 =	vmul.f32 v8, v1;
	[tilespmem:s10+$0xE0] =	vst v4  }
0x141: {  	v1 =	vmul.f32 v61, v1;
	[tilespmem:s10+$0x90] =	vst v2;
	v2 =	vmov s11  }
0x142: {  	[tilespmem:s10+$0xB0] =	vst v3;
	v2 =	vand.u32 $0xFFFFFFFC, v2  }
0x143: {  	[tilespmem:s10+$0xD0] =	vst v1;
	v1 =	vbroadcast v2, $0x0  }
0x144: {  	[spmem:s3] =	stream.indirect.scatter.add.f32 [tilespmem:s5], [sflag:$0x3], $0x80, s18, s30, $0xb8;
	[tilespmem:$0x1FB40] =	vst v63  }
0x145: {  	_ =	swait.ge [sflag:s19], $0x2800  }
0x146: {  	[sflag:s19] =	ssyncset.done $0x0  }
0x147: {  	s4 =	simm.s32 $0x19C00;
	[sflag:s19] =	ssyncadd.s32 $0xFFFFD800  }
0x148: {  	v2 =	vld [tilespmem:s4+$0xFFFFFF70]  }
0x149: {  	v1 =	vld.idx.msk [tilespmem:v1+s20+$0x0], $0xffff  }
0x14a: {  	v3 =	vld [tilespmem:s4+$0xFFFFFF00]  }
0x14b: {  	v4 =	vld [tilespmem:s4+$0xFFFFFF20]  }
0x14c: {  	v5 =	vld [tilespmem:s4+$0xFFFFFF50]  }
0x14d: {  	v6 =	vld [tilespmem:s4+$0xFFFFFF40]  }
0x14e: {  	v7 =	vld [tilespmem:s4+$0xFFFFFF60];
	v2 =	vmul.f32 v2, v1  }
0x14f: {  	s10 =	simm.s32 $0x1;
	v8 =	vld [tilespmem:s4+$0xFFFFFF30];
	v3 =	vmul.f32 v3, v1  }
0x150: {  	v62 =	vld [tilespmem:s4+$0xFFFFFF10];
	v4 =	vmul.f32 v4, v1;
	[tilespmem:s4+$0xFFFFFF70] =	vst v2;
	v2 =	vmov s10  }
0x151: {  	v5 =	vmul.f32 v5, v1;
	[tilespmem:s4+$0xFFFFFF00] =	vst v3;
	v2 =	vand.u32 $0xFFFFFFFD, v2  }
0x152: {  	v3 =	vmul.f32 v6, v1;
	[tilespmem:s4+$0xFFFFFF20] =	vst v4;
	v2 =	vbroadcast v2, $0x0  }
0x153: {  	v4 =	vmul.f32 v7, v1;
	[tilespmem:s4+$0xFFFFFF50] =	vst v5  }
0x154: {  	v5 =	vmul.f32 v8, v1;
	[tilespmem:s4+$0xFFFFFF40] =	vst v3  }
0x155: {  	v1 =	vmul.f32 v62, v1;
	[tilespmem:s4+$0xFFFFFF60] =	vst v4  }
0x156: {  	[tilespmem:s4+$0xFFFFFF30] =	vst v5  }
0x157: {  	[tilespmem:s4+$0xFFFFFF10] =	vst v1;
	v1 =	vld [tilespmem:s4+$0xFFFFFF90]  }
0x158: {  	v3 =	vld.idx.msk [tilespmem:v2+s20+$0x0], $0xffff  }
0x159: {  	v2 =	vld [tilespmem:s4+$0xFFFFFFA0]  }
0x15a: {  	v4 =	vld [tilespmem:s4+$0xFFFFFF80]  }
0x15b: {  	v5 =	vld [tilespmem:s4+$0xFFFFFFB0]  }
0x15c: {  	v6 =	vld [tilespmem:s4+$0xFFFFFFC0]  }
0x15d: {  	v7 =	vld [tilespmem:s4+$0xFFFFFFD0];
	v1 =	vmul.f32 v1, v3  }
0x15e: {  	s24 =	simm.s32 $0x2;
	v8 =	vld [tilespmem:s4+$0xFFFFFFF0];
	v2 =	vmul.f32 v2, v3  }
0x15f: {  	v63 =	vld [tilespmem:s4+$0xFFFFFFE0];
	v4 =	vmul.f32 v4, v3;
	[tilespmem:s4+$0xFFFFFF90] =	vst v1;
	v1 =	vmov s24  }
0x160: {  	v5 =	vmul.f32 v5, v3;
	[tilespmem:s4+$0xFFFFFFA0] =	vst v2;
	v1 =	vand.u32 $0xFFFFFFFE, v1  }
0x161: {  	v2 =	vmul.f32 v6, v3;
	[tilespmem:s4+$0xFFFFFF80] =	vst v4;
	v6 =	vld [tilespmem:s4+$0x60];
	v10 =	vbroadcast v1, $0x0  }
0x162: {  	v4 =	vmul.f32 v7, v3;
	[tilespmem:s4+$0xFFFFFFB0] =	vst v5;
	v7 =	vld [tilespmem:s4+$0x0]  }
0x163: {  	v5 =	vmul.f32 v8, v3;
	v1 =	vld [tilespmem:s4+$0x20];
	[tilespmem:s4+$0xFFFFFFC0] =	vst v2  }
0x164: {  	v3 =	vmul.f32 v63, v3;
	v2 =	vld [tilespmem:s4+$0x30];
	[tilespmem:s4+$0xFFFFFFD0] =	vst v4  }
0x165: {  	[tilespmem:s4+$0xFFFFFFF0] =	vst v5;
	v4 =	vld [tilespmem:s4+$0x40]  }
0x166: {  	[tilespmem:s4+$0xFFFFFFE0] =	vst v3;
	v5 =	vld [tilespmem:s4+$0x10]  }
0x167: {  	s10 =	simm.s32 $0x4;
	s24 =	simm.s32 $0x19C00;
	v3 =	vld.idx.msk [tilespmem:v10+s20+$0x0], $0xffff  }
.LBB2_7:
0x168: {  	p1 =	slt.u32 s10, $0x4C  }
0x169: {  	v8 =	vld [tilespmem:s4+$0x50];
	s24 =	sadd.s32 $0x200, s24;
	s1 =	smov.u32 s10;
	s10 =	sadd.s32 $0x4, s10  }
0x16a: {  	v9 =	vld [tilespmem:s4+$0x70];
	_ =	sdelay $0x1  }
0x16b: {  	v6 =	vmul.f32 v6, v3;
	v7 =	vmul.f32 v7, v3  }
0x16c: {  	v4 =	vmul.f32 v4, v3;
	v5 =	vmul.f32 v5, v3  }
0x16d: {  	v1 =	vmul.f32 v1, v3;
	v2 =	vmul.f32 v2, v3;
	[tilespmem:s4+$0x60] =	vst v6  }
0x16e: {  	[tilespmem:s4+$0x40] =	vst v4;
	v4 =	vmul.f32 v8, v3;
	v3 =	vmul.f32 v9, v3  }
0x16f: {  	s2 =	sadd.s32 $0x3, s11;
	s11 =	smov.u32 s1;
	[tilespmem:s4+$0x20] =	vst v1;
	v6 =	vld [tilespmem:s4+$0x80]  }
0x170: {  	v1 =	vld [tilespmem:s24+$0x20];
	[tilespmem:s4+$0x0] =	vst v7;
	v7 =	vmov s2  }
0x171: {  	[tilespmem:s4+$0x50] =	vst v4;
	v4 =	vld [tilespmem:s4+$0xE0]  }
0x172: {  	[tilespmem:s4+$0x30] =	vst v2;
	v8 =	vld [tilespmem:s4+$0xC0]  }
0x173: {  	v2 =	vld [tilespmem:s24+$0x30];
	[tilespmem:s4+$0x10] =	vst v5  }
0x174: {  	[tilespmem:s4+$0x70] =	vst v3;
	v3 =	vld [tilespmem:s4+$0xA0]  }
0x175: {  	v5 =	vld.idx.msk [tilespmem:v7+s20+$0x0], $0xffff  }
0x176: {  	v7 =	vld [tilespmem:s4+$0x90]  }
0x177: {  	v9 =	vld [tilespmem:s4+$0xB0]  }
0x178: {  	v10 =	vld [tilespmem:s4+$0xD0]  }
0x179: {  	v11 =	vld [tilespmem:s4+$0xF0];
	_ =	sdelay $0x1  }
0x17a: {  	v6 =	vmul.f32 v6, v5;
	v7 =	vmul.f32 v7, v5  }
0x17b: {  	v3 =	vmul.f32 v3, v5;
	v9 =	vmul.f32 v9, v5  }
0x17c: {  	v12 =	vmov s11;
	[tilespmem:s4+$0x80] =	vst v6;
	v6 =	vmul.f32 v8, v5;
	v8 =	vmul.f32 v10, v5  }
0x17d: {  	v10 =	vand.u32 $0xFFFFFFFC, v12;
	[tilespmem:s4+$0xA0] =	vst v3;
	v3 =	vmul.f32 v4, v5;
	v4 =	vmul.f32 v11, v5  }
0x17e: {  	v5 =	vbroadcast v10, $0x0;
	[tilespmem:s4+$0xC0] =	vst v6  }
0x17f: {  	[tilespmem:s4+$0xF0] =	vst v4  }
0x180: {  	v4 =	vld [tilespmem:s24+$0xFFFFFF40];
	[tilespmem:s4+$0xE0] =	vst v3  }
0x181: {  	v3 =	vld [tilespmem:s24+$0xFFFFFF50];
	[tilespmem:s4+$0x90] =	vst v7  }
0x182: {  	v6 =	vld [tilespmem:s24+$0xFFFFFF60];
	[tilespmem:s4+$0xB0] =	vst v9  }
0x183: {  	v7 =	vld [tilespmem:s24+$0xFFFFFF70];
	[tilespmem:s4+$0xD0] =	vst v8;
	s4 =	smov.u32 s24  }
0x184: {  	v5 =	vld.idx.msk [tilespmem:v5+s20+$0x0], $0xffff  }
0x185: {  	v8 =	vld [tilespmem:s24+$0xFFFFFF00]  }
0x186: {  	v9 =	vld [tilespmem:s24+$0xFFFFFF20]  }
0x187: {  	v10 =	vld [tilespmem:s24+$0xFFFFFF10]  }
0x188: {  	v11 =	vld [tilespmem:s24+$0xFFFFFF30];
	_ =	sdelay $0x1  }
0x189: {  	v7 =	vmul.f32 v7, v5;
	v8 =	vmul.f32 v8, v5  }
0x18a: {  	s1 =	sadd.s32 $0x1, s11;
	v6 =	vmul.f32 v6, v5;
	v9 =	vmul.f32 v9, v5  }
0x18b: {  	v3 =	vmul.f32 v3, v5;
	v10 =	vmul.f32 v10, v5;
	[tilespmem:s24+$0xFFFFFF70] =	vst v7;
	v7 =	vmov s1  }
0x18c: {  	v4 =	vmul.f32 v4, v5;
	[tilespmem:s24+$0xFFFFFF00] =	vst v8;
	v8 =	vmul.f32 v11, v5;
	v5 =	vand.u32 $0xFFFFFFFD, v7  }
0x18d: {  	[tilespmem:s24+$0xFFFFFF20] =	vst v9;
	v5 =	vbroadcast v5, $0x0  }
0x18e: {  	[tilespmem:s24+$0xFFFFFF50] =	vst v3  }
0x18f: {  	[tilespmem:s24+$0xFFFFFF40] =	vst v4;
	v3 =	vld [tilespmem:s24+$0xFFFFFFF0]  }
0x190: {  	[tilespmem:s24+$0xFFFFFF60] =	vst v6;
	v4 =	vld [tilespmem:s24+$0xFFFFFFC0]  }
0x191: {  	[tilespmem:s24+$0xFFFFFF30] =	vst v8;
	v6 =	vld [tilespmem:s24+$0xFFFFFFD0]  }
0x192: {  	[tilespmem:s24+$0xFFFFFF10] =	vst v10;
	v7 =	vld [tilespmem:s24+$0xFFFFFF90]  }
0x193: {  	v5 =	vld.idx.msk [tilespmem:v5+s20+$0x0], $0xffff  }
0x194: {  	v8 =	vld [tilespmem:s24+$0xFFFFFF80]  }
0x195: {  	v9 =	vld [tilespmem:s24+$0xFFFFFFA0]  }
0x196: {  	v10 =	vld [tilespmem:s24+$0xFFFFFFB0]  }
0x197: {  	v11 =	vld [tilespmem:s24+$0xFFFFFFE0];
	_ =	sdelay $0x1  }
0x198: {  	v7 =	vmul.f32 v7, v5;
	v8 =	vmul.f32 v8, v5  }
0x199: {  	s1 =	sadd.s32 $0x2, s11;
	v6 =	vmul.f32 v6, v5;
	v9 =	vmul.f32 v9, v5  }
0x19a: {  	v4 =	vmul.f32 v4, v5;
	[tilespmem:s24+$0xFFFFFF90] =	vst v7;
	v7 =	vmul.f32 v10, v5;
	v10 =	vmov s1  }
0x19b: {  	v3 =	vmul.f32 v3, v5;
	[tilespmem:s24+$0xFFFFFFA0] =	vst v9;
	v9 =	vmul.f32 v11, v5;
	v5 =	vand.u32 $0xFFFFFFFE, v10  }
0x19c: {  	[tilespmem:s24+$0xFFFFFF80] =	vst v8;
	v5 =	vbroadcast v5, $0x0  }
0x19d: {  	[tilespmem:s24+$0xFFFFFFB0] =	vst v7  }
0x19e: {  	[tilespmem:s24+$0xFFFFFFC0] =	vst v4  }
0x19f: {  	[tilespmem:s24+$0xFFFFFFD0] =	vst v6  }
.Ltmp1:
0x1a0: {  	[tilespmem:s24+$0xFFFFFFF0] =	vst v3;
	v4 =	vld [tilespmem:s24+$0x40];
	(pc) =	sbr.rel @p1 .LBB2_7-.Ltmp1, $4  }
0x1a1: {  	[tilespmem:s24+$0xFFFFFFE0] =	vst v9;
	v6 =	vld [tilespmem:s24+$0x60]  }
0x1a2: {  	v3 =	vld.idx.msk [tilespmem:v5+s20+$0x0], $0xffff  }
0x1a3: {  	v7 =	vld [tilespmem:s24+$0x0]  }
0x1a4: {  	v5 =	vld [tilespmem:s24+$0x10]  }
0x1a5: {  	_ =	sdelay $0x1  }
0x1a6: {  	v6 =	vmul.f32 v6, v3  }
0x1a7: {  	v8 =	vld [tilespmem:s4+$0x50];
	v4 =	vmul.f32 v4, v3  }
0x1a8: {  	v9 =	vld [tilespmem:s4+$0x70];
	v1 =	vmul.f32 v1, v3;
	[tilespmem:s4+$0x60] =	vst v6  }
0x1a9: {  	v54 =	vmul.f32 v7, v3;
	[tilespmem:s4+$0x40] =	vst v4  }
0x1aa: {  	s1 =	sadd.s32 $0x3, s11;
	[tilespmem:s4+$0x20] =	vst v1;
	v1 =	vmul.f32 v2, v3  }
0x1ab: {  	v56 =	vmov s1;
	v5 =	vmul.f32 v5, v3;
	[tilespmem:s4+$0x0] =	vst v54  }
0x1ac: {  	v55 =	vmul.f32 v8, v3;
	[tilespmem:s4+$0x30] =	vst v1  }
0x1ad: {  	v3 =	vmul.f32 v9, v3;
	[tilespmem:s4+$0x10] =	vst v5  }
0x1ae: {  	[tilespmem:s4+$0x50] =	vst v55  }
0x1af: {  	v2 =	vld [tilespmem:s4+$0x80];
	[tilespmem:s4+$0x70] =	vst v3  }
0x1b0: {  	v1 =	vld.idx.msk [tilespmem:v56+s20+$0x0], $0xffff  }
0x1b1: {  	v3 =	vld [tilespmem:s4+$0xA0]  }
0x1b2: {  	v59 =	vld [tilespmem:s4+$0xE0]  }
0x1b3: {  	v57 =	vld [tilespmem:s4+$0xC0]  }
0x1b4: {  	v58 =	vld [tilespmem:s4+$0xF0]  }
0x1b5: {  	v60 =	vld [tilespmem:s4+$0x90];
	v2 =	vmul.f32 v2, v1  }
0x1b6: {  	v61 =	vld [tilespmem:s4+$0xB0];
	v3 =	vmul.f32 v3, v1  }
0x1b7: {  	v62 =	vld [tilespmem:s4+$0xD0];
	v63 =	vmul.f32 v59, v1;
	[tilespmem:s4+$0x80] =	vst v2  }
0x1b8: {  	v2 =	vmul.f32 v57, v1;
	[tilespmem:s4+$0xA0] =	vst v3  }
0x1b9: {  	v3 =	vmul.f32 v58, v1;
	[tilespmem:s4+$0xE0] =	vst v63  }
0x1ba: {  	[tilespmem:s4+$0xC0] =	vst v2;
	v2 =	vmul.f32 v60, v1  }
0x1bb: {  	[tilespmem:s4+$0xF0] =	vst v3;
	v3 =	vmul.f32 v61, v1  }
0x1bc: {  	v1 =	vmul.f32 v62, v1;
	[tilespmem:s4+$0x90] =	vst v2  }
0x1bd: {  	p1 =	seq.s32 s25, $0x18;
	[tilespmem:s4+$0xB0] =	vst v3  }
0x1be: {  	s1 =	simm.s32 @!p1 $0x3;
	[tilespmem:s4+$0xD0] =	vst v1  }
0x1bf: {  	[spmem:s3] =	stream.indirect.scatter.add.f32 [tilespmem:s15], [sflag:$0x4], $0x80, s21, s30, $0xb8;
	[tilespmem:$0x1FB40] =	vst v63  }
0x1c0: {  	_ =	swait.ge @!p1 [sflag:s1], $0x2800  }
0x1c1: {  	[sflag:s1] =	ssyncset.done @!p1 $0x0  }
0x1c2: {  	[sflag:s1] =	ssyncadd.s32 @!p1 $0xFFFFD800  }
0x1c3: {  	v1 =	vld @!p1 [tilespmem:s9+$0x150A0]  }
0x1c4: {  	v2 =	vld @!p1 [tilespmem:s9+$0x160A0]  }
0x1c5: {  	v3 =	vld @!p1 [tilespmem:s9+$0x140A0];
	_ =	sdelay $0x2  }
0x1c6: {  	v4 =	vshll.u32 @!p1 v1, $0x3  }
0x1c7: {  	v4 =	vadd.s32 @!p1 v2, v4  }
0x1c8: {  	v3 =	vshll.u32 @!p1 v3, $0x3  }
0x1c9: {  	v1 =	vsub.s32 @!p1 v1, v0;
	v2 =	vadd.s32 @!p1 v3, v2  }
0x1ca: {  	v1 =	vmin.u32 @!p1 v1, $0x700;
	[tilespmem:$0x17000] =	vst @!p1 v2  }
0x1cb: {  	s1 =	simm.s32 @!p1 $0x0;
	[tilespmem:$0x17100] =	vst @!p1 v1  }
0x1cc: {  	v1 =	vld.idx.msk @!p1 [tilespmem:v4+s1+$0x0], $0xffff;
	_ =	sdelay $0x4  }
0x1cd: {  	[tilespmem:$0x17200] =	vst @!p1 v1  }
0x1ce: {  	v1 =	vld @!p1 [tilespmem:s9+$0x150B0]  }
0x1cf: {  	v2 =	vld @!p1 [tilespmem:s9+$0x160B0]  }
0x1d0: {  	v3 =	vld @!p1 [tilespmem:s9+$0x140B0];
	_ =	sdelay $0x2  }
0x1d1: {  	v4 =	vshll.u32 @!p1 v1, $0x3  }
0x1d2: {  	v4 =	vadd.s32 @!p1 v2, v4  }
0x1d3: {  	v3 =	vshll.u32 @!p1 v3, $0x3  }
0x1d4: {  	v1 =	vsub.s32 @!p1 v1, v0;
	v2 =	vadd.s32 @!p1 v3, v2  }
0x1d5: {  	v1 =	vmin.u32 @!p1 v1, $0x700;
	[tilespmem:$0x17010] =	vst @!p1 v2  }
0x1d6: {  	[tilespmem:$0x17110] =	vst @!p1 v1  }
0x1d7: {  	v1 =	vld.idx.msk @!p1 [tilespmem:v4+s1+$0x0], $0xffff;
	_ =	sdelay $0x4  }
0x1d8: {  	[tilespmem:$0x17210] =	vst @!p1 v1  }
0x1d9: {  	v1 =	vld @!p1 [tilespmem:s9+$0x150C0]  }
0x1da: {  	v2 =	vld @!p1 [tilespmem:s9+$0x160C0]  }
0x1db: {  	v3 =	vld @!p1 [tilespmem:s9+$0x140C0];
	_ =	sdelay $0x2  }
0x1dc: {  	v4 =	vshll.u32 @!p1 v1, $0x3  }
0x1dd: {  	v4 =	vadd.s32 @!p1 v2, v4  }
0x1de: {  	v3 =	vshll.u32 @!p1 v3, $0x3  }
0x1df: {  	v1 =	vsub.s32 @!p1 v1, v0;
	v2 =	vadd.s32 @!p1 v3, v2  }
0x1e0: {  	v1 =	vmin.u32 @!p1 v1, $0x700;
	[tilespmem:$0x17020] =	vst @!p1 v2  }
0x1e1: {  	[tilespmem:$0x17120] =	vst @!p1 v1  }
0x1e2: {  	v1 =	vld.idx.msk @!p1 [tilespmem:v4+s1+$0x0], $0xffff;
	_ =	sdelay $0x4  }
0x1e3: {  	[tilespmem:$0x17220] =	vst @!p1 v1  }
0x1e4: {  	v1 =	vld @!p1 [tilespmem:s9+$0x150D0]  }
0x1e5: {  	v2 =	vld @!p1 [tilespmem:s9+$0x160D0]  }
0x1e6: {  	v3 =	vld @!p1 [tilespmem:s9+$0x140D0];
	_ =	sdelay $0x2  }
0x1e7: {  	v4 =	vshll.u32 @!p1 v1, $0x3  }
0x1e8: {  	v4 =	vadd.s32 @!p1 v2, v4  }
0x1e9: {  	v3 =	vshll.u32 @!p1 v3, $0x3  }
0x1ea: {  	v1 =	vsub.s32 @!p1 v1, v0;
	v2 =	vadd.s32 @!p1 v3, v2  }
0x1eb: {  	v1 =	vmin.u32 @!p1 v1, $0x700;
	[tilespmem:$0x17030] =	vst @!p1 v2  }
0x1ec: {  	[tilespmem:$0x17130] =	vst @!p1 v1  }
0x1ed: {  	v1 =	vld.idx.msk @!p1 [tilespmem:v4+s1+$0x0], $0xffff;
	_ =	sdelay $0x4  }
0x1ee: {  	[tilespmem:$0x17230] =	vst @!p1 v1  }
0x1ef: {  	v1 =	vld @!p1 [tilespmem:s9+$0x150E0]  }
0x1f0: {  	v2 =	vld @!p1 [tilespmem:s9+$0x160E0]  }
0x1f1: {  	v3 =	vld @!p1 [tilespmem:s9+$0x140E0];
	_ =	sdelay $0x2  }
0x1f2: {  	v4 =	vshll.u32 @!p1 v1, $0x3  }
0x1f3: {  	v4 =	vadd.s32 @!p1 v2, v4  }
0x1f4: {  	v3 =	vshll.u32 @!p1 v3, $0x3  }
0x1f5: {  	v1 =	vsub.s32 @!p1 v1, v0;
	v2 =	vadd.s32 @!p1 v3, v2  }
0x1f6: {  	v1 =	vmin.u32 @!p1 v1, $0x700;
	[tilespmem:$0x17040] =	vst @!p1 v2  }
0x1f7: {  	[tilespmem:$0x17140] =	vst @!p1 v1  }
0x1f8: {  	v1 =	vld.idx.msk @!p1 [tilespmem:v4+s1+$0x0], $0xffff;
	_ =	sdelay $0x3  }
0x1f9: {  	s25 =	sadd.s32 @!p1 $0x1, s25;
	s2 =	simm.s32 @!p1 $0x17000  }
0x1fa: {  	p2 =	sne.s32 @!p1 s25, $0x19;
	s4 =	simm.s32 @!p1 $0x17300;
	s1 =	simm.s32 @!p1 $0x50;
	[tilespmem:$0x17240] =	vst @!p1 v1  }
0x1fb: {  	[tilespmem:s4], [sflag:$0x1] =	stream.indirect.gather @!p1 [hbm4b:s7+s1], $0x80, s2, s1, $0xb8;
	[tilespmem:$0x1FB40] =	vst v63  }
0x1fc: {  	p1 =	por p1, !p2  }
.Ltmp2:
0x1fd: {  	_ = 	snop;
	(pc) =	sbr.rel @!p1 .LBB2_4-.Ltmp2, $1  }
0x1fe: {  	_ =	sdelay $0x3  }
0x1ff: {  	s13 =	sadd.s32 $0x1, s13  }
0x200: {  	_ =	swait.ge [sflag:s22], $0x2800;
	p1 =	sne.s32 s13, $0x5  }
.Ltmp3:
0x201: {  	[sflag:s22] =	ssyncset.done $0x0;
	(pc) =	sbr.rel @p1 .LBB2_3-.Ltmp3, $4  }
0x202: {  	[sflag:s22] =	ssyncadd.s32 $0xFFFFD800  }
0x203: {  	_ =	swait.ge [sflag:s23], $0x2800  }
0x204: {  	[sflag:s23] =	ssyncset.done $0x0  }
0x205: {  	[sflag:s23] =	ssyncadd.s32 $0xFFFFD800  }
0x206: {  	s1 =	rddreg [dreg:$0x8]  }
0x207: {  	s2 =	rddreg [dreg:$0x1a];
	[bflag:$0x0] =	sbarrier.arrive $0xFFFF  }
0x208: {  	s1 =	sadd.s32 s1, s2;
	s24 =	rddreg [dreg:$0x7]  }
0x209: {  	s4 =	rddreg [dreg:$0x17];
	s1 =	sshll.u32 s1, $0x4  }
0x20a: {  	s25 =	rddreg [dreg:$0x19];
	s1 =	sadd.s32 s24, s1  }
0x20b: {  	[hbm:s1], [sflag:s4] =	dma.local [spmem:s25], $0x700  }
0x20c: {  	_ =	swait.ge [sflag:s26], $0x700  }
0x20d: {  	s9 =	rddreg [dreg:$0x18]  }
0x20e: {  	s9 =	sadd.s32 $0x1, s9  }
0x20f: {  	p1 =	sne.s32 s9, $0x3  }
.Ltmp4:
0x210: {  	_ = 	snop;
	(pc) =	sbr.rel @p1 .LBB2_2-.Ltmp4, $3  }
0x211: {  	[sflag:s26] =	ssyncset.done $0x0  }
0x212: {  	[sflag:s26] =	ssyncadd.s32 $0xFFFFF900  }
0x213: {  	[bflag:$0x0] =	sbarrier.arrive $0xFFFF;
	_ =	sdelay $0x1  }
0x214: {  	s2 =	rddreg [dreg:$0x16]  }
0x215: {  	s1 =	rddreg [dreg:$0xb];
	s2 =	sadd.s32 $0x1, s2  }
0x216: {  	p1 =	sne.s32 s2, s1  }
.Ltmp5:
0x217: {  	_ = 	snop;
	(pc) =	sbr.rel @p1 .LBB2_1-.Ltmp5, $1  }
0x218: {  	_ =	sdelay $0x3  }
0x219: {  	_ =	sfence.sel $0x180000  }
0x21a: {  	[bflag:$0x0] =	sbarrier.arrive $0xFFFF  }
0x21b: {  	_ =	strace $0x9000004A  }
0x21c: {  	s0 =	stileid.u32;
	[bflag:$0x2] =	sbarrier.arrive $0xFFFF  }
0x21d: {  	p0 =	sne.s32 s0, $0x0;
	s0 =	rddreg [dreg:$0x4]  }
0x21e: {  	s0 =	sadd.s32 @!p0 $0x100000, s0  }
0x21f: {  	[sflag:s0] =	ssyncadd.tile.s32 @!p0 $0x1;
	_ =	shalt  }
.Lfunc_end2:
_tile_overlayer_lowered:
.L_overlay_start_2:
0x220: {  	(tag) =	ssettag $0x2  }
0x221: {  	s0 =	rddreg [dreg:$0x0];
	s2 =	stileid.u32  }
0x222: {  	s1 =	rddreg [dreg:$0x1];
	p0 =	sne.s32 s2, $0x0  }
0x223: {  	s3 =	rddreg [dreg:$0x2];
	[bflag:$0x3] =	sbarrier.arrive $0xFFFF;
	s2 =	simm.s32 @!p0 $0x1C05  }
0x224: {  	[timem:s3], [sflag:s2] =	dma.local @!p0 [hbm:s0], s1  }
0x225: {  	s0 =	simm.s32 @!p0 $0x5  }
0x226: {  	_ =	swait.ge @!p0 [sflag:s0], s1  }
0x227: {  	s1 =	ssub.s32 @!p0 $0x0, s1;
	[sflag:s0] =	ssyncset.done @!p0 $0x0  }
0x228: {  	[sflag:s0] =	ssyncadd.s32 @!p0 s1  }
0x229: {  	[bflag:$0x3] =	sbarrier.arrive $0xFFFF  }
0x22a: {  	_ =	shalt  }

// kernel: kernel.7.cloned.1.call-start
scs
__scs_entry_jumppad:
0x0: {  	(pc) =	sbr.rel $0x88, $3  }
0x1: {  	(tag) =	ssettag $0x0;
	lr =	simm.s32 $0x1  }
0x2: {  	[smem:$0x3F9B] =	sst lr;
	_ =	strace $0xD0000000  }
0x3: {  	_ = 	snop  }
0x4: {  	_ = 	snop  }
0x5: {  	_ = 	snop  }
0x6: {  	_ = 	snop  }
0x7: {  	_ = 	snop  }
__scs_overlays_trampoline_lowered:
0x8: {  	[smem:$0x3FAA] =	sst s0  }
0x9: {  	[smem:$0x3FAB] =	sst s1  }
0xa: {  	[smem:$0x3FAC] =	sst s2  }
0xb: {  	[smem:$0x3FAD] =	sst s3  }
0xc: {  	[smem:$0x3FAE] =	sst s4  }
0xd: {  	[smem:$0x3FAF] =	sst s5  }
0xe: {  	[smem:$0x3FB0] =	sst s6  }
0xf: {  	[smem:$0x3FB1] =	sst s7  }
0x10: {  	[smem:$0x3FB2] =	sst s8  }
0x11: {  	[smem:$0x3FB3] =	sst s9;
	s0 =	simm.s32 @!p0 $0x0  }
0x12: {  	s1 =	sld [smem:$0x3F99];
	s0 =	simm.s32 @p0 $0x1  }
0x13: {  	[smem:$0x3FB4] =	sst s0;
	s0 =	simm.s32 @!p1 $0x0  }
0x14: {  	s2 =	sld [smem:$0x3F98];
	s0 =	simm.s32 @p1 $0x1  }
0x15: {  	[smem:$0x3FB5] =	sst s0;
	s0 =	simm.s32 @!p2 $0x0  }
0x16: {  	s3 =	sld [smem:$0x3FDB];
	s0 =	simm.s32 @p2 $0x1  }
0x17: {  	s4 =	simm.s32 $0x1BF5;
	[smem:$0x3FB7] =	sst s0  }
0x18: {  	s0 =	sld [smem:$0x3F9A];
	_ =	swait.ge [sflag:s4], $0x0  }
0x19: {  	s7 =	sld [smem:$0x3F9B]  }
0x1a: {  	s8 =	sadd.s32 $0xFFFFE003, lr  }
0x1b: {  	s9 =	sadd.s32 $0xFFFFFEF7, lr;
	s5 =	simm.s32 $0xFFFFFFFF;
	p2 =	slt.u32 s8, $0xFFFFF086  }
0x1c: {  	p1 =	slt.u32 s9, $0xF7A;
	s5 =	simm.s32 @!p2 $0x0  }
0x1d: {  	s5 =	simm.s32 @p1 $0x1;
	p0 =	seq.s32 s7, s2  }
0x1e: {  	s7 =	smul.u32 @!p0 $0xF7A, s2;
	p2 =	seq.s32 @!p0 s5, $0x0  }
0x1f: {  	s9 =	smul.u32 $0xF7A, s1;
	s8 =	simm.s32 @!p0 $0x1BF5;
	p2 =	por !p2, p0  }
0x20: {  	[sflag:s8] =	ssyncset.s32 @!p0 $0xFFFFF086;
	s6 =	sadd.s32 @!p0 s3, s7;
	s7 =	simm.s32 @!p0 $0x108  }
0x21: {  	s3 =	sadd.s32 s3, s9;
	s6 =	sadd.s32 @!p0 $0x88, s6;
	s7 =	simm.s32 @p2 $0x1082  }
0x22: {  	[simem:s7], [sflag:s8] =	dma.local @!p0 [hbm:s6], $0xF7A  }
0x23: {  	s9 =	sor.u32 $0xD0000000, s2;
	s6 =	simm.s32 $0x108;
	_ =	swait.ge @!p0 [sflag:s8], $0x0  }
0x24: {  	s3 =	sadd.s32 $0x88, s3;
	s6 =	simm.s32 @!p1 $0x1082;
	[sflag:s4] =	ssyncset.s32 $0xFFFFF086  }
0x25: {  	[simem:s6], [sflag:s4] =	dma.local [hbm:s3], $0xF7A  }
0x26: {  	[smem:$0x3F9B] =	sst s1;
	(tag) =	ssettag s2;
	_ =	strace s9  }
0x27: {  	s1 =	sld [smem:$0x3FAB]  }
0x28: {  	s2 =	sld [smem:$0x3FAC]  }
0x29: {  	s4 =	sld [smem:$0x3FAE]  }
0x2a: {  	p0 =	seq.s32 s5, $0x0;
	s5 =	sld [smem:$0x3FAF]  }
0x2b: {  	s6 =	sld [smem:$0x3FB0]  }
0x2c: {  	s7 =	sld [smem:$0x3FB1]  }
0x2d: {  	s3 =	simm.s32 $0x108;
	s8 =	sld [smem:$0x3FB2]  }
0x2e: {  	s3 =	simm.s32 @!p0 $0x1082;
	s9 =	sld [smem:$0x3FB3]  }
0x2f: {  	lr =	sadd.s32 s0, s3;
	s0 =	sld [smem:$0x3FAA]  }
0x30: {  	s3 =	sld [smem:$0x3FAD]  }
0x31: {  	[smem:$0x3FB6] =	sst s10  }
0x32: {  	s10 =	sld [smem:$0x3FB4];
	_ =	sdelay $0x3  }
0x33: {  	p0 =	seq.s32 s10, $0x1;
	s10 =	sld [smem:$0x3FB6];
	_ =	sdelay $0x3  }
0x34: {  	[smem:$0x3FB6] =	sst s10  }
0x35: {  	s10 =	sld [smem:$0x3FB5];
	_ =	sdelay $0x3  }
0x36: {  	p1 =	seq.s32 s10, $0x1;
	s10 =	sld [smem:$0x3FB6];
	_ =	sdelay $0x3  }
0x37: {  	[smem:$0x3FB6] =	sst s10  }
0x38: {  	s10 =	sld [smem:$0x3FB7]  }
0x39: {  	_ = 	snop;
	(pc) =	sbr.ind lr, $3  }
0x3a: {  	_ = 	snop  }
0x3b: {  	_ = 	snop  }
0x3c: {  	p2 =	seq.s32 s10, $0x1;
	s10 =	sld [smem:$0x3FB6]  }
0x3d: {  	_ =	shalt  }
0x3e: {  	_ =	shalt  }
0x3f: {  	_ =	shalt  }
0x40: {  	_ =	shalt  }
0x41: {  	_ =	shalt  }
0x42: {  	_ =	shalt  }
0x43: {  	_ =	shalt  }
0x44: {  	_ =	shalt  }
0x45: {  	_ =	shalt  }
0x46: {  	_ =	shalt  }
0x47: {  	_ =	shalt  }
0x48: {  	_ =	shalt  }
0x49: {  	_ =	shalt  }
0x4a: {  	_ =	shalt  }
0x4b: {  	_ =	shalt  }
0x4c: {  	_ =	shalt  }
0x4d: {  	_ =	shalt  }
0x4e: {  	_ =	shalt  }
0x4f: {  	_ =	shalt  }
0x50: {  	_ =	shalt  }
0x51: {  	_ =	shalt  }
0x52: {  	_ =	shalt  }
0x53: {  	_ =	shalt  }
0x54: {  	_ =	shalt  }
0x55: {  	_ =	shalt  }
0x56: {  	_ =	shalt  }
0x57: {  	_ =	shalt  }
0x58: {  	_ =	shalt  }
0x59: {  	_ =	shalt  }
0x5a: {  	_ =	shalt  }
0x5b: {  	_ =	shalt  }
0x5c: {  	_ =	shalt  }
0x5d: {  	_ =	shalt  }
0x5e: {  	_ =	shalt  }
0x5f: {  	_ =	shalt  }
0x60: {  	_ =	shalt  }
0x61: {  	_ =	shalt  }
0x62: {  	_ =	shalt  }
0x63: {  	_ =	shalt  }
0x64: {  	_ =	shalt  }
0x65: {  	_ =	shalt  }
0x66: {  	_ =	shalt  }
0x67: {  	_ =	shalt  }
0x68: {  	_ =	shalt  }
0x69: {  	_ =	shalt  }
0x6a: {  	_ =	shalt  }
0x6b: {  	_ =	shalt  }
0x6c: {  	_ =	shalt  }
0x6d: {  	_ =	shalt  }
0x6e: {  	_ =	shalt  }
0x6f: {  	_ =	shalt  }
0x70: {  	_ =	shalt  }
0x71: {  	_ =	shalt  }
0x72: {  	_ =	shalt  }
0x73: {  	_ =	shalt  }
0x74: {  	_ =	shalt  }
0x75: {  	_ =	shalt  }
0x76: {  	_ =	shalt  }
0x77: {  	_ =	shalt  }
0x78: {  	_ =	shalt  }
0x79: {  	_ =	shalt  }
0x7a: {  	_ =	shalt  }
0x7b: {  	_ =	shalt  }
0x7c: {  	_ =	shalt  }
0x7d: {  	_ =	shalt  }
0x7e: {  	_ =	shalt  }
0x7f: {  	_ =	shalt  }
0x80: {  	_ =	shalt  }
0x81: {  	_ =	shalt  }
0x82: {  	_ =	shalt  }
0x83: {  	_ =	shalt  }
0x84: {  	_ =	shalt  }
0x85: {  	_ =	shalt  }
0x86: {  	_ =	shalt  }
0x87: {  	_ =	shalt  }
.Lfunc_end0:
.L_simem_size_0:
called_computation_lowered:
.L_overlay_start_0:
0x88: {  	s2 =	sld [smem:$0x3FD9]  }
0x89: {  	s3 =	sld [smem:$0x3FFE];
	_ =	sdelay $0x1  }
0x8a: {  	s1 =	srdreg.scid  }
0x8b: {  	s0 =	sand.u32 $0x1, s1  }
0x8c: {  	s17 =	sshll.u32 s0, $0xA;
	s2 =	sadd.s32 s3, s2  }
0x8d: {  	s2 =	sadd.s32 s2, s17  }
0x8e: {  	[smem:$0x3FC2] =	sst s2  }
0x8f: {  	_ = 	snop  }
0x90: {  	s2 =	sld [smem:$0x3FC7]  }
0x91: {  	s18 =	sld [smem:$0x3FD0];
	(tm) =	ssettm $0x1  }
0x92: {  	s4 =	sld [smem:$0x3FFB];
	_ =	sdelay $0x3  }
0x93: {  	_ =	strace s4  }
0x94: {  	s4 =	sld [smem:$0x3FFC];
	_ =	sdelay $0x3  }
0x95: {  	_ =	strace s4  }
0x96: {  	s4 =	sld [smem:$0x3FFD];
	_ =	sdelay $0x3  }
0x97: {  	_ =	strace s4  }
0x98: {  	_ =	strace $0x8FFFFFFF  }
0x99: {  	s19 =	sld [smem:$0x3FDB];
	_ =	sdelay $0x1  }
0x9a: {  	s5 =	simm.s32 $_scs_section_size  }
0x9b: {  	s6 =	simm.s32 $_size__tile_overlayer_lowered;
	s7 =	simm.s32 $_tile_overlayer_lowered  }
0x9c: {  	s22 =	simm.s32 $0x1BFF;
	s21 =	sshll.u32 s7, $0x1;
	s4 =	sadd.s32 s5, s19  }
0x9d: {  	s8 =	simm.s32 $0x0;
	s20 =	sshll.u32 s6, $0x1;
	s6 =	sadd.s32 s21, s4  }
0x9e: {  	[timem:s8], [sflag:s22] =	dma.local [hbm:s6], s20  }
0x9f: {  	_ =	swait.ge [sflag:s22], s20  }
0xa0: {  	s5 =	ssub.s32 $0x0, s20;
	[sflag:s22] =	ssyncset.done $0x0  }
0xa1: {  	[sflag:s22] =	ssyncadd.s32 s5;
	_ =	sdelay $0x1  }
0xa2: {  	s23 =	simm.s32 $0x1B8B  }
0xa3: {  	_ =	swait.ge [sflag:s23], $0x1  }
0xa4: {  	[sflag:s23] =	ssyncset.done $0x0  }
0xa5: {  	s25 =	simm.s32 $0x1B8E;
	s24 =	sld [smem:$0x3FFE];
	[sflag:s23] =	ssyncadd.s32 $0xFFFFFFFF  }
0xa6: {  	s26 =	simm.s32 $execute0_lowered;
	[smem:$0x3FD2] =	sst s25  }
0xa7: {  	s6 =	sshll.u32 s26, $0x1;
	_ =	strace $0x80000046;
	[dreg:$0x1] =	wrdreg $0xFFFFFFFF  }
0xa8: {  	s28 =	simm.s32 $_size_execute0_lowered;
	s4 =	sadd.s32 s4, s6;
	[dreg:$0x0] =	wrdreg $0x0  }
0xa9: {  	s6 =	sshll.u32 s28, $0x1;
	[dreg:$0x2] =	wrdreg s4  }
0xaa: {  	[dreg:$0x3] =	wrdreg s6  }
0xab: {  	[dreg:$0x4] =	wrdreg $0xC0  }
0xac: {  	_ =	task [dreg:s8], $0x5FFFF  }
0xad: {  	[dreg:$0x1] =	wrdreg $0xFFFFFFFF  }
0xae: {  	[dreg:$0x0] =	wrdreg $0x60  }
0xaf: {  	[dreg:$0x2] =	wrdreg s18  }
0xb0: {  	[dreg:$0x3] =	wrdreg s2  }
0xb1: {  	[dreg:$0x4] =	wrdreg s24  }
0xb2: {  	[dreg:$0x5] =	wrdreg $0x9  }
0xb3: {  	_ =	task.clear_ibuf [dreg:s8], $0x6FFFF;
	_ =	strace $0x90000046  }
0xb4: {  	s29 =	simm.s32 $0x9;
	_ =	strace $0x80000048  }
0xb5: {  	_ =	swait.ge [sflag:s29], $0x1  }
0xb6: {  	[sflag:s29] =	ssyncadd.s32 $0xFFFFFFFF  }
0xb7: {  	_ =	strace $0x90000048  }
0xb8: {  	_ =	sfence  }
0xb9: {  	s30 =	sld [smem:$0x0];
	_ =	sdelay $0x2  }
0xba: {  	s31 =	sshll.u32 s1, $0xD;
	s1 =	sshrl.u32 s1, $0x2  }
0xbb: {  	s3 =	sand.u32 $0x4000, s31;
	s1 =	sadd.s32 s1, s30  }
0xbc: {  	s0 =	sor.u32 s3, s0;
	s1 =	sshll.u32 s1, $0x11  }
0xbd: {  	s0 =	sor.u32 s1, s0  }
0xbe: {  	s0 =	sadd.s32 $0x8F2B, s0  }
0xbf: {  	[sflag:s0] =	ssyncadd.remote.s32 $0x1  }
0xc0: {  	_ =	sfence.sel $0xFFFF  }
0xc1: {  	[dreg:$0x0] =	wrdreg $0xFFFFFFFF;
	(pc) =	sbr.abs _section_cstart, $3  }
0xc2: {  	[dreg:$0x1] =	wrdreg $0xFFFFFFFF  }
0xc3: {  	_ =	task.clear_ibuf [dreg:s8], $0x2FFFF;
	_ =	strace $0x9FFFFFFF  }
0xc4: {  	(tm) =	ssettm $0x7FFFFFFF  }
0xc5: {  	_ =	shalt  }
tec
execute0_lowered:
.L_overlay_start_1:
0x0: {  	(tag) =	ssettag $0x1  }
0x1: {  	s2 =	srdreg.scid;
	s1 =	rddreg [dreg:$0x0]  }
0x2: {  	s0 =	stileid.u32;
	s3 =	rddreg [dreg:$0x1]  }
0x3: {  	s7 =	rddreg [dreg:$0x2];
	s10 =	simm.s32 $0x14800;
	s11 =	simm.s32 $0x80  }
0x4: {  	s12 =	simm.s32 $0x400;
	s5 =	sand.u32 $0x1, s2;
	s28 =	sshll.u32 s0, $0x1  }
0x5: {  	s13 =	simm.s32 $0x0;
	s29 =	sshrl.u32 s0, $0x2;
	s6 =	sor.u32 s5, s28  }
0x6: {  	s8 =	smul.u32 $0xA0000, s29;
	s5 =	ssub.s32 $0x2, s5;
	s4 =	sshll.u32 s6, $0x7  }
0x7: {  	s2 =	rddreg [dreg:$0x3];
	s30 =	sshrl.u32 s5, $0x1;
	s9 =	sand.u32 $0x380, s4  }
0x8: {  	s4 =	simm.s32 $0x0;
	s31 =	ssub.s32 s5, s30;
	s8 =	sor.u32 s8, s9  }
0x9: {  	s5 =	smul.u32 $0x2710, s6;
	[smem:$0x7FF] =	sst s4;
	s8 =	sshrl.u32 s8, $0x3  }
0xa: {  	s9 =	simm.s32 $0x1;
	_ =	strace $0x80000047;
	s7 =	sadd.s32 s8, s7  }
0xb: {  	v0 =	vimm.f32 $0.0e+00;
	v1 =	vimm.f32 $1.000000000e+00;
	s8 =	simm.s32 $0x14000;
	s6 =	sadd.s32 $0xB200, s7;
	s7 =	smax.u32 s31, $0x1  }
.LBB2_1:
0xc: {  	s14 =	simm.s32 $0x40;
	s15 =	simm.s32 $0x0  }
.LBB2_2:
0xd: {  	p0 =	sne.s32 s14, $0x4FFC0;
	[tilespmem:s15+$0x0] =	vst v0;
	s15 =	smov.u32 s14;
	s14 =	sadd.s32 $0x40, s14  }
.Ltmp0:
0xe: {  	(pc) =	sbr.rel @p0 .LBB2_2-.Ltmp0, $2  }
0xf: {  	_ =	sdelay $0x2  }
0x10: {  	s15 =	sshra.s32 s15, $0x2  }
0x11: {  	[tilespmem:s15+$0x0] =	vst v0;
	s14 =	simm.s32 $0x0;
	s15 =	simm.s32 $0x0  }
.LBB2_4:
0x12: {  	s16 =	smul.u32 $0x7D0, s15;
	_ =	sdelay $0x1  }
0x13: {  	s16 =	sadd.s32 s5, s16  }
0x14: {  	s16 =	sshrl.u32 s16, $0x3  }
0x15: {  	s17 =	sadd.s32 s1, s16  }
0x16: {  	[tilespmem:s8], [sflag:$0x1] =	stream.linear.gather [hbm4b:s17+s14], $0x7D0, $0x38;
	[tilespmem:$0x15000] =	vst v63  }
0x17: {  	_ =	swait.ge [sflag:s9], $0x7D0  }
0x18: {  	[sflag:s9] =	ssyncset.done $0x0  }
0x19: {  	s16 =	sadd.s32 s3, s16;
	[sflag:s9] =	ssyncadd.s32 $0xFFFFF830  }
0x1a: {  	[tilespmem:s10], [sflag:$0x1] =	stream.linear.gather [hbm4b:s16+s14], $0x7D0, $0x38;
	[tilespmem:$0x15000] =	vst v63  }
0x1b: {  	_ =	swait.ge [sflag:s9], $0x7D0  }
0x1c: {  	[sflag:s9] =	ssyncset.done $0x0  }
0x1d: {  	s17 =	simm.s32 $0x0;
	s16 =	simm.s32 $0x40;
	[sflag:s9] =	ssyncadd.s32 $0xFFFFF830  }
.LBB2_5:
0x1e: {  	p0 =	sne.s32 s16, $0x1F00;
	v2 =	vld [tilespmem:s17+$0x14000]  }
0x1f: {  	v3 =	vld [tilespmem:s17+$0x14800];
	_ =	sdelay $0x3  }
0x20: {  	v2 =	vshll.u32 v2, $0x3  }
0x21: {  	v2 =	vadd.s32 v3, v2  }
.Ltmp1:
0x22: {  	(pc) =	sbr.rel @p0 .LBB2_5-.Ltmp1, $2  }
0x23: {  	_ =	sdelay $0x2  }
0x24: {  	s17 =	sshra.s32 s16, $0x2;
	s16 =	sadd.s32 $0x40, s16;
	[tilespmem:v2+s4+$0x0] =	vst.idx.add.f32.msk $0xffff, v1  }
0x25: {  	v2 =	vld [tilespmem:s17+$0x14000]  }
0x26: {  	v3 =	vld [tilespmem:s17+$0x14800];
	_ =	sdelay $0x3  }
0x27: {  	s15 =	sadd.s32 $0x1, s15;
	v2 =	vshll.u32 v2, $0x3  }
0x28: {  	p0 =	sne.s32 s15, $0x5;
	v2 =	vadd.s32 v3, v2  }
.Ltmp2:
0x29: {  	_ = 	snop;
	(pc) =	sbr.rel @p0 .LBB2_4-.Ltmp2, $2  }
0x2a: {  	_ =	sdelay $0x2  }
0x2b: {  	[tilespmem:v2+s4+$0x0] =	vst.idx.add.f32.msk $0xffff, v1  }
0x2c: {  	s13 =	sadd.s32 $0x1, s13  }
0x2d: {  	p0 =	sne.s32 s13, s7  }
.Ltmp3:
0x2e: {  	_ = 	snop;
	(pc) =	sbr.rel @p0 .LBB2_1-.Ltmp3, $4  }
0x2f: {  	[hbm4b:s6+s11] =	stream.strided.scatter [tilespmem:s4], [sflag:$0x1], $0x14000, s12, s11, $0x38;
	[tilespmem:$0x15000] =	vst v63  }
0x30: {  	_ =	swait.ge [sflag:s9], $0x14000  }
0x31: {  	[sflag:s9] =	ssyncset.done $0x0  }
0x32: {  	[sflag:s9] =	ssyncadd.s32 $0xFFFEC000  }
0x33: {  	_ =	sfence.sel $0x180000  }
0x34: {  	[bflag:$0x0] =	sbarrier.arrive $0xFFFF  }
0x35: {  	p0 =	sne.s32 s0, $0x0;
	_ =	strace $0x90000047  }
0x36: {  	s0 =	sadd.s32 @!p0 $0x100000, s2;
	[bflag:$0x2] =	sbarrier.arrive $0xFFFF  }
0x37: {  	[sflag:s0] =	ssyncadd.tile.s32 @!p0 $0x1;
	_ =	shalt  }
.Lfunc_end2:
_tile_overlayer_lowered:
.L_overlay_start_2:
0x38: {  	(tag) =	ssettag $0x2  }
0x39: {  	s0 =	rddreg [dreg:$0x0];
	s2 =	stileid.u32  }
0x3a: {  	s1 =	rddreg [dreg:$0x1];
	p0 =	sne.s32 s2, $0x0  }
0x3b: {  	s3 =	rddreg [dreg:$0x2];
	[bflag:$0x3] =	sbarrier.arrive $0xFFFF;
	s2 =	simm.s32 @!p0 $0x1C01  }
0x3c: {  	[timem:s3], [sflag:s2] =	dma.local @!p0 [hbm:s0], s1  }
0x3d: {  	s0 =	simm.s32 @!p0 $0x1  }
0x3e: {  	_ =	swait.ge @!p0 [sflag:s0], s1  }
0x3f: {  	s1 =	ssub.s32 @!p0 $0x0, s1;
	[sflag:s0] =	ssyncset.done @!p0 $0x0  }
0x40: {  	[sflag:s0] =	ssyncadd.s32 @!p0 s1  }
0x41: {  	[bflag:$0x3] =	sbarrier.arrive $0xFFFF  }
0x42: {  	_ =	shalt  }

</sc_bundles>
